<compile_context>
chip_gen: v7x
topology: tpu7x:2x2x1
jax: 0.10.2.dev20260603
libtpu: 0.0.44.dev20260713+nightly
codegen_flags: <defaults>
</compile_context>

<pallas_src>
import functools

import jax
import jax.numpy as jnp
from jax.experimental import pallas as pl
from jax.experimental.pallas import tpu as pltpu
from jax.experimental.pallas import tpu_sc as plsc

H = 12
D = 64
W = 64
K = 8
NEG_INF = float("-inf")


def _k1_body(qin, kin, vin, wqt, wkt, wvt, bq2, bk2, bv2,
             qout, kout, vout, qsum):
    sb = pl.program_id(1)
    x = qin[0]
    nt = (((1,), (1,)), ((), ()))
    qout[0] = jax.lax.dot_general(x.astype(jnp.bfloat16), wqt[...], nt,
                                  preferred_element_type=jnp.float32) + bq2[...]
    kfull = jax.lax.dot_general(kin[0], wkt[...], nt,
                                preferred_element_type=jnp.float32) + bk2[...]
    vfull = jax.lax.dot_general(vin[0].astype(jnp.bfloat16), wvt[...], nt,
                                preferred_element_type=jnp.float32) + bv2[...]
    for h in range(H):
        kout[0, h] = kfull[:, h * D:(h + 1) * D]
        vout[0, h] = vfull[:, h * D:(h + 1) * D]
    cs = jnp.sum(x, axis=0, keepdims=True)

    @pl.when(sb == 0)
    def _():
        qsum[0] = cs

    @pl.when(sb != 0)
    def _():
        qsum[0] = qsum[0] + cs


def _k2_body(S, kin, qsum, wqt, bq2, ct, sout):
    qc = jax.lax.dot_general(qsum[0] * (1.0 / S), wqt[...],
                             (((1,), (1,)), ((), ())),
                             preferred_element_type=jnp.float32) + bq2[...]
    blkS = kin.shape[2]
    nwb = blkS // W
    wrow = jax.lax.broadcasted_iota(jnp.int32, (nwb, blkS), 0)
    wcol = jax.lax.broadcasted_iota(jnp.int32, (nwb, blkS), 1) // W
    WinM = (wrow == wcol).astype(jnp.float32)
    cols = []
    for h in range(H):
        qch = qc[:, h * D:(h + 1) * D]
        qn2 = jnp.sum(qch * qch, axis=1, keepdims=True)
        qn = qch * (1.0 / jnp.maximum(jnp.sqrt(qn2), 1e-8))
        kh = kin[0, h]
        d = jnp.sum(kh * qn, axis=1, keepdims=True)
        n2 = jnp.sum(kh * kh, axis=1, keepdims=True)
        invk = 1.0 / jnp.maximum(jnp.sqrt(n2), 1e-8)
        c = (d * invk) ** 2
        cols.append(jnp.dot(WinM, c, preferred_element_type=jnp.float32))
    ws = jnp.concatenate(cols, axis=1)
    temp = jnp.maximum(ct[0, 0], 0.01)
    sout[0] = ws * (1.0 / (W * temp))


def _sc_gather_body(nw, kk, BH,
                    idx_hbm, k_hbm, v_hbm, kf_hbm, vf_hbm,
                    idxw_v, idx8_v, krows_v, vrows_v, sems):
    wid = jax.lax.axis_index("s") * 2 + jax.lax.axis_index("c")

    @pl.when(wid < BH)
    def _():
        pltpu.sync_copy(idx_hbm.at[wid], idxw_v)
        idx8_v[...] = idxw_v[...] + wid * nw
        cpk = pltpu.async_copy(k_hbm.at[idx8_v.at[pl.ds(0, kk)]],
                               krows_v, sems.at[0])
        cpv = pltpu.async_copy(v_hbm.at[idx8_v.at[pl.ds(0, kk)]],
                               vrows_v, sems.at[1])
        cpk.wait()
        cpv.wait()
        pltpu.sync_copy(krows_v, kf_hbm.at[wid])
        pltpu.sync_copy(vrows_v, vf_hbm.at[wid])


def _ktk_body(kk, sref, idx_out, ca_out):
    s = sref[...]
    BH, nw = s.shape
    iota = jax.lax.broadcasted_iota(jnp.int32, (BH, nw), 1)
    vals, idxs = [], []
    for _ in range(kk):
        m = jnp.max(s, axis=1, keepdims=True)
        is_m = s == m
        sel = jnp.min(jnp.where(is_m, iota, nw), axis=1, keepdims=True)
        vals.append(m)
        idxs.append(sel)
        s = jnp.where(iota == sel, NEG_INF, s)
    V = jnp.concatenate(vals, axis=1)
    I = jnp.concatenate(idxs, axis=1)
    mm = jnp.max(V, axis=1, keepdims=True)
    e = jnp.exp(V - mm)
    ca = e / jnp.sum(e, axis=1, keepdims=True)
    pad = idx_out.shape[1] - kk
    zi = jnp.zeros((BH, pad), jnp.int32)
    idx_out[...] = jnp.concatenate([I, zi], axis=1)
    ca_out[...] = jnp.concatenate([ca, zi.astype(jnp.float32)], axis=1)


def _k3_body(scale, kk, q_ref, kf_ref, vf_ref, ca_ref, wot, bo2, out_ref,
             kf_scr, vf_scr):
    blkQ = q_ref.shape[1]
    E = wot.shape[0]
    L = kf_ref.shape[2]
    qb = q_ref[0]
    sc2 = scale * 1.4426950408889634

    @pl.when(pl.program_id(1) == 0)
    def _():
        rowg = jax.lax.broadcasted_iota(jnp.int32, (L, 1), 0) // W
        for h in range(H):
            kf_scr[h] = kf_ref[0, h].astype(jnp.bfloat16)
            cav = jnp.zeros((L, 1), jnp.float32)
            for j in range(kk):
                cav = jnp.where(rowg == j, ca_ref[0, h, j], cav)
            vf_scr[h] = (vf_ref[0, h] * cav).astype(jnp.bfloat16)

    acc = jnp.broadcast_to(bo2[...], (blkQ, E))
    for h in range(H):
        qh = (qb[:, h * D:(h + 1) * D] * sc2).astype(jnp.bfloat16)
        s = jax.lax.dot_general(qh, kf_scr[h], (((1,), (1,)), ((), ())),
                                preferred_element_type=jnp.float32)
        p = jnp.exp2(s)
        z = jnp.sum(p, axis=1, keepdims=True)
        o = jnp.dot(p.astype(jnp.bfloat16), vf_scr[h],
                    preferred_element_type=jnp.float32) / z
        acc = acc + jax.lax.dot_general(
            o.astype(jnp.bfloat16), wot[:, h * D:(h + 1) * D],
            (((1,), (1,)), ((), ())), preferred_element_type=jnp.float32)
    out_ref[0] = acc


def kernel(query, key, value, Wq, bq, Wk, bk, Wv, bv, Wo, bo,
           coarse_temperature):
    B, S, E = query.shape
    nw = S // W
    kk = min(K, nw)
    L = kk * W
    scale = D ** -0.5

    wqt, wkt, wvt, wot = Wq, Wk, Wv, Wo
    bq2, bk2, bv2, bo2 = (x.reshape(1, E) for x in (bq, bk, bv, bo))
    ct = coarse_temperature.reshape(1, 1)

    blkS = min(512, S)
    nS = S // blkS

    q, k, v, qsum = pl.pallas_call(
        _k1_body,
        grid=(B, nS),
        in_specs=[
            pl.BlockSpec((1, blkS, E), lambda b, s: (b, s, 0)),
            pl.BlockSpec((1, blkS, E), lambda b, s: (b, s, 0)),
            pl.BlockSpec((1, blkS, E), lambda b, s: (b, s, 0)),
            pl.BlockSpec((E, E), lambda b, s: (0, 0)),
            pl.BlockSpec((E, E), lambda b, s: (0, 0)),
            pl.BlockSpec((E, E), lambda b, s: (0, 0)),
            pl.BlockSpec((1, E), lambda b, s: (0, 0)),
            pl.BlockSpec((1, E), lambda b, s: (0, 0)),
            pl.BlockSpec((1, E), lambda b, s: (0, 0)),
        ],
        out_specs=[
            pl.BlockSpec((1, blkS, E), lambda b, s: (b, s, 0)),
            pl.BlockSpec((1, H, blkS, D), lambda b, s: (b, 0, s, 0)),
            pl.BlockSpec((1, H, blkS, D), lambda b, s: (b, 0, s, 0)),
            pl.BlockSpec((1, 1, E), lambda b, s: (b, 0, 0)),
        ],
        out_shape=[
            jax.ShapeDtypeStruct((B, S, E), jnp.float32),
            jax.ShapeDtypeStruct((B, H, S, D), jnp.float32),
            jax.ShapeDtypeStruct((B, H, S, D), jnp.float32),
            jax.ShapeDtypeStruct((B, 1, E), jnp.float32),
        ],
    )(query, key, value, wqt.astype(jnp.bfloat16), wkt,
      wvt.astype(jnp.bfloat16), bq2, bk2, bv2)

    nwb = blkS // W
    scores = pl.pallas_call(
        functools.partial(_k2_body, S),
        grid=(B, nS),
        in_specs=[
            pl.BlockSpec((1, H, blkS, D), lambda b, s: (b, 0, s, 0)),
            pl.BlockSpec((1, 1, E), lambda b, s: (b, 0, 0)),
            pl.BlockSpec((E, E), lambda b, s: (0, 0)),
            pl.BlockSpec((1, E), lambda b, s: (0, 0)),
            pl.BlockSpec((1, 1), lambda b, s: (0, 0),
                         memory_space=pltpu.SMEM),
        ],
        out_specs=pl.BlockSpec((1, nwb, H), lambda b, s: (b, s, 0)),
        out_shape=jax.ShapeDtypeStruct((B, nw, H), jnp.float32),
    )(k, qsum, wqt, bq2, ct)

    BH = B * H
    s_bh = scores.transpose(0, 2, 1).reshape(BH, nw)
    idx16, ca16 = pl.pallas_call(
        functools.partial(_ktk_body, kk),
        out_shape=[
            jax.ShapeDtypeStruct((BH, 16), jnp.int32),
            jax.ShapeDtypeStruct((BH, 16), jnp.float32),
        ],
    )(s_bh)

    sc_gather = pl.kernel(
        functools.partial(_sc_gather_body, nw, kk, BH),
        mesh=plsc.VectorSubcoreMesh(core_axis_name="c", subcore_axis_name="s"),
        out_type=[
            jax.ShapeDtypeStruct((BH, kk, W * D), jnp.float32),
            jax.ShapeDtypeStruct((BH, kk, W * D), jnp.float32),
        ],
        scratch_types=[
            pltpu.VMEM((16,), jnp.int32),
            pltpu.VMEM((16,), jnp.int32),
            pltpu.VMEM((kk, W * D), jnp.float32),
            pltpu.VMEM((kk, W * D), jnp.float32),
            pltpu.SemaphoreType.DMA((2,)),
        ],
    )
    kf, vf = sc_gather(idx16, k.reshape(BH * nw, W * D),
                       v.reshape(BH * nw, W * D))
    kf = kf.reshape(B, H, L, D)
    vf = vf.reshape(B, H, L, D)
    ca_s = ca16.reshape(B, H, 16)

    blkQ = min(512, S)
    nQ = S // blkQ
    out = pl.pallas_call(
        functools.partial(_k3_body, scale, kk),
        grid=(B, nQ),
        in_specs=[
            pl.BlockSpec((1, blkQ, E), lambda b, qb: (b, qb, 0)),
            pl.BlockSpec((1, H, L, D), lambda b, qb: (b, 0, 0, 0)),
            pl.BlockSpec((1, H, L, D), lambda b, qb: (b, 0, 0, 0)),
            pl.BlockSpec((1, H, 16), lambda b, qb: (b, 0, 0),
                         memory_space=pltpu.SMEM),
            pl.BlockSpec((E, E), lambda b, qb: (0, 0)),
            pl.BlockSpec((1, E), lambda b, qb: (0, 0)),
        ],
        out_specs=pl.BlockSpec((1, blkQ, E), lambda b, qb: (b, qb, 0)),
        out_shape=jax.ShapeDtypeStruct((B, S, E), jnp.float32),
        scratch_shapes=[
            pltpu.VMEM((H, L, D), jnp.bfloat16),
            pltpu.VMEM((H, L, D), jnp.bfloat16),
        ],
    )(q, kf, vf, ca_s, wot.astype(jnp.bfloat16), bo2)
    return out

# --- scband reference (transcript-rebuilt; emitter-appended) ---
"""Pipeline reference for scband-dcmmsrattention-4131758538941 (READ-ONLY COPY).

The authoritative reference and input builder live on the scoring server;
editing this copy changes nothing except your own understanding.
"""

import jax, jax.numpy as jnp
import numpy as np

EMBED_DIM = 768
NUM_HEADS = 12
HEAD_DIM = EMBED_DIM // NUM_HEADS
WINDOW_SIZE = 64
TOP_K = 8
SCALE = HEAD_DIM ** -0.5


def setup_inputs(seed: int = 0) -> dict:
    key = jax.random.key(seed)
    ks = jax.random.split(key, 12)
    B, S = 2, 8192
    sc = 1.0 / np.sqrt(EMBED_DIM)
    inp = {}
    inp['query'] = jax.random.normal(ks[0], (B, S, EMBED_DIM), jnp.float32)
    inp['key'] = jax.random.normal(ks[1], (B, S, EMBED_DIM), jnp.float32)
    inp['value'] = jax.random.normal(ks[2], (B, S, EMBED_DIM), jnp.float32)
    inp['Wq'] = jax.random.normal(ks[3], (EMBED_DIM, EMBED_DIM), jnp.float32) * sc
    inp['bq'] = jnp.zeros((EMBED_DIM,), jnp.float32)
    inp['Wk'] = jax.random.normal(ks[4], (EMBED_DIM, EMBED_DIM), jnp.float32) * sc
    inp['bk'] = jnp.zeros((EMBED_DIM,), jnp.float32)
    inp['Wv'] = jax.random.normal(ks[5], (EMBED_DIM, EMBED_DIM), jnp.float32) * sc
    inp['bv'] = jnp.zeros((EMBED_DIM,), jnp.float32)
    inp['Wo'] = jax.random.normal(ks[6], (EMBED_DIM, EMBED_DIM), jnp.float32) * sc
    inp['bo'] = jnp.zeros((EMBED_DIM,), jnp.float32)
    inp['coarse_temperature'] = jnp.ones((1,), jnp.float32)
    return inp


def create_windows(x, w):
    N, S, d = x.shape
    pad = (-S) % w
    xp = jnp.pad(x, ((0, 0), (0, pad), (0, 0)))
    mask = jnp.pad(jnp.ones((N, S), dtype=bool), ((0, 0), (0, pad)))
    nw = (S + pad) // w
    return xp.reshape(N, nw, w, d), mask.reshape(N, nw, w), S


def reference(query, key, value, Wq, bq, Wk, bk, Wv, bv, Wo, bo, coarse_temperature):
    B, Sq, _ = query.shape
    _, Skv, _ = key.shape
    q = query @ Wq.T + bq
    k = key @ Wk.T + bk
    v = value @ Wv.T + bv
    q = q.reshape(B, Sq, NUM_HEADS, HEAD_DIM).transpose(0, 2, 1, 3)
    k = k.reshape(B, Skv, NUM_HEADS, HEAD_DIM).transpose(0, 2, 1, 3)
    v = v.reshape(B, Skv, NUM_HEADS, HEAD_DIM).transpose(0, 2, 1, 3)
    k_flat = k.reshape(B * NUM_HEADS, Skv, HEAD_DIM)
    v_flat = v.reshape(B * NUM_HEADS, Skv, HEAD_DIM)
    k_w, wmask, _ = create_windows(k_flat, WINDOW_SIZE)
    v_w, _, _ = create_windows(v_flat, WINDOW_SIZE)
    nw = k_w.shape[1]
    k_w = k_w.reshape(B, NUM_HEADS, nw, WINDOW_SIZE, HEAD_DIM)
    v_w = v_w.reshape(B, NUM_HEADS, nw, WINDOW_SIZE, HEAD_DIM)
    wmask = wmask.reshape(B, NUM_HEADS, nw, WINDOW_SIZE)
    # ensemble density matrices per window: sum_i w_i |k_i><k_i|
    weights = wmask.astype(jnp.float32)
    wsum = jnp.maximum(weights.sum(-1, keepdims=True), 1.0)
    weights = weights / wsum
    kn = k_w / jnp.maximum(jnp.linalg.norm(k_w, axis=-1, keepdims=True), 1e-8)
    ensembles = jnp.einsum('bhnw,bhnwi,bhnwj->bhnij', weights, kn, kn)
    # query pure-state density matrix from mean query
    q_coarse = q.mean(axis=2)
    qn = q_coarse / jnp.maximum(jnp.linalg.norm(q_coarse, axis=-1, keepdims=True), 1e-8)
    query_dm = qn[..., :, None] * qn[..., None, :]
    # classical SWAP-test score: Tr(rho sigma)
    coarse_scores = jnp.einsum('bhij,bhnij->bhn', query_dm, ensembles)
    temp = jnp.maximum(coarse_temperature, 0.01)
    coarse_scores = coarse_scores / temp
    kk = min(TOP_K, nw)
    top_scores, top_idx = jax.lax.top_k(coarse_scores, kk)
    coarse_attn = jax.nn.softmax(top_scores, axis=-1)
    # fine attention over routed windows
    idx = jnp.broadcast_to(top_idx[:, :, :, None, None], (B, NUM_HEADS, kk, WINDOW_SIZE, HEAD_DIM))
    k_sel = jnp.take_along_axis(k_w, idx, axis=2)
    v_sel = jnp.take_along_axis(v_w, idx, axis=2)
    m_idx = jnp.broadcast_to(top_idx[:, :, :, None], (B, NUM_HEADS, kk, WINDOW_SIZE))
    m_sel = jnp.take_along_axis(wmask, m_idx, axis=2)
    k_f = k_sel.reshape(B, NUM_HEADS, kk * WINDOW_SIZE, HEAD_DIM)
    v_f = v_sel.reshape(B, NUM_HEADS, kk * WINDOW_SIZE, HEAD_DIM)
    m_f = m_sel.reshape(B, NUM_HEADS, kk * WINDOW_SIZE)
    scores = jnp.einsum('bhqd,bhld->bhql', q, k_f) * SCALE
    scores = jnp.where(m_f[:, :, None, :], scores, -jnp.inf)
    attn = jax.nn.softmax(scores, axis=-1)
    attn = attn.reshape(B, NUM_HEADS, Sq, kk, WINDOW_SIZE) * coarse_attn[:, :, None, :, None]
    attn = attn.reshape(B, NUM_HEADS, Sq, kk * WINDOW_SIZE)
    out = jnp.einsum('bhql,bhld->bhqd', attn, v_f)
    out = out.transpose(0, 2, 1, 3).reshape(B, Sq, EMBED_DIM)
    out = out @ Wo.T + bo
    return out

if __name__ == "__main__":
    import jax
    _d = setup_inputs()
    print(jax.jit(kernel)(*tuple(_d.values())))

</pallas_src>

<mosaic_0001>
#map = affine_map<(d0, d1) -> (0, 0)>
#map1 = affine_map<(d0, d1) -> (0, 0, 0)>
module attributes {stable_mosaic.version = 14 : i64} {
  func.func @_sc_gather_body(%arg0: i32, %arg1: i32, %arg2: memref<24x16xi32, #tpu.memory_space<hbm>>, %arg3: memref<3072x4096xf32, #tpu.memory_space<hbm>>, %arg4: memref<3072x4096xf32, #tpu.memory_space<hbm>>, %arg5: memref<24x8x4096xf32, #tpu.memory_space<hbm>>, %arg6: memref<24x8x4096xf32, #tpu.memory_space<hbm>>, %arg7: memref<16xi32, #tpu.memory_space<vmem>>, %arg8: memref<16xi32, #tpu.memory_space<vmem>>, %arg9: memref<8x4096xf32, #tpu.memory_space<vmem>>, %arg10: memref<8x4096xf32, #tpu.memory_space<vmem>>, %arg11: memref<2x!tpu.dma_semaphore, #tpu.memory_space<semaphore_mem>>) attributes {dimension_semantics = [#tpu.dimension_semantics<core_parallel>, #tpu.dimension_semantics<subcore_parallel>], iteration_bounds = array<i64: 2, 16>, scalar_prefetch = 0 : i64, scratch_operands = 5 : i64, tpu.core_type = #tpu.core_type<sc_vector_subcore>, window_params = [{transform_indices = #map}, {transform_indices = #map}, {transform_indices = #map}, {transform_indices = #map1}, {transform_indices = #map1}]} {
    %mul3A = arith.constant 2 : i32
    %mul3A_0 = arith.muli %arg1, %mul3A : i32
    %add3A = arith.addi %mul3A_0, %arg0 : i32
    %lt3A = arith.constant 24 : i32
    %lt3A_1 = arith.cmpi slt, %add3A, %lt3A : i32
    %convert_element_type3A = arith.extui %lt3A_1 : i1 to i32
    %cond3A = arith.constant 0 : i32
    %cond3A_2 = arith.cmpi ne, %convert_element_type3A, %cond3A : i32
    scf.if %cond3A_2 {
      "tpu.region"() ({
        %run_scoped3A = tpu.sem_alloc : memref<!tpu.dma_semaphore, #tpu.memory_space<semaphore_mem>>
        %dma_start3A_42 = arith.constant 0 : i32
        %dma_start3A_43 = tpu.memref_slice %arg2[%add3A, %dma_start3A_42] : memref<24x16xi32, #tpu.memory_space<hbm>> -> memref<1x16xi32, #tpu.memory_space<hbm>>
        %dma_start3A_44 = tpu.memref_squeeze %dma_start3A_43 : memref<1x16xi32, #tpu.memory_space<hbm>> -> memref<16xi32, #tpu.memory_space<hbm>>
        %dma_start3A_45 = arith.constant 0 : i32
        %dma_start3A_46 = tpu.memref_slice %arg2[%add3A, %dma_start3A_45] : memref<24x16xi32, #tpu.memory_space<hbm>> -> memref<1x16xi32, #tpu.memory_space<hbm>>
        %dma_start3A_47 = tpu.memref_squeeze %dma_start3A_46 : memref<1x16xi32, #tpu.memory_space<hbm>> -> memref<16xi32, #tpu.memory_space<hbm>>
        tpu.enqueue_dma source(%dma_start3A_47 : memref<16xi32, #tpu.memory_space<hbm>>) target(%arg7 : memref<16xi32, #tpu.memory_space<vmem>>) target_semaphore(%run_scoped3A : memref<!tpu.dma_semaphore, #tpu.memory_space<semaphore_mem>>)
        %dma_wait3A_48 = arith.constant 0 : i32
        %dma_wait3A_49 = tpu.memref_slice %arg2[%add3A, %dma_wait3A_48] : memref<24x16xi32, #tpu.memory_space<hbm>> -> memref<1x16xi32, #tpu.memory_space<hbm>>
        %dma_wait3A_50 = tpu.memref_squeeze %dma_wait3A_49 : memref<1x16xi32, #tpu.memory_space<hbm>> -> memref<16xi32, #tpu.memory_space<hbm>>
        %dma_wait3A_51 = arith.constant 0 : i32
        %dma_wait3A_52 = tpu.memref_slice %arg2[%add3A, %dma_wait3A_51] : memref<24x16xi32, #tpu.memory_space<hbm>> -> memref<1x16xi32, #tpu.memory_space<hbm>>
        %dma_wait3A_53 = tpu.memref_squeeze %dma_wait3A_52 : memref<1x16xi32, #tpu.memory_space<hbm>> -> memref<16xi32, #tpu.memory_space<hbm>>
        tpu.wait_dma2 semaphore(%run_scoped3A : memref<!tpu.dma_semaphore, #tpu.memory_space<semaphore_mem>>) src(%dma_wait3A_53 : memref<16xi32, #tpu.memory_space<hbm>>) dst(%arg7 : memref<16xi32, #tpu.memory_space<vmem>>)
        tpu.yield
      }) : () -> ()
      %get3A = arith.constant 0 : index
      %get3A_3 = tpu.vector_load %arg7[%get3A] {strides = array<i32>} : memref<16xi32, #tpu.memory_space<vmem>>, vector<16xi32>,
      %get3A_4 = vector.shape_cast %get3A_3 : vector<16xi32> to vector<16xi32>
      %mul3A_5 = arith.constant 128 : i32
      %mul3A_6 = arith.muli %add3A, %mul3A_5 : i32
      %add3A_7 = vector.broadcast %mul3A_6 : i32 to vector<16xi32>
      %add3A_8 = arith.addi %get3A_4, %add3A_7 : vector<16xi32>
      %swap3A = arith.constant 0 : index
      %swap3A_9 = tpu.vector_load %arg8[%swap3A] {strides = array<i32>} : memref<16xi32, #tpu.memory_space<vmem>>, vector<16xi32>,
      %swap3A_10 = vector.shape_cast %swap3A_9 : vector<16xi32> to vector<16xi32>
      %swap3A_11 = vector.shape_cast %add3A_8 : vector<16xi32> to vector<16xi32>
      tpu.vector_store %arg8[%swap3A], %swap3A_11 {strides = array<i32>} : memref<16xi32, #tpu.memory_space<vmem>>, vector<16xi32>,
      %dma_start3A = arith.constant 0 : i32
      %dma_start3A_12 = arith.constant 0 : i32
      %dma_start3A_13 = tpu.memref_slice %arg8[%dma_start3A_12] : memref<16xi32, #tpu.memory_space<vmem>> -> memref<8xi32, #tpu.memory_space<vmem>>
      %dma_start3A_14 = arith.constant 0 : i32
      %dma_start3A_15 = arith.constant 0 : i32
      %dma_start3A_16 = tpu.memref_slice %arg3[%dma_start3A_14, %dma_start3A_15] : memref<3072x4096xf32, #tpu.memory_space<hbm>> -> memref<3072x4096xf32, #tpu.memory_space<hbm>>
      %dma_start3A_17 = tpu.memref_slice %arg11[%dma_start3A] : memref<2x!tpu.dma_semaphore, #tpu.memory_space<semaphore_mem>> -> memref<1x!tpu.dma_semaphore, #tpu.memory_space<semaphore_mem>>
      %dma_start3A_18 = tpu.memref_squeeze %dma_start3A_17 : memref<1x!tpu.dma_semaphore, #tpu.memory_space<semaphore_mem>> -> memref<!tpu.dma_semaphore, #tpu.memory_space<semaphore_mem>>
      tpu.enqueue_indirect_dma source(%dma_start3A_16 : memref<3072x4096xf32, #tpu.memory_space<hbm>>) target(%arg9 : memref<8x4096xf32, #tpu.memory_space<vmem>>) offsets(%dma_start3A_13 : memref<8xi32, #tpu.memory_space<vmem>>) semaphore(%dma_start3A_18 : memref<!tpu.dma_semaphore, #tpu.memory_space<semaphore_mem>>)
      %dma_start3A_19 = arith.constant 1 : i32
      %dma_start3A_20 = arith.constant 0 : i32
      %dma_start3A_21 = tpu.memref_slice %arg8[%dma_start3A_20] : memref<16xi32, #tpu.memory_space<vmem>> -> memref<8xi32, #tpu.memory_space<vmem>>
      %dma_start3A_22 = arith.constant 0 : i32
      %dma_start3A_23 = arith.constant 0 : i32
      %dma_start3A_24 = tpu.memref_slice %arg4[%dma_start3A_22, %dma_start3A_23] : memref<3072x4096xf32, #tpu.memory_space<hbm>> -> memref<3072x4096xf32, #tpu.memory_space<hbm>>
      %dma_start3A_25 = tpu.memref_slice %arg11[%dma_start3A_19] : memref<2x!tpu.dma_semaphore, #tpu.memory_space<semaphore_mem>> -> memref<1x!tpu.dma_semaphore, #tpu.memory_space<semaphore_mem>>
      %dma_start3A_26 = tpu.memref_squeeze %dma_start3A_25 : memref<1x!tpu.dma_semaphore, #tpu.memory_space<semaphore_mem>> -> memref<!tpu.dma_semaphore, #tpu.memory_space<semaphore_mem>>
      tpu.enqueue_indirect_dma source(%dma_start3A_24 : memref<3072x4096xf32, #tpu.memory_space<hbm>>) target(%arg10 : memref<8x4096xf32, #tpu.memory_space<vmem>>) offsets(%dma_start3A_21 : memref<8xi32, #tpu.memory_space<vmem>>) semaphore(%dma_start3A_26 : memref<!tpu.dma_semaphore, #tpu.memory_space<semaphore_mem>>)
      %dma_wait3A = arith.constant 0 : i32
      %dma_wait3A_27 = arith.constant 0 : i32
      %dma_wait3A_28 = tpu.memref_slice %arg8[%dma_wait3A_27] : memref<16xi32, #tpu.memory_space<vmem>> -> memref<8xi32, #tpu.memory_space<vmem>>
      %dma_wait3A_29 = arith.constant 0 : i32
      %dma_wait3A_30 = arith.constant 0 : i32
      %dma_wait3A_31 = tpu.memref_slice %arg3[%dma_wait3A_29, %dma_wait3A_30] : memref<3072x4096xf32, #tpu.memory_space<hbm>> -> memref<3072x4096xf32, #tpu.memory_space<hbm>>
      %dma_wait3A_32 = tpu.memref_slice %arg11[%dma_wait3A] : memref<2x!tpu.dma_semaphore, #tpu.memory_space<semaphore_mem>> -> memref<1x!tpu.dma_semaphore, #tpu.memory_space<semaphore_mem>>
      %dma_wait3A_33 = tpu.memref_squeeze %dma_wait3A_32 : memref<1x!tpu.dma_semaphore, #tpu.memory_space<semaphore_mem>> -> memref<!tpu.dma_semaphore, #tpu.memory_space<semaphore_mem>>
      tpu.wait_indirect_dma semaphore(%dma_wait3A_33 : memref<!tpu.dma_semaphore, #tpu.memory_space<semaphore_mem>>) src(%dma_wait3A_31 : memref<3072x4096xf32, #tpu.memory_space<hbm>>) dst(%arg9 : memref<8x4096xf32, #tpu.memory_space<vmem>>)
      %dma_wait3A_34 = arith.constant 1 : i32
      %dma_wait3A_35 = arith.constant 0 : i32
      %dma_wait3A_36 = tpu.memref_slice %arg8[%dma_wait3A_35] : memref<16xi32, #tpu.memory_space<vmem>> -> memref<8xi32, #tpu.memory_space<vmem>>
      %dma_wait3A_37 = arith.constant 0 : i32
      %dma_wait3A_38 = arith.constant 0 : i32
      %dma_wait3A_39 = tpu.memref_slice %arg4[%dma_wait3A_37, %dma_wait3A_38] : memref<3072x4096xf32, #tpu.memory_space<hbm>> -> memref<3072x4096xf32, #tpu.memory_space<hbm>>
      %dma_wait3A_40 = tpu.memref_slice %arg11[%dma_wait3A_34] : memref<2x!tpu.dma_semaphore, #tpu.memory_space<semaphore_mem>> -> memref<1x!tpu.dma_semaphore, #tpu.memory_space<semaphore_mem>>
      %dma_wait3A_41 = tpu.memref_squeeze %dma_wait3A_40 : memref<1x!tpu.dma_semaphore, #tpu.memory_space<semaphore_mem>> -> memref<!tpu.dma_semaphore, #tpu.memory_space<semaphore_mem>>
      tpu.wait_indirect_dma semaphore(%dma_wait3A_41 : memref<!tpu.dma_semaphore, #tpu.memory_space<semaphore_mem>>) src(%dma_wait3A_39 : memref<3072x4096xf32, #tpu.memory_space<hbm>>) dst(%arg10 : memref<8x4096xf32, #tpu.memory_space<vmem>>)
      "tpu.region"() ({
        %run_scoped3A = tpu.sem_alloc : memref<!tpu.dma_semaphore, #tpu.memory_space<semaphore_mem>>
        %dma_start3A_42 = arith.constant 0 : i32
        %dma_start3A_43 = arith.constant 0 : i32
        %dma_start3A_44 = tpu.memref_slice %arg5[%add3A, %dma_start3A_42, %dma_start3A_43] : memref<24x8x4096xf32, #tpu.memory_space<hbm>> -> memref<1x8x4096xf32, #tpu.memory_space<hbm>>
        %dma_start3A_45 = tpu.memref_squeeze %dma_start3A_44 : memref<1x8x4096xf32, #tpu.memory_space<hbm>> -> memref<8x4096xf32, #tpu.memory_space<hbm>>
        %dma_start3A_46 = arith.constant 0 : i32
        %dma_start3A_47 = arith.constant 0 : i32
        %dma_start3A_48 = tpu.memref_slice %arg5[%add3A, %dma_start3A_46, %dma_start3A_47] : memref<24x8x4096xf32, #tpu.memory_space<hbm>> -> memref<1x8x4096xf32, #tpu.memory_space<hbm>>
        %dma_start3A_49 = tpu.memref_squeeze %dma_start3A_48 : memref<1x8x4096xf32, #tpu.memory_space<hbm>> -> memref<8x4096xf32, #tpu.memory_space<hbm>>
        tpu.enqueue_dma source(%arg9 : memref<8x4096xf32, #tpu.memory_space<vmem>>) target(%dma_start3A_49 : memref<8x4096xf32, #tpu.memory_space<hbm>>) target_semaphore(%run_scoped3A : memref<!tpu.dma_semaphore, #tpu.memory_space<semaphore_mem>>)
        %dma_wait3A_50 = arith.constant 0 : i32
        %dma_wait3A_51 = arith.constant 0 : i32
        %dma_wait3A_52 = tpu.memref_slice %arg5[%add3A, %dma_wait3A_50, %dma_wait3A_51] : memref<24x8x4096xf32, #tpu.memory_space<hbm>> -> memref<1x8x4096xf32, #tpu.memory_space<hbm>>
        %dma_wait3A_53 = tpu.memref_squeeze %dma_wait3A_52 : memref<1x8x4096xf32, #tpu.memory_space<hbm>> -> memref<8x4096xf32, #tpu.memory_space<hbm>>
        %dma_wait3A_54 = arith.constant 0 : i32
        %dma_wait3A_55 = arith.constant 0 : i32
        %dma_wait3A_56 = tpu.memref_slice %arg5[%add3A, %dma_wait3A_54, %dma_wait3A_55] : memref<24x8x4096xf32, #tpu.memory_space<hbm>> -> memref<1x8x4096xf32, #tpu.memory_space<hbm>>
        %dma_wait3A_57 = tpu.memref_squeeze %dma_wait3A_56 : memref<1x8x4096xf32, #tpu.memory_space<hbm>> -> memref<8x4096xf32, #tpu.memory_space<hbm>>
        tpu.wait_dma2 semaphore(%run_scoped3A : memref<!tpu.dma_semaphore, #tpu.memory_space<semaphore_mem>>) src(%arg9 : memref<8x4096xf32, #tpu.memory_space<vmem>>) dst(%dma_wait3A_57 : memref<8x4096xf32, #tpu.memory_space<hbm>>)
        tpu.yield
      }) : () -> ()
      "tpu.region"() ({
        %run_scoped3A = tpu.sem_alloc : memref<!tpu.dma_semaphore, #tpu.memory_space<semaphore_mem>>
        %dma_start3A_42 = arith.constant 0 : i32
        %dma_start3A_43 = arith.constant 0 : i32
        %dma_start3A_44 = tpu.memref_slice %arg6[%add3A, %dma_start3A_42, %dma_start3A_43] : memref<24x8x4096xf32, #tpu.memory_space<hbm>> -> memref<1x8x4096xf32, #tpu.memory_space<hbm>>
        %dma_start3A_45 = tpu.memref_squeeze %dma_start3A_44 : memref<1x8x4096xf32, #tpu.memory_space<hbm>> -> memref<8x4096xf32, #tpu.memory_space<hbm>>
        %dma_start3A_46 = arith.constant 0 : i32
        %dma_start3A_47 = arith.constant 0 : i32
        %dma_start3A_48 = tpu.memref_slice %arg6[%add3A, %dma_start3A_46, %dma_start3A_47] : memref<24x8x4096xf32, #tpu.memory_space<hbm>> -> memref<1x8x4096xf32, #tpu.memory_space<hbm>>
        %dma_start3A_49 = tpu.memref_squeeze %dma_start3A_48 : memref<1x8x4096xf32, #tpu.memory_space<hbm>> -> memref<8x4096xf32, #tpu.memory_space<hbm>>
        tpu.enqueue_dma source(%arg10 : memref<8x4096xf32, #tpu.memory_space<vmem>>) target(%dma_start3A_49 : memref<8x4096xf32, #tpu.memory_space<hbm>>) target_semaphore(%run_scoped3A : memref<!tpu.dma_semaphore, #tpu.memory_space<semaphore_mem>>)
        %dma_wait3A_50 = arith.constant 0 : i32
        %dma_wait3A_51 = arith.constant 0 : i32
        %dma_wait3A_52 = tpu.memref_slice %arg6[%add3A, %dma_wait3A_50, %dma_wait3A_51] : memref<24x8x4096xf32, #tpu.memory_space<hbm>> -> memref<1x8x4096xf32, #tpu.memory_space<hbm>>
        %dma_wait3A_53 = tpu.memref_squeeze %dma_wait3A_52 : memref<1x8x4096xf32, #tpu.memory_space<hbm>> -> memref<8x4096xf32, #tpu.memory_space<hbm>>
        %dma_wait3A_54 = arith.constant 0 : i32
        %dma_wait3A_55 = arith.constant 0 : i32
        %dma_wait3A_56 = tpu.memref_slice %arg6[%add3A, %dma_wait3A_54, %dma_wait3A_55] : memref<24x8x4096xf32, #tpu.memory_space<hbm>> -> memref<1x8x4096xf32, #tpu.memory_space<hbm>>
        %dma_wait3A_57 = tpu.memref_squeeze %dma_wait3A_56 : memref<1x8x4096xf32, #tpu.memory_space<hbm>> -> memref<8x4096xf32, #tpu.memory_space<hbm>>
        tpu.wait_dma2 semaphore(%run_scoped3A : memref<!tpu.dma_semaphore, #tpu.memory_space<semaphore_mem>>) src(%arg10 : memref<8x4096xf32, #tpu.memory_space<vmem>>) dst(%dma_wait3A_57 : memref<8x4096xf32, #tpu.memory_space<hbm>>)
        tpu.yield
      }) : () -> ()
    } else {
    }
    return
  }
}

module attributes {stable_mosaic.version = 14 : i64} {
  func.func @_k1_body(%arg0: i32, %arg1: i32, %arg2: memref<1x512x768xf32, #tpu.memory_space<vmem>>, %arg3: memref<1x512x768xf32, #tpu.memory_space<vmem>>, %arg4: memref<1x512x768xf32, #tpu.memory_space<vmem>>, %arg5: memref<768x768xbf16, #tpu.memory_space<vmem>>, %arg6: memref<768x768xf32, #tpu.memory_space<vmem>>, %arg7: memref<768x768xbf16, #tpu.memory_space<vmem>>, %arg8: memref<1x768xf32, #tpu.memory_space<vmem>>, %arg9: memref<1x768xf32, #tpu.memory_space<vmem>>, %arg10: memref<1x768xf32, #tpu.memory_space<vmem>>, %arg11: memref<1x512x768xf32, #tpu.memory_space<vmem>>, %arg12: memref<1x12x512x64xf32, #tpu.memory_space<vmem>>, %arg13: memref<1x12x512x64xf32, #tpu.memory_space<vmem>>, %arg14: memref<1x1x768xf32, #tpu.memory_space<vmem>>) attributes {dimension_semantics = [#tpu.dimension_semantics<arbitrary>, #tpu.dimension_semantics<arbitrary>], iteration_bounds = array<i64: 2, 16>, scalar_prefetch = 0 : i64, scratch_operands = 0 : i64, tpu.core_type = #tpu.core_type<tc>, window_params = [{transform_indices = @transform_0, window_bounds = array<i64: 1, 512, 768>}, {transform_indices = @transform_1, window_bounds = array<i64: 1, 512, 768>}, {transform_indices = @transform_2, window_bounds = array<i64: 1, 512, 768>}, {pipeline_mode = #tpu.pipeline_mode<synchronous>, transform_indices = @transform_3, window_bounds = array<i64: 768, 768>}, {pipeline_mode = #tpu.pipeline_mode<synchronous>, transform_indices = @transform_4, window_bounds = array<i64: 768, 768>}, {pipeline_mode = #tpu.pipeline_mode<synchronous>, transform_indices = @transform_5, window_bounds = array<i64: 768, 768>}, {pipeline_mode = #tpu.pipeline_mode<synchronous>, transform_indices = @transform_6, window_bounds = array<i64: 1, 768>}, {pipeline_mode = #tpu.pipeline_mode<synchronous>, transform_indices = @transform_7, window_bounds = array<i64: 1, 768>}, {pipeline_mode = #tpu.pipeline_mode<synchronous>, transform_indices = @transform_8, window_bounds = array<i64: 1, 768>}, {transform_indices = @transform_9, window_bounds = array<i64: 1, 512, 768>}, {transform_indices = @transform_10, window_bounds = array<i64: 1, 12, 512, 64>}, {transform_indices = @transform_11, window_bounds = array<i64: 1, 12, 512, 64>}, {transform_indices = @transform_12, window_bounds = array<i64: 1, 1, 768>}]} {
    %get3A = arith.constant 0 : index
    %get3A_0 = arith.constant 0 : index
    %get3A_1 = arith.constant 0 : index
    %get3A_2 = vector.load %arg2[%get3A, %get3A_0, %get3A_1] : memref<1x512x768xf32, #tpu.memory_space<vmem>>, vector<1x512x768xf32>
    %get3A_3 = vector.shape_cast %get3A_2 : vector<1x512x768xf32> to vector<512x768xf32>
    %convert_element_type3A = arith.truncf %get3A_3 : vector<512x768xf32> to vector<512x768xbf16>
    %get3A_4 = arith.constant 0 : index
    %get3A_5 = arith.constant 0 : index
    %get3A_6 = vector.load %arg5[%get3A_4, %get3A_5] : memref<768x768xbf16, #tpu.memory_space<vmem>>, vector<768x768xbf16>
    %dot_general3A = arith.constant dense<0.000000e+00> : vector<512x768xf32>
    %dot_general3A_7 = tpu.matmul %convert_element_type3A, %get3A_6, %dot_general3A {dimension_numbers = #tpu.dot_dimension_numbers<[1], [1], [0], [0], [0, 0, 1, 0], [], []>, transpose_lhs_hint = false} : vector<512x768xbf16>, vector<768x768xbf16>, vector<512x768xf32> -> vector<512x768xf32>
    %get3A_8 = arith.constant 0 : index
    %get3A_9 = arith.constant 0 : index
    %get3A_10 = vector.load %arg8[%get3A_8, %get3A_9] : memref<1x768xf32, #tpu.memory_space<vmem>>, vector<1x768xf32>
    %add3A = vector.broadcast %get3A_10 : vector<1x768xf32> to vector<512x768xf32>
    %add3A_11 = arith.addf %dot_general3A_7, %add3A : vector<512x768xf32>
    %swap3A = arith.constant 0 : index
    %swap3A_12 = arith.constant 0 : index
    %swap3A_13 = arith.constant 0 : index
    %swap3A_14 = vector.load %arg11[%swap3A, %swap3A_12, %swap3A_13] : memref<1x512x768xf32, #tpu.memory_space<vmem>>, vector<1x512x768xf32>
    %swap3A_15 = vector.shape_cast %swap3A_14 : vector<1x512x768xf32> to vector<512x768xf32>
    %swap3A_16 = vector.shape_cast %add3A_11 : vector<512x768xf32> to vector<1x512x768xf32>
    tpu.vector_store %arg11[%swap3A, %swap3A_12, %swap3A_13], %swap3A_16 {strides = array<i32>} : memref<1x512x768xf32, #tpu.memory_space<vmem>>, vector<1x512x768xf32>,
    %get3A_17 = arith.constant 0 : index
    %get3A_18 = arith.constant 0 : index
    %get3A_19 = arith.constant 0 : index
    %get3A_20 = vector.load %arg3[%get3A_17, %get3A_18, %get3A_19] : memref<1x512x768xf32, #tpu.memory_space<vmem>>, vector<1x512x768xf32>
    %get3A_21 = vector.shape_cast %get3A_20 : vector<1x512x768xf32> to vector<512x768xf32>
    %get3A_22 = arith.constant 0 : index
    %get3A_23 = arith.constant 0 : index
    %get3A_24 = vector.load %arg6[%get3A_22, %get3A_23] : memref<768x768xf32, #tpu.memory_space<vmem>>, vector<768x768xf32>
    %dot_general3A_25 = arith.constant dense<0.000000e+00> : vector<512x768xf32>
    %dot_general3A_26 = tpu.matmul %get3A_21, %get3A_24, %dot_general3A_25 {dimension_numbers = #tpu.dot_dimension_numbers<[1], [1], [0], [0], [0, 0, 1, 0], [], []>, transpose_lhs_hint = false} : vector<512x768xf32>, vector<768x768xf32>, vector<512x768xf32> -> vector<512x768xf32>
    %get3A_27 = arith.constant 0 : index
    %get3A_28 = arith.constant 0 : index
    %get3A_29 = vector.load %arg9[%get3A_27, %get3A_28] : memref<1x768xf32, #tpu.memory_space<vmem>>, vector<1x768xf32>
    %add3A_30 = vector.broadcast %get3A_29 : vector<1x768xf32> to vector<512x768xf32>
    %add3A_31 = arith.addf %dot_general3A_26, %add3A_30 : vector<512x768xf32>
    %get3A_32 = arith.constant 0 : index
    %get3A_33 = arith.constant 0 : index
    %get3A_34 = arith.constant 0 : index
    %get3A_35 = vector.load %arg4[%get3A_32, %get3A_33, %get3A_34] : memref<1x512x768xf32, #tpu.memory_space<vmem>>, vector<1x512x768xf32>
    %get3A_36 = vector.shape_cast %get3A_35 : vector<1x512x768xf32> to vector<512x768xf32>
    %convert_element_type3A_37 = arith.truncf %get3A_36 : vector<512x768xf32> to vector<512x768xbf16>
    %get3A_38 = arith.constant 0 : index
    %get3A_39 = arith.constant 0 : index
    %get3A_40 = vector.load %arg7[%get3A_38, %get3A_39] : memref<768x768xbf16, #tpu.memory_space<vmem>>, vector<768x768xbf16>
    %dot_general3A_41 = arith.constant dense<0.000000e+00> : vector<512x768xf32>
    %dot_general3A_42 = tpu.matmul %convert_element_type3A_37, %get3A_40, %dot_general3A_41 {dimension_numbers = #tpu.dot_dimension_numbers<[1], [1], [0], [0], [0, 0, 1, 0], [], []>, transpose_lhs_hint = false} : vector<512x768xbf16>, vector<768x768xbf16>, vector<512x768xf32> -> vector<512x768xf32>
    %get3A_43 = arith.constant 0 : index
    %get3A_44 = arith.constant 0 : index
    %get3A_45 = vector.load %arg10[%get3A_43, %get3A_44] : memref<1x768xf32, #tpu.memory_space<vmem>>, vector<1x768xf32>
    %add3A_46 = vector.broadcast %get3A_45 : vector<1x768xf32> to vector<512x768xf32>
    %add3A_47 = arith.addf %dot_general3A_42, %add3A_46 : vector<512x768xf32>
    %slice3A = vector.extract_strided_slice %add3A_31 {offsets = [0, 0], sizes = [512, 64], strides = [1, 1]} : vector<512x768xf32> to vector<512x64xf32>
    %swap3A_48 = arith.constant 0 : index
    %swap3A_49 = arith.constant 0 : index
    %swap3A_50 = arith.constant 0 : index
    %swap3A_51 = arith.constant 0 : index
    %swap3A_52 = vector.load %arg12[%swap3A_48, %swap3A_49, %swap3A_50, %swap3A_51] : memref<1x12x512x64xf32, #tpu.memory_space<vmem>>, vector<1x1x512x64xf32>
    %swap3A_53 = vector.shape_cast %swap3A_52 : vector<1x1x512x64xf32> to vector<512x64xf32>
    %swap3A_54 = vector.shape_cast %slice3A : vector<512x64xf32> to vector<1x1x512x64xf32>
    tpu.vector_store %arg12[%swap3A_48, %swap3A_49, %swap3A_50, %swap3A_51], %swap3A_54 {strides = array<i32>} : memref<1x12x512x64xf32, #tpu.memory_space<vmem>>, vector<1x1x512x64xf32>,
    %slice3A_55 = vector.extract_strided_slice %add3A_47 {offsets = [0, 0], sizes = [512, 64], strides = [1, 1]} : vector<512x768xf32> to vector<512x64xf32>
    %swap3A_56 = arith.constant 0 : index
    %swap3A_57 = arith.constant 0 : index
    %swap3A_58 = arith.constant 0 : index
    %swap3A_59 = arith.constant 0 : index
    %swap3A_60 = vector.load %arg13[%swap3A_56, %swap3A_57, %swap3A_58, %swap3A_59] : memref<1x12x512x64xf32, #tpu.memory_space<vmem>>, vector<1x1x512x64xf32>
    %swap3A_61 = vector.shape_cast %swap3A_60 : vector<1x1x512x64xf32> to vector<512x64xf32>
    %swap3A_62 = vector.shape_cast %slice3A_55 : vector<512x64xf32> to vector<1x1x512x64xf32>
    tpu.vector_store %arg13[%swap3A_56, %swap3A_57, %swap3A_58, %swap3A_59], %swap3A_62 {strides = array<i32>} : memref<1x12x512x64xf32, #tpu.memory_space<vmem>>, vector<1x1x512x64xf32>,
    %slice3A_63 = vector.extract_strided_slice %add3A_31 {offsets = [0, 64], sizes = [512, 64], strides = [1, 1]} : vector<512x768xf32> to vector<512x64xf32>
    %swap3A_64 = arith.constant 0 : index
    %swap3A_65 = arith.constant 1 : index
    %swap3A_66 = arith.constant 0 : index
    %swap3A_67 = arith.constant 0 : index
    %swap3A_68 = vector.load %arg12[%swap3A_64, %swap3A_65, %swap3A_66, %swap3A_67] : memref<1x12x512x64xf32, #tpu.memory_space<vmem>>, vector<1x1x512x64xf32>
    %swap3A_69 = vector.shape_cast %swap3A_68 : vector<1x1x512x64xf32> to vector<512x64xf32>
    %swap3A_70 = vector.shape_cast %slice3A_63 : vector<512x64xf32> to vector<1x1x512x64xf32>
    tpu.vector_store %arg12[%swap3A_64, %swap3A_65, %swap3A_66, %swap3A_67], %swap3A_70 {strides = array<i32>} : memref<1x12x512x64xf32, #tpu.memory_space<vmem>>, vector<1x1x512x64xf32>,
    %slice3A_71 = vector.extract_strided_slice %add3A_47 {offsets = [0, 64], sizes = [512, 64], strides = [1, 1]} : vector<512x768xf32> to vector<512x64xf32>
    %swap3A_72 = arith.constant 0 : index
    %swap3A_73 = arith.constant 1 : index
    %swap3A_74 = arith.constant 0 : index
    %swap3A_75 = arith.constant 0 : index
    %swap3A_76 = vector.load %arg13[%swap3A_72, %swap3A_73, %swap3A_74, %swap3A_75] : memref<1x12x512x64xf32, #tpu.memory_space<vmem>>, vector<1x1x512x64xf32>
    %swap3A_77 = vector.shape_cast %swap3A_76 : vector<1x1x512x64xf32> to vector<512x64xf32>
    %swap3A_78 = vector.shape_cast %slice3A_71 : vector<512x64xf32> to vector<1x1x512x64xf32>
    tpu.vector_store %arg13[%swap3A_72, %swap3A_73, %swap3A_74, %swap3A_75], %swap3A_78 {strides = array<i32>} : memref<1x12x512x64xf32, #tpu.memory_space<vmem>>, vector<1x1x512x64xf32>,
    %slice3A_79 = vector.extract_strided_slice %add3A_31 {offsets = [0, 128], sizes = [512, 64], strides = [1, 1]} : vector<512x768xf32> to vector<512x64xf32>
    %swap3A_80 = arith.constant 0 : index
    %swap3A_81 = arith.constant 2 : index
    %swap3A_82 = arith.constant 0 : index
    %swap3A_83 = arith.constant 0 : index
    %swap3A_84 = vector.load %arg12[%swap3A_80, %swap3A_81, %swap3A_82, %swap3A_83] : memref<1x12x512x64xf32, #tpu.memory_space<vmem>>, vector<1x1x512x64xf32>
    %swap3A_85 = vector.shape_cast %swap3A_84 : vector<1x1x512x64xf32> to vector<512x64xf32>
    %swap3A_86 = vector.shape_cast %slice3A_79 : vector<512x64xf32> to vector<1x1x512x64xf32>
    tpu.vector_store %arg12[%swap3A_80, %swap3A_81, %swap3A_82, %swap3A_83], %swap3A_86 {strides = array<i32>} : memref<1x12x512x64xf32, #tpu.memory_space<vmem>>, vector<1x1x512x64xf32>,
    %slice3A_87 = vector.extract_strided_slice %add3A_47 {offsets = [0, 128], sizes = [512, 64], strides = [1, 1]} : vector<512x768xf32> to vector<512x64xf32>
    %swap3A_88 = arith.constant 0 : index
    %swap3A_89 = arith.constant 2 : index
    %swap3A_90 = arith.constant 0 : index
    %swap3A_91 = arith.constant 0 : index
    %swap3A_92 = vector.load %arg13[%swap3A_88, %swap3A_89, %swap3A_90, %swap3A_91] : memref<1x12x512x64xf32, #tpu.memory_space<vmem>>, vector<1x1x512x64xf32>
    %swap3A_93 = vector.shape_cast %swap3A_92 : vector<1x1x512x64xf32> to vector<512x64xf32>
    %swap3A_94 = vector.shape_cast %slice3A_87 : vector<512x64xf32> to vector<1x1x512x64xf32>
    tpu.vector_store %arg13[%swap3A_88, %swap3A_89, %swap3A_90, %swap3A_91], %swap3A_94 {strides = array<i32>} : memref<1x12x512x64xf32, #tpu.memory_space<vmem>>, vector<1x1x512x64xf32>,
    %slice3A_95 = vector.extract_strided_slice %add3A_31 {offsets = [0, 192], sizes = [512, 64], strides = [1, 1]} : vector<512x768xf32> to vector<512x64xf32>
    %swap3A_96 = arith.constant 0 : index
    %swap3A_97 = arith.constant 3 : index
    %swap3A_98 = arith.constant 0 : index
    %swap3A_99 = arith.constant 0 : index
    %swap3A_100 = vector.load %arg12[%swap3A_96, %swap3A_97, %swap3A_98, %swap3A_99] : memref<1x12x512x64xf32, #tpu.memory_space<vmem>>, vector<1x1x512x64xf32>
    %swap3A_101 = vector.shape_cast %swap3A_100 : vector<1x1x512x64xf32> to vector<512x64xf32>
    %swap3A_102 = vector.shape_cast %slice3A_95 : vector<512x64xf32> to vector<1x1x512x64xf32>
    tpu.vector_store %arg12[%swap3A_96, %swap3A_97, %swap3A_98, %swap3A_99], %swap3A_102 {strides = array<i32>} : memref<1x12x512x64xf32, #tpu.memory_space<vmem>>, vector<1x1x512x64xf32>,
    %slice3A_103 = vector.extract_strided_slice %add3A_47 {offsets = [0, 192], sizes = [512, 64], strides = [1, 1]} : vector<512x768xf32> to vector<512x64xf32>
    %swap3A_104 = arith.constant 0 : index
    %swap3A_105 = arith.constant 3 : index
    %swap3A_106 = arith.constant 0 : index
    %swap3A_107 = arith.constant 0 : index
    %swap3A_108 = vector.load %arg13[%swap3A_104, %swap3A_105, %swap3A_106, %swap3A_107] : memref<1x12x512x64xf32, #tpu.memory_space<vmem>>, vector<1x1x512x64xf32>
    %swap3A_109 = vector.shape_cast %swap3A_108 : vector<1x1x512x64xf32> to vector<512x64xf32>
    %swap3A_110 = vector.shape_cast %slice3A_103 : vector<512x64xf32> to vector<1x1x512x64xf32>
    tpu.vector_store %arg13[%swap3A_104, %swap3A_105, %swap3A_106, %swap3A_107], %swap3A_110 {strides = array<i32>} : memref<1x12x512x64xf32, #tpu.memory_space<vmem>>, vector<1x1x512x64xf32>,
    %slice3A_111 = vector.extract_strided_slice %add3A_31 {offsets = [0, 256], sizes = [512, 64], strides = [1, 1]} : vector<512x768xf32> to vector<512x64xf32>
    %swap3A_112 = arith.constant 0 : index
    %swap3A_113 = arith.constant 4 : index
    %swap3A_114 = arith.constant 0 : index
    %swap3A_115 = arith.constant 0 : index
    %swap3A_116 = vector.load %arg12[%swap3A_112, %swap3A_113, %swap3A_114, %swap3A_115] : memref<1x12x512x64xf32, #tpu.memory_space<vmem>>, vector<1x1x512x64xf32>
    %swap3A_117 = vector.shape_cast %swap3A_116 : vector<1x1x512x64xf32> to vector<512x64xf32>
    %swap3A_118 = vector.shape_cast %slice3A_111 : vector<512x64xf32> to vector<1x1x512x64xf32>
    tpu.vector_store %arg12[%swap3A_112, %swap3A_113, %swap3A_114, %swap3A_115], %swap3A_118 {strides = array<i32>} : memref<1x12x512x64xf32, #tpu.memory_space<vmem>>, vector<1x1x512x64xf32>,
    %slice3A_119 = vector.extract_strided_slice %add3A_47 {offsets = [0, 256], sizes = [512, 64], strides = [1, 1]} : vector<512x768xf32> to vector<512x64xf32>
    %swap3A_120 = arith.constant 0 : index
    %swap3A_121 = arith.constant 4 : index
    %swap3A_122 = arith.constant 0 : index
    %swap3A_123 = arith.constant 0 : index
    %swap3A_124 = vector.load %arg13[%swap3A_120, %swap3A_121, %swap3A_122, %swap3A_123] : memref<1x12x512x64xf32, #tpu.memory_space<vmem>>, vector<1x1x512x64xf32>
    %swap3A_125 = vector.shape_cast %swap3A_124 : vector<1x1x512x64xf32> to vector<512x64xf32>
    %swap3A_126 = vector.shape_cast %slice3A_119 : vector<512x64xf32> to vector<1x1x512x64xf32>
    tpu.vector_store %arg13[%swap3A_120, %swap3A_121, %swap3A_122, %swap3A_123], %swap3A_126 {strides = array<i32>} : memref<1x12x512x64xf32, #tpu.memory_space<vmem>>, vector<1x1x512x64xf32>,
    %slice3A_127 = vector.extract_strided_slice %add3A_31 {offsets = [0, 320], sizes = [512, 64], strides = [1, 1]} : vector<512x768xf32> to vector<512x64xf32>
    %swap3A_128 = arith.constant 0 : index
    %swap3A_129 = arith.constant 5 : index
    %swap3A_130 = arith.constant 0 : index
    %swap3A_131 = arith.constant 0 : index
    %swap3A_132 = vector.load %arg12[%swap3A_128, %swap3A_129, %swap3A_130, %swap3A_131] : memref<1x12x512x64xf32, #tpu.memory_space<vmem>>, vector<1x1x512x64xf32>
    %swap3A_133 = vector.shape_cast %swap3A_132 : vector<1x1x512x64xf32> to vector<512x64xf32>
    %swap3A_134 = vector.shape_cast %slice3A_127 : vector<512x64xf32> to vector<1x1x512x64xf32>
    tpu.vector_store %arg12[%swap3A_128, %swap3A_129, %swap3A_130, %swap3A_131], %swap3A_134 {strides = array<i32>} : memref<1x12x512x64xf32, #tpu.memory_space<vmem>>, vector<1x1x512x64xf32>,
    %slice3A_135 = vector.extract_strided_slice %add3A_47 {offsets = [0, 320], sizes = [512, 64], strides = [1, 1]} : vector<512x768xf32> to vector<512x64xf32>
    %swap3A_136 = arith.constant 0 : index
    %swap3A_137 = arith.constant 5 : index
    %swap3A_138 = arith.constant 0 : index
    %swap3A_139 = arith.constant 0 : index
    %swap3A_140 = vector.load %arg13[%swap3A_136, %swap3A_137, %swap3A_138, %swap3A_139] : memref<1x12x512x64xf32, #tpu.memory_space<vmem>>, vector<1x1x512x64xf32>
    %swap3A_141 = vector.shape_cast %swap3A_140 : vector<1x1x512x64xf32> to vector<512x64xf32>
    %swap3A_142 = vector.shape_cast %slice3A_135 : vector<512x64xf32> to vector<1x1x512x64xf32>
    tpu.vector_store %arg13[%swap3A_136, %swap3A_137, %swap3A_138, %swap3A_139], %swap3A_142 {strides = array<i32>} : memref<1x12x512x64xf32, #tpu.memory_space<vmem>>, vector<1x1x512x64xf32>,
    %slice3A_143 = vector.extract_strided_slice %add3A_31 {offsets = [0, 384], sizes = [512, 64], strides = [1, 1]} : vector<512x768xf32> to vector<512x64xf32>
    %swap3A_144 = arith.constant 0 : index
    %swap3A_145 = arith.constant 6 : index
    %swap3A_146 = arith.constant 0 : index
    %swap3A_147 = arith.constant 0 : index
    %swap3A_148 = vector.load %arg12[%swap3A_144, %swap3A_145, %swap3A_146, %swap3A_147] : memref<1x12x512x64xf32, #tpu.memory_space<vmem>>, vector<1x1x512x64xf32>
    %swap3A_149 = vector.shape_cast %swap3A_148 : vector<1x1x512x64xf32> to vector<512x64xf32>
    %swap3A_150 = vector.shape_cast %slice3A_143 : vector<512x64xf32> to vector<1x1x512x64xf32>
    tpu.vector_store %arg12[%swap3A_144, %swap3A_145, %swap3A_146, %swap3A_147], %swap3A_150 {strides = array<i32>} : memref<1x12x512x64xf32, #tpu.memory_space<vmem>>, vector<1x1x512x64xf32>,
    %slice3A_151 = vector.extract_strided_slice %add3A_47 {offsets = [0, 384], sizes = [512, 64], strides = [1, 1]} : vector<512x768xf32> to vector<512x64xf32>
    %swap3A_152 = arith.constant 0 : index
    %swap3A_153 = arith.constant 6 : index
    %swap3A_154 = arith.constant 0 : index
    %swap3A_155 = arith.constant 0 : index
    %swap3A_156 = vector.load %arg13[%swap3A_152, %swap3A_153, %swap3A_154, %swap3A_155] : memref<1x12x512x64xf32, #tpu.memory_space<vmem>>, vector<1x1x512x64xf32>
    %swap3A_157 = vector.shape_cast %swap3A_156 : vector<1x1x512x64xf32> to vector<512x64xf32>
    %swap3A_158 = vector.shape_cast %slice3A_151 : vector<512x64xf32> to vector<1x1x512x64xf32>
    tpu.vector_store %arg13[%swap3A_152, %swap3A_153, %swap3A_154, %swap3A_155], %swap3A_158 {strides = array<i32>} : memref<1x12x512x64xf32, #tpu.memory_space<vmem>>, vector<1x1x512x64xf32>,
    %slice3A_159 = vector.extract_strided_slice %add3A_31 {offsets = [0, 448], sizes = [512, 64], strides = [1, 1]} : vector<512x768xf32> to vector<512x64xf32>
    %swap3A_160 = arith.constant 0 : index
    %swap3A_161 = arith.constant 7 : index
    %swap3A_162 = arith.constant 0 : index
    %swap3A_163 = arith.constant 0 : index
    %swap3A_164 = vector.load %arg12[%swap3A_160, %swap3A_161, %swap3A_162, %swap3A_163] : memref<1x12x512x64xf32, #tpu.memory_space<vmem>>, vector<1x1x512x64xf32>
    %swap3A_165 = vector.shape_cast %swap3A_164 : vector<1x1x512x64xf32> to vector<512x64xf32>
    %swap3A_166 = vector.shape_cast %slice3A_159 : vector<512x64xf32> to vector<1x1x512x64xf32>
    tpu.vector_store %arg12[%swap3A_160, %swap3A_161, %swap3A_162, %swap3A_163], %swap3A_166 {strides = array<i32>} : memref<1x12x512x64xf32, #tpu.memory_space<vmem>>, vector<1x1x512x64xf32>,
    %slice3A_167 = vector.extract_strided_slice %add3A_47 {offsets = [0, 448], sizes = [512, 64], strides = [1, 1]} : vector<512x768xf32> to vector<512x64xf32>
    %swap3A_168 = arith.constant 0 : index
    %swap3A_169 = arith.constant 7 : index
    %swap3A_170 = arith.constant 0 : index
    %swap3A_171 = arith.constant 0 : index
    %swap3A_172 = vector.load %arg13[%swap3A_168, %swap3A_169, %swap3A_170, %swap3A_171] : memref<1x12x512x64xf32, #tpu.memory_space<vmem>>, vector<1x1x512x64xf32>
    %swap3A_173 = vector.shape_cast %swap3A_172 : vector<1x1x512x64xf32> to vector<512x64xf32>
    %swap3A_174 = vector.shape_cast %slice3A_167 : vector<512x64xf32> to vector<1x1x512x64xf32>
    tpu.vector_store %arg13[%swap3A_168, %swap3A_169, %swap3A_170, %swap3A_171], %swap3A_174 {strides = array<i32>} : memref<1x12x512x64xf32, #tpu.memory_space<vmem>>, vector<1x1x512x64xf32>,
    %slice3A_175 = vector.extract_strided_slice %add3A_31 {offsets = [0, 512], sizes = [512, 64], strides = [1, 1]} : vector<512x768xf32> to vector<512x64xf32>
    %swap3A_176 = arith.constant 0 : index
    %swap3A_177 = arith.constant 8 : index
    %swap3A_178 = arith.constant 0 : index
    %swap3A_179 = arith.constant 0 : index
    %swap3A_180 = vector.load %arg12[%swap3A_176, %swap3A_177, %swap3A_178, %swap3A_179] : memref<1x12x512x64xf32, #tpu.memory_space<vmem>>, vector<1x1x512x64xf32>
    %swap3A_181 = vector.shape_cast %swap3A_180 : vector<1x1x512x64xf32> to vector<512x64xf32>
    %swap3A_182 = vector.shape_cast %slice3A_175 : vector<512x64xf32> to vector<1x1x512x64xf32>
    tpu.vector_store %arg12[%swap3A_176, %swap3A_177, %swap3A_178, %swap3A_179], %swap3A_182 {strides = array<i32>} : memref<1x12x512x64xf32, #tpu.memory_space<vmem>>, vector<1x1x512x64xf32>,
    %slice3A_183 = vector.extract_strided_slice %add3A_47 {offsets = [0, 512], sizes = [512, 64], strides = [1, 1]} : vector<512x768xf32> to vector<512x64xf32>
    %swap3A_184 = arith.constant 0 : index
    %swap3A_185 = arith.constant 8 : index
    %swap3A_186 = arith.constant 0 : index
    %swap3A_187 = arith.constant 0 : index
    %swap3A_188 = vector.load %arg13[%swap3A_184, %swap3A_185, %swap3A_186, %swap3A_187] : memref<1x12x512x64xf32, #tpu.memory_space<vmem>>, vector<1x1x512x64xf32>
    %swap3A_189 = vector.shape_cast %swap3A_188 : vector<1x1x512x64xf32> to vector<512x64xf32>
    %swap3A_190 = vector.shape_cast %slice3A_183 : vector<512x64xf32> to vector<1x1x512x64xf32>
    tpu.vector_store %arg13[%swap3A_184, %swap3A_185, %swap3A_186, %swap3A_187], %swap3A_190 {strides = array<i32>} : memref<1x12x512x64xf32, #tpu.memory_space<vmem>>, vector<1x1x512x64xf32>,
    %slice3A_191 = vector.extract_strided_slice %add3A_31 {offsets = [0, 576], sizes = [512, 64], strides = [1, 1]} : vector<512x768xf32> to vector<512x64xf32>
    %swap3A_192 = arith.constant 0 : index
    %swap3A_193 = arith.constant 9 : index
    %swap3A_194 = arith.constant 0 : index
    %swap3A_195 = arith.constant 0 : index
    %swap3A_196 = vector.load %arg12[%swap3A_192, %swap3A_193, %swap3A_194, %swap3A_195] : memref<1x12x512x64xf32, #tpu.memory_space<vmem>>, vector<1x1x512x64xf32>
    %swap3A_197 = vector.shape_cast %swap3A_196 : vector<1x1x512x64xf32> to vector<512x64xf32>
    %swap3A_198 = vector.shape_cast %slice3A_191 : vector<512x64xf32> to vector<1x1x512x64xf32>
    tpu.vector_store %arg12[%swap3A_192, %swap3A_193, %swap3A_194, %swap3A_195], %swap3A_198 {strides = array<i32>} : memref<1x12x512x64xf32, #tpu.memory_space<vmem>>, vector<1x1x512x64xf32>,
    %slice3A_199 = vector.extract_strided_slice %add3A_47 {offsets = [0, 576], sizes = [512, 64], strides = [1, 1]} : vector<512x768xf32> to vector<512x64xf32>
    %swap3A_200 = arith.constant 0 : index
    %swap3A_201 = arith.constant 9 : index
    %swap3A_202 = arith.constant 0 : index
    %swap3A_203 = arith.constant 0 : index
    %swap3A_204 = vector.load %arg13[%swap3A_200, %swap3A_201, %swap3A_202, %swap3A_203] : memref<1x12x512x64xf32, #tpu.memory_space<vmem>>, vector<1x1x512x64xf32>
    %swap3A_205 = vector.shape_cast %swap3A_204 : vector<1x1x512x64xf32> to vector<512x64xf32>
    %swap3A_206 = vector.shape_cast %slice3A_199 : vector<512x64xf32> to vector<1x1x512x64xf32>
    tpu.vector_store %arg13[%swap3A_200, %swap3A_201, %swap3A_202, %swap3A_203], %swap3A_206 {strides = array<i32>} : memref<1x12x512x64xf32, #tpu.memory_space<vmem>>, vector<1x1x512x64xf32>,
    %slice3A_207 = vector.extract_strided_slice %add3A_31 {offsets = [0, 640], sizes = [512, 64], strides = [1, 1]} : vector<512x768xf32> to vector<512x64xf32>
    %swap3A_208 = arith.constant 0 : index
    %swap3A_209 = arith.constant 10 : index
    %swap3A_210 = arith.constant 0 : index
    %swap3A_211 = arith.constant 0 : index
    %swap3A_212 = vector.load %arg12[%swap3A_208, %swap3A_209, %swap3A_210, %swap3A_211] : memref<1x12x512x64xf32, #tpu.memory_space<vmem>>, vector<1x1x512x64xf32>
    %swap3A_213 = vector.shape_cast %swap3A_212 : vector<1x1x512x64xf32> to vector<512x64xf32>
    %swap3A_214 = vector.shape_cast %slice3A_207 : vector<512x64xf32> to vector<1x1x512x64xf32>
    tpu.vector_store %arg12[%swap3A_208, %swap3A_209, %swap3A_210, %swap3A_211], %swap3A_214 {strides = array<i32>} : memref<1x12x512x64xf32, #tpu.memory_space<vmem>>, vector<1x1x512x64xf32>,
    %slice3A_215 = vector.extract_strided_slice %add3A_47 {offsets = [0, 640], sizes = [512, 64], strides = [1, 1]} : vector<512x768xf32> to vector<512x64xf32>
    %swap3A_216 = arith.constant 0 : index
    %swap3A_217 = arith.constant 10 : index
    %swap3A_218 = arith.constant 0 : index
    %swap3A_219 = arith.constant 0 : index
    %swap3A_220 = vector.load %arg13[%swap3A_216, %swap3A_217, %swap3A_218, %swap3A_219] : memref<1x12x512x64xf32, #tpu.memory_space<vmem>>, vector<1x1x512x64xf32>
    %swap3A_221 = vector.shape_cast %swap3A_220 : vector<1x1x512x64xf32> to vector<512x64xf32>
    %swap3A_222 = vector.shape_cast %slice3A_215 : vector<512x64xf32> to vector<1x1x512x64xf32>
    tpu.vector_store %arg13[%swap3A_216, %swap3A_217, %swap3A_218, %swap3A_219], %swap3A_222 {strides = array<i32>} : memref<1x12x512x64xf32, #tpu.memory_space<vmem>>, vector<1x1x512x64xf32>,
    %slice3A_223 = vector.extract_strided_slice %add3A_31 {offsets = [0, 704], sizes = [512, 64], strides = [1, 1]} : vector<512x768xf32> to vector<512x64xf32>
    %swap3A_224 = arith.constant 0 : index
    %swap3A_225 = arith.constant 11 : index
    %swap3A_226 = arith.constant 0 : index
    %swap3A_227 = arith.constant 0 : index
    %swap3A_228 = vector.load %arg12[%swap3A_224, %swap3A_225, %swap3A_226, %swap3A_227] : memref<1x12x512x64xf32, #tpu.memory_space<vmem>>, vector<1x1x512x64xf32>
    %swap3A_229 = vector.shape_cast %swap3A_228 : vector<1x1x512x64xf32> to vector<512x64xf32>
    %swap3A_230 = vector.shape_cast %slice3A_223 : vector<512x64xf32> to vector<1x1x512x64xf32>
    tpu.vector_store %arg12[%swap3A_224, %swap3A_225, %swap3A_226, %swap3A_227], %swap3A_230 {strides = array<i32>} : memref<1x12x512x64xf32, #tpu.memory_space<vmem>>, vector<1x1x512x64xf32>,
    %slice3A_231 = vector.extract_strided_slice %add3A_47 {offsets = [0, 704], sizes = [512, 64], strides = [1, 1]} : vector<512x768xf32> to vector<512x64xf32>
    %swap3A_232 = arith.constant 0 : index
    %swap3A_233 = arith.constant 11 : index
    %swap3A_234 = arith.constant 0 : index
    %swap3A_235 = arith.constant 0 : index
    %swap3A_236 = vector.load %arg13[%swap3A_232, %swap3A_233, %swap3A_234, %swap3A_235] : memref<1x12x512x64xf32, #tpu.memory_space<vmem>>, vector<1x1x512x64xf32>
    %swap3A_237 = vector.shape_cast %swap3A_236 : vector<1x1x512x64xf32> to vector<512x64xf32>
    %swap3A_238 = vector.shape_cast %slice3A_231 : vector<512x64xf32> to vector<1x1x512x64xf32>
    tpu.vector_store %arg13[%swap3A_232, %swap3A_233, %swap3A_234, %swap3A_235], %swap3A_238 {strides = array<i32>} : memref<1x12x512x64xf32, #tpu.memory_space<vmem>>, vector<1x1x512x64xf32>,
    %reduce_sum3A = arith.constant dense<0.000000e+00> : vector<768xf32>
    %reduce_sum3A_239 = vector.multi_reduction <add>, %get3A_3, %reduce_sum3A [0] : vector<512x768xf32> to vector<768xf32>
    %broadcast_in_dim3A = vector.shape_cast %reduce_sum3A_239 : vector<768xf32> to vector<1x768xf32>
    %eq3A = arith.constant 0 : i32
    %eq3A_240 = arith.cmpi eq, %arg1, %eq3A : i32
    %convert_element_type3A_241 = arith.extui %eq3A_240 : i1 to i32
    %cond3A = arith.constant 0 : i32
    %cond3A_242 = arith.cmpi ne, %convert_element_type3A_241, %cond3A : i32
    scf.if %cond3A_242 {
      %swap3A_247 = arith.constant 0 : index
      %swap3A_248 = arith.constant 0 : index
      %swap3A_249 = arith.constant 0 : index
      %swap3A_250 = vector.load %arg14[%swap3A_247, %swap3A_248, %swap3A_249] : memref<1x1x768xf32, #tpu.memory_space<vmem>>, vector<1x1x768xf32>
      %swap3A_251 = vector.shape_cast %swap3A_250 : vector<1x1x768xf32> to vector<1x768xf32>
      %swap3A_252 = vector.shape_cast %broadcast_in_dim3A : vector<1x768xf32> to vector<1x1x768xf32>
      tpu.vector_store %arg14[%swap3A_247, %swap3A_248, %swap3A_249], %swap3A_252 {strides = array<i32>} : memref<1x1x768xf32, #tpu.memory_space<vmem>>, vector<1x1x768xf32>,
    } else {
    }
    %ne3A = arith.constant 0 : i32
    %ne3A_243 = arith.cmpi ne, %arg1, %ne3A : i32
    %convert_element_type3A_244 = arith.extui %ne3A_243 : i1 to i32
    %cond3A_245 = arith.constant 0 : i32
    %cond3A_246 = arith.cmpi ne, %convert_element_type3A_244, %cond3A_245 : i32
    scf.if %cond3A_246 {
      %get3A_247 = arith.constant 0 : index
      %get3A_248 = arith.constant 0 : index
      %get3A_249 = arith.constant 0 : index
      %get3A_250 = vector.load %arg14[%get3A_247, %get3A_248, %get3A_249] : memref<1x1x768xf32, #tpu.memory_space<vmem>>, vector<1x1x768xf32>
      %get3A_251 = vector.shape_cast %get3A_250 : vector<1x1x768xf32> to vector<1x768xf32>
      %add3A_252 = arith.addf %get3A_251, %broadcast_in_dim3A : vector<1x768xf32>
      %swap3A_253 = arith.constant 0 : index
      %swap3A_254 = arith.constant 0 : index
      %swap3A_255 = arith.constant 0 : index
      %swap3A_256 = vector.load %arg14[%swap3A_253, %swap3A_254, %swap3A_255] : memref<1x1x768xf32, #tpu.memory_space<vmem>>, vector<1x1x768xf32>
      %swap3A_257 = vector.shape_cast %swap3A_256 : vector<1x1x768xf32> to vector<1x768xf32>
      %swap3A_258 = vector.shape_cast %add3A_252 : vector<1x768xf32> to vector<1x1x768xf32>
      tpu.vector_store %arg14[%swap3A_253, %swap3A_254, %swap3A_255], %swap3A_258 {strides = array<i32>} : memref<1x1x768xf32, #tpu.memory_space<vmem>>, vector<1x1x768xf32>,
    } else {
    }
    return
  }
  func.func @transform_0(%arg0: i32, %arg1: i32) -> (i32, i32, i32) {
    %c0_i32 = arith.constant 0 : i32
    %c0_i32_0 = arith.constant 0 : i32
    return %arg0, %arg1, %c0_i32 : i32, i32, i32
  }
  func.func @transform_1(%arg0: i32, %arg1: i32) -> (i32, i32, i32) {
    %c0_i32 = arith.constant 0 : i32
    %c0_i32_0 = arith.constant 0 : i32
    return %arg0, %arg1, %c0_i32 : i32, i32, i32
  }
  func.func @transform_2(%arg0: i32, %arg1: i32) -> (i32, i32, i32) {
    %c0_i32 = arith.constant 0 : i32
    %c0_i32_0 = arith.constant 0 : i32
    return %arg0, %arg1, %c0_i32 : i32, i32, i32
  }
  func.func @transform_3(%arg0: i32, %arg1: i32) -> (i32, i32) {
    %c0_i32 = arith.constant 0 : i32
    %c0_i32_0 = arith.constant 0 : i32
    %c0_i32_1 = arith.constant 0 : i32
    return %c0_i32, %c0_i32_0 : i32, i32
  }
  func.func @transform_4(%arg0: i32, %arg1: i32) -> (i32, i32) {
    %c0_i32 = arith.constant 0 : i32
    %c0_i32_0 = arith.constant 0 : i32
    %c0_i32_1 = arith.constant 0 : i32
    return %c0_i32, %c0_i32_0 : i32, i32
  }
  func.func @transform_5(%arg0: i32, %arg1: i32) -> (i32, i32) {
    %c0_i32 = arith.constant 0 : i32
    %c0_i32_0 = arith.constant 0 : i32
    %c0_i32_1 = arith.constant 0 : i32
    return %c0_i32, %c0_i32_0 : i32, i32
  }
  func.func @transform_6(%arg0: i32, %arg1: i32) -> (i32, i32) {
    %c0_i32 = arith.constant 0 : i32
    %c0_i32_0 = arith.constant 0 : i32
    %c0_i32_1 = arith.constant 0 : i32
    return %c0_i32, %c0_i32_0 : i32, i32
  }
  func.func @transform_7(%arg0: i32, %arg1: i32) -> (i32, i32) {
    %c0_i32 = arith.constant 0 : i32
    %c0_i32_0 = arith.constant 0 : i32
    %c0_i32_1 = arith.constant 0 : i32
    return %c0_i32, %c0_i32_0 : i32, i32
  }
  func.func @transform_8(%arg0: i32, %arg1: i32) -> (i32, i32) {
    %c0_i32 = arith.constant 0 : i32
    %c0_i32_0 = arith.constant 0 : i32
    %c0_i32_1 = arith.constant 0 : i32
    return %c0_i32, %c0_i32_0 : i32, i32
  }
  func.func @transform_9(%arg0: i32, %arg1: i32) -> (i32, i32, i32) {
    %c0_i32 = arith.constant 0 : i32
    %c0_i32_0 = arith.constant 0 : i32
    return %arg0, %arg1, %c0_i32 : i32, i32, i32
  }
  func.func @transform_10(%arg0: i32, %arg1: i32) -> (i32, i32, i32, i32) {
    %c0_i32 = arith.constant 0 : i32
    %c0_i32_0 = arith.constant 0 : i32
    %c0_i32_1 = arith.constant 0 : i32
    return %arg0, %c0_i32, %arg1, %c0_i32_0 : i32, i32, i32, i32
  }
  func.func @transform_11(%arg0: i32, %arg1: i32) -> (i32, i32, i32, i32) {
    %c0_i32 = arith.constant 0 : i32
    %c0_i32_0 = arith.constant 0 : i32
    %c0_i32_1 = arith.constant 0 : i32
    return %arg0, %c0_i32, %arg1, %c0_i32_0 : i32, i32, i32, i32
  }
  func.func @transform_12(%arg0: i32, %arg1: i32) -> (i32, i32, i32) {
    %c0_i32 = arith.constant 0 : i32
    %c0_i32_0 = arith.constant 0 : i32
    %c0_i32_1 = arith.constant 0 : i32
    return %arg0, %c0_i32, %c0_i32_0 : i32, i32, i32
  }
}

module attributes {stable_mosaic.version = 14 : i64} {
  func.func @_k2_body(%arg0: i32, %arg1: i32, %arg2: memref<1x12x512x64xf32, #tpu.memory_space<vmem>>, %arg3: memref<1x1x768xf32, #tpu.memory_space<vmem>>, %arg4: memref<768x768xf32, #tpu.memory_space<vmem>>, %arg5: memref<1x768xf32, #tpu.memory_space<vmem>>, %arg6: memref<1x1xf32, #tpu.memory_space<smem>>, %arg7: memref<1x8x12xf32, #tpu.memory_space<vmem>>) attributes {dimension_semantics = [#tpu.dimension_semantics<arbitrary>, #tpu.dimension_semantics<arbitrary>], iteration_bounds = array<i64: 2, 16>, scalar_prefetch = 0 : i64, scratch_operands = 0 : i64, tpu.core_type = #tpu.core_type<tc>, window_params = [{transform_indices = @transform_0, window_bounds = array<i64: 1, 12, 512, 64>}, {transform_indices = @transform_1, window_bounds = array<i64: 1, 1, 768>}, {pipeline_mode = #tpu.pipeline_mode<synchronous>, transform_indices = @transform_2, window_bounds = array<i64: 768, 768>}, {pipeline_mode = #tpu.pipeline_mode<synchronous>, transform_indices = @transform_3, window_bounds = array<i64: 1, 768>}, {transform_indices = @transform_4, window_bounds = array<i64: 1, 1>}, {transform_indices = @transform_5, window_bounds = array<i64: 1, 8, 12>}]} {
    %get3A = arith.constant 0 : index
    %get3A_0 = arith.constant 0 : index
    %get3A_1 = arith.constant 0 : index
    %get3A_2 = vector.load %arg3[%get3A, %get3A_0, %get3A_1] : memref<1x1x768xf32, #tpu.memory_space<vmem>>, vector<1x1x768xf32>
    %get3A_3 = vector.shape_cast %get3A_2 : vector<1x1x768xf32> to vector<1x768xf32>
    %mul3A = arith.constant 1.22070313E-4 : f32
    %mul3A_4 = vector.broadcast %mul3A : f32 to vector<1x768xf32>
    %mul3A_5 = arith.mulf %get3A_3, %mul3A_4 : vector<1x768xf32>
    %get3A_6 = arith.constant 0 : index
    %get3A_7 = arith.constant 0 : index
    %get3A_8 = vector.load %arg4[%get3A_6, %get3A_7] : memref<768x768xf32, #tpu.memory_space<vmem>>, vector<768x768xf32>
    %dot_general3A = arith.constant dense<0.000000e+00> : vector<1x768xf32>
    %dot_general3A_9 = tpu.matmul %mul3A_5, %get3A_8, %dot_general3A {dimension_numbers = #tpu.dot_dimension_numbers<[1], [1], [0], [0], [0, 0, 1, 0], [], []>, transpose_lhs_hint = false} : vector<1x768xf32>, vector<768x768xf32>, vector<1x768xf32> -> vector<1x768xf32>
    %get3A_10 = arith.constant 0 : index
    %get3A_11 = arith.constant 0 : index
    %get3A_12 = vector.load %arg5[%get3A_10, %get3A_11] : memref<1x768xf32, #tpu.memory_space<vmem>>, vector<1x768xf32>
    %add3A = arith.addf %dot_general3A_9, %get3A_12 : vector<1x768xf32>
    %iota3A = tpu.iota {dimensions = array<i32: 0>} : vector<8x512xi32>
    %iota3A_13 = tpu.iota {dimensions = array<i32: 1>} : vector<8x512xi32>
    %jit3A = arith.constant 64 : i32
    %div3A = vector.broadcast %jit3A : i32 to vector<8x512xi32>
    %div3A_14 = arith.divsi %iota3A_13, %div3A : vector<8x512xi32>
    %sign3A = arith.constant 0 : i32
    %sign3A_15 = vector.broadcast %sign3A : i32 to vector<8x512xi32>
    %sign3A_16 = arith.cmpi sgt, %iota3A_13, %sign3A_15 : vector<8x512xi32>
    %sign3A_17 = arith.extui %sign3A_16 : vector<8x512xi1> to vector<8x512xi32>
    %sign3A_18 = arith.constant 0 : i32
    %sign3A_19 = vector.broadcast %sign3A_18 : i32 to vector<8x512xi32>
    %sign3A_20 = arith.cmpi slt, %iota3A_13, %sign3A_19 : vector<8x512xi32>
    %sign3A_21 = arith.extui %sign3A_20 : vector<8x512xi1> to vector<8x512xi32>
    %sign3A_22 = arith.subi %sign3A_17, %sign3A_21 : vector<8x512xi32>
    %sign3A_23 = arith.constant 0 : i32
    %sign3A_24 = arith.cmpi sgt, %jit3A, %sign3A_23 : i32
    %sign3A_25 = arith.extui %sign3A_24 : i1 to i32
    %sign3A_26 = arith.constant 0 : i32
    %sign3A_27 = arith.cmpi slt, %jit3A, %sign3A_26 : i32
    %sign3A_28 = arith.extui %sign3A_27 : i1 to i32
    %sign3A_29 = arith.subi %sign3A_25, %sign3A_28 : i32
    %ne3A = vector.broadcast %sign3A_29 : i32 to vector<8x512xi32>
    %ne3A_30 = arith.cmpi ne, %sign3A_22, %ne3A : vector<8x512xi32>
    %rem3A = vector.broadcast %jit3A : i32 to vector<8x512xi32>
    %rem3A_31 = arith.remsi %iota3A_13, %rem3A : vector<8x512xi32>
    %ne3A_32 = arith.constant 0 : i32
    %ne3A_33 = vector.broadcast %ne3A_32 : i32 to vector<8x512xi32>
    %ne3A_34 = arith.cmpi ne, %rem3A_31, %ne3A_33 : vector<8x512xi32>
    %and3A = arith.andi %ne3A_30, %ne3A_34 : vector<8x512xi1>
    %sub3A = arith.constant 1 : i32
    %sub3A_35 = vector.broadcast %sub3A : i32 to vector<8x512xi32>
    %sub3A_36 = arith.subi %div3A_14, %sub3A_35 : vector<8x512xi32>
    %select_n3A = arith.select %and3A, %sub3A_36, %div3A_14 : vector<8x512xi1>, vector<8x512xi32>
    %eq3A = arith.cmpi eq, %iota3A, %select_n3A : vector<8x512xi32>
    %convert_element_type3A = arith.extui %eq3A : vector<8x512xi1> to vector<8x512xi32>
    %convert_element_type3A_37 = arith.sitofp %convert_element_type3A : vector<8x512xi32> to vector<8x512xf32>
    %slice3A = vector.extract_strided_slice %add3A {offsets = [0, 0], sizes = [1, 64], strides = [1, 1]} : vector<1x768xf32> to vector<1x64xf32>
    %mul3A_38 = arith.mulf %slice3A, %slice3A : vector<1x64xf32>
    %reduce_sum3A = arith.constant dense<0.000000e+00> : vector<1xf32>
    %reduce_sum3A_39 = vector.multi_reduction <add>, %mul3A_38, %reduce_sum3A [1] : vector<1x64xf32> to vector<1xf32>
    %broadcast_in_dim3A = vector.shape_cast %reduce_sum3A_39 : vector<1xf32> to vector<1x1xf32>
    %sqrt3A = math.sqrt %broadcast_in_dim3A : vector<1x1xf32>
    %max3A = arith.constant 9.99999993E-9 : f32
    %max3A_40 = vector.broadcast %max3A : f32 to vector<1x1xf32>
    %max3A_41 = arith.maximumf %sqrt3A, %max3A_40 : vector<1x1xf32>
    %div3A_42 = arith.constant 1.000000e+00 : f32
    %div3A_43 = vector.broadcast %div3A_42 : f32 to vector<1x1xf32>
    %div3A_44 = arith.divf %div3A_43, %max3A_41 : vector<1x1xf32>
    %mul3A_45 = vector.broadcast %div3A_44 : vector<1x1xf32> to vector<1x64xf32>
    %mul3A_46 = arith.mulf %slice3A, %mul3A_45 : vector<1x64xf32>
    %get3A_47 = arith.constant 0 : index
    %get3A_48 = arith.constant 0 : index
    %get3A_49 = arith.constant 0 : index
    %get3A_50 = arith.constant 0 : index
    %get3A_51 = vector.load %arg2[%get3A_47, %get3A_48, %get3A_49, %get3A_50] : memref<1x12x512x64xf32, #tpu.memory_space<vmem>>, vector<1x1x512x64xf32>
    %get3A_52 = vector.shape_cast %get3A_51 : vector<1x1x512x64xf32> to vector<512x64xf32>
    %mul3A_53 = vector.broadcast %mul3A_46 : vector<1x64xf32> to vector<512x64xf32>
    %mul3A_54 = arith.mulf %get3A_52, %mul3A_53 : vector<512x64xf32>
    %reduce_sum3A_55 = arith.constant dense<0.000000e+00> : vector<512xf32>
    %reduce_sum3A_56 = vector.multi_reduction <add>, %mul3A_54, %reduce_sum3A_55 [1] : vector<512x64xf32> to vector<512xf32>
    %broadcast_in_dim3A_57 = vector.shape_cast %reduce_sum3A_56 : vector<512xf32> to vector<512x1xf32>
    %mul3A_58 = arith.mulf %get3A_52, %get3A_52 : vector<512x64xf32>
    %reduce_sum3A_59 = arith.constant dense<0.000000e+00> : vector<512xf32>
    %reduce_sum3A_60 = vector.multi_reduction <add>, %mul3A_58, %reduce_sum3A_59 [1] : vector<512x64xf32> to vector<512xf32>
    %broadcast_in_dim3A_61 = vector.shape_cast %reduce_sum3A_60 : vector<512xf32> to vector<512x1xf32>
    %sqrt3A_62 = math.sqrt %broadcast_in_dim3A_61 : vector<512x1xf32>
    %max3A_63 = arith.constant 9.99999993E-9 : f32
    %max3A_64 = vector.broadcast %max3A_63 : f32 to vector<512x1xf32>
    %max3A_65 = arith.maximumf %sqrt3A_62, %max3A_64 : vector<512x1xf32>
    %div3A_66 = arith.constant 1.000000e+00 : f32
    %div3A_67 = vector.broadcast %div3A_66 : f32 to vector<512x1xf32>
    %div3A_68 = arith.divf %div3A_67, %max3A_65 : vector<512x1xf32>
    %mul3A_69 = arith.mulf %broadcast_in_dim3A_57, %div3A_68 : vector<512x1xf32>
    %integer_pow3A = arith.mulf %mul3A_69, %mul3A_69 : vector<512x1xf32>
    %dot_general3A_70 = arith.constant dense<0.000000e+00> : vector<8x1xf32>
    %dot_general3A_71 = tpu.matmul %convert_element_type3A_37, %integer_pow3A, %dot_general3A_70 {dimension_numbers = #tpu.dot_dimension_numbers<[1], [0], [0], [1], [0, 0, 1, 1], [], []>, transpose_lhs_hint = false} : vector<8x512xf32>, vector<512x1xf32>, vector<8x1xf32> -> vector<8x1xf32>
    %slice3A_72 = vector.extract_strided_slice %add3A {offsets = [0, 64], sizes = [1, 64], strides = [1, 1]} : vector<1x768xf32> to vector<1x64xf32>
    %mul3A_73 = arith.mulf %slice3A_72, %slice3A_72 : vector<1x64xf32>
    %reduce_sum3A_74 = arith.constant dense<0.000000e+00> : vector<1xf32>
    %reduce_sum3A_75 = vector.multi_reduction <add>, %mul3A_73, %reduce_sum3A_74 [1] : vector<1x64xf32> to vector<1xf32>
    %broadcast_in_dim3A_76 = vector.shape_cast %reduce_sum3A_75 : vector<1xf32> to vector<1x1xf32>
    %sqrt3A_77 = math.sqrt %broadcast_in_dim3A_76 : vector<1x1xf32>
    %max3A_78 = arith.constant 9.99999993E-9 : f32
    %max3A_79 = vector.broadcast %max3A_78 : f32 to vector<1x1xf32>
    %max3A_80 = arith.maximumf %sqrt3A_77, %max3A_79 : vector<1x1xf32>
    %div3A_81 = arith.constant 1.000000e+00 : f32
    %div3A_82 = vector.broadcast %div3A_81 : f32 to vector<1x1xf32>
    %div3A_83 = arith.divf %div3A_82, %max3A_80 : vector<1x1xf32>
    %mul3A_84 = vector.broadcast %div3A_83 : vector<1x1xf32> to vector<1x64xf32>
    %mul3A_85 = arith.mulf %slice3A_72, %mul3A_84 : vector<1x64xf32>
    %get3A_86 = arith.constant 0 : index
    %get3A_87 = arith.constant 1 : index
    %get3A_88 = arith.constant 0 : index
    %get3A_89 = arith.constant 0 : index
    %get3A_90 = vector.load %arg2[%get3A_86, %get3A_87, %get3A_88, %get3A_89] : memref<1x12x512x64xf32, #tpu.memory_space<vmem>>, vector<1x1x512x64xf32>
    %get3A_91 = vector.shape_cast %get3A_90 : vector<1x1x512x64xf32> to vector<512x64xf32>
    %mul3A_92 = vector.broadcast %mul3A_85 : vector<1x64xf32> to vector<512x64xf32>
    %mul3A_93 = arith.mulf %get3A_91, %mul3A_92 : vector<512x64xf32>
    %reduce_sum3A_94 = arith.constant dense<0.000000e+00> : vector<512xf32>
    %reduce_sum3A_95 = vector.multi_reduction <add>, %mul3A_93, %reduce_sum3A_94 [1] : vector<512x64xf32> to vector<512xf32>
    %broadcast_in_dim3A_96 = vector.shape_cast %reduce_sum3A_95 : vector<512xf32> to vector<512x1xf32>
    %mul3A_97 = arith.mulf %get3A_91, %get3A_91 : vector<512x64xf32>
    %reduce_sum3A_98 = arith.constant dense<0.000000e+00> : vector<512xf32>
    %reduce_sum3A_99 = vector.multi_reduction <add>, %mul3A_97, %reduce_sum3A_98 [1] : vector<512x64xf32> to vector<512xf32>
    %broadcast_in_dim3A_100 = vector.shape_cast %reduce_sum3A_99 : vector<512xf32> to vector<512x1xf32>
    %sqrt3A_101 = math.sqrt %broadcast_in_dim3A_100 : vector<512x1xf32>
    %max3A_102 = arith.constant 9.99999993E-9 : f32
    %max3A_103 = vector.broadcast %max3A_102 : f32 to vector<512x1xf32>
    %max3A_104 = arith.maximumf %sqrt3A_101, %max3A_103 : vector<512x1xf32>
    %div3A_105 = arith.constant 1.000000e+00 : f32
    %div3A_106 = vector.broadcast %div3A_105 : f32 to vector<512x1xf32>
    %div3A_107 = arith.divf %div3A_106, %max3A_104 : vector<512x1xf32>
    %mul3A_108 = arith.mulf %broadcast_in_dim3A_96, %div3A_107 : vector<512x1xf32>
    %integer_pow3A_109 = arith.mulf %mul3A_108, %mul3A_108 : vector<512x1xf32>
    %dot_general3A_110 = arith.constant dense<0.000000e+00> : vector<8x1xf32>
    %dot_general3A_111 = tpu.matmul %convert_element_type3A_37, %integer_pow3A_109, %dot_general3A_110 {dimension_numbers = #tpu.dot_dimension_numbers<[1], [0], [0], [1], [0, 0, 1, 1], [], []>, transpose_lhs_hint = false} : vector<8x512xf32>, vector<512x1xf32>, vector<8x1xf32> -> vector<8x1xf32>
    %slice3A_112 = vector.extract_strided_slice %add3A {offsets = [0, 128], sizes = [1, 64], strides = [1, 1]} : vector<1x768xf32> to vector<1x64xf32>
    %mul3A_113 = arith.mulf %slice3A_112, %slice3A_112 : vector<1x64xf32>
    %reduce_sum3A_114 = arith.constant dense<0.000000e+00> : vector<1xf32>
    %reduce_sum3A_115 = vector.multi_reduction <add>, %mul3A_113, %reduce_sum3A_114 [1] : vector<1x64xf32> to vector<1xf32>
    %broadcast_in_dim3A_116 = vector.shape_cast %reduce_sum3A_115 : vector<1xf32> to vector<1x1xf32>
    %sqrt3A_117 = math.sqrt %broadcast_in_dim3A_116 : vector<1x1xf32>
    %max3A_118 = arith.constant 9.99999993E-9 : f32
    %max3A_119 = vector.broadcast %max3A_118 : f32 to vector<1x1xf32>
    %max3A_120 = arith.maximumf %sqrt3A_117, %max3A_119 : vector<1x1xf32>
    %div3A_121 = arith.constant 1.000000e+00 : f32
    %div3A_122 = vector.broadcast %div3A_121 : f32 to vector<1x1xf32>
    %div3A_123 = arith.divf %div3A_122, %max3A_120 : vector<1x1xf32>
    %mul3A_124 = vector.broadcast %div3A_123 : vector<1x1xf32> to vector<1x64xf32>
    %mul3A_125 = arith.mulf %slice3A_112, %mul3A_124 : vector<1x64xf32>
    %get3A_126 = arith.constant 0 : index
    %get3A_127 = arith.constant 2 : index
    %get3A_128 = arith.constant 0 : index
    %get3A_129 = arith.constant 0 : index
    %get3A_130 = vector.load %arg2[%get3A_126, %get3A_127, %get3A_128, %get3A_129] : memref<1x12x512x64xf32, #tpu.memory_space<vmem>>, vector<1x1x512x64xf32>
    %get3A_131 = vector.shape_cast %get3A_130 : vector<1x1x512x64xf32> to vector<512x64xf32>
    %mul3A_132 = vector.broadcast %mul3A_125 : vector<1x64xf32> to vector<512x64xf32>
    %mul3A_133 = arith.mulf %get3A_131, %mul3A_132 : vector<512x64xf32>
    %reduce_sum3A_134 = arith.constant dense<0.000000e+00> : vector<512xf32>
    %reduce_sum3A_135 = vector.multi_reduction <add>, %mul3A_133, %reduce_sum3A_134 [1] : vector<512x64xf32> to vector<512xf32>
    %broadcast_in_dim3A_136 = vector.shape_cast %reduce_sum3A_135 : vector<512xf32> to vector<512x1xf32>
    %mul3A_137 = arith.mulf %get3A_131, %get3A_131 : vector<512x64xf32>
    %reduce_sum3A_138 = arith.constant dense<0.000000e+00> : vector<512xf32>
    %reduce_sum3A_139 = vector.multi_reduction <add>, %mul3A_137, %reduce_sum3A_138 [1] : vector<512x64xf32> to vector<512xf32>
    %broadcast_in_dim3A_140 = vector.shape_cast %reduce_sum3A_139 : vector<512xf32> to vector<512x1xf32>
    %sqrt3A_141 = math.sqrt %broadcast_in_dim3A_140 : vector<512x1xf32>
    %max3A_142 = arith.constant 9.99999993E-9 : f32
    %max3A_143 = vector.broadcast %max3A_142 : f32 to vector<512x1xf32>
    %max3A_144 = arith.maximumf %sqrt3A_141, %max3A_143 : vector<512x1xf32>
    %div3A_145 = arith.constant 1.000000e+00 : f32
    %div3A_146 = vector.broadcast %div3A_145 : f32 to vector<512x1xf32>
    %div3A_147 = arith.divf %div3A_146, %max3A_144 : vector<512x1xf32>
    %mul3A_148 = arith.mulf %broadcast_in_dim3A_136, %div3A_147 : vector<512x1xf32>
    %integer_pow3A_149 = arith.mulf %mul3A_148, %mul3A_148 : vector<512x1xf32>
    %dot_general3A_150 = arith.constant dense<0.000000e+00> : vector<8x1xf32>
    %dot_general3A_151 = tpu.matmul %convert_element_type3A_37, %integer_pow3A_149, %dot_general3A_150 {dimension_numbers = #tpu.dot_dimension_numbers<[1], [0], [0], [1], [0, 0, 1, 1], [], []>, transpose_lhs_hint = false} : vector<8x512xf32>, vector<512x1xf32>, vector<8x1xf32> -> vector<8x1xf32>
    %slice3A_152 = vector.extract_strided_slice %add3A {offsets = [0, 192], sizes = [1, 64], strides = [1, 1]} : vector<1x768xf32> to vector<1x64xf32>
    %mul3A_153 = arith.mulf %slice3A_152, %slice3A_152 : vector<1x64xf32>
    %reduce_sum3A_154 = arith.constant dense<0.000000e+00> : vector<1xf32>
    %reduce_sum3A_155 = vector.multi_reduction <add>, %mul3A_153, %reduce_sum3A_154 [1] : vector<1x64xf32> to vector<1xf32>
    %broadcast_in_dim3A_156 = vector.shape_cast %reduce_sum3A_155 : vector<1xf32> to vector<1x1xf32>
    %sqrt3A_157 = math.sqrt %broadcast_in_dim3A_156 : vector<1x1xf32>
    %max3A_158 = arith.constant 9.99999993E-9 : f32
    %max3A_159 = vector.broadcast %max3A_158 : f32 to vector<1x1xf32>
    %max3A_160 = arith.maximumf %sqrt3A_157, %max3A_159 : vector<1x1xf32>
    %div3A_161 = arith.constant 1.000000e+00 : f32
    %div3A_162 = vector.broadcast %div3A_161 : f32 to vector<1x1xf32>
    %div3A_163 = arith.divf %div3A_162, %max3A_160 : vector<1x1xf32>
    %mul3A_164 = vector.broadcast %div3A_163 : vector<1x1xf32> to vector<1x64xf32>
    %mul3A_165 = arith.mulf %slice3A_152, %mul3A_164 : vector<1x64xf32>
    %get3A_166 = arith.constant 0 : index
    %get3A_167 = arith.constant 3 : index
    %get3A_168 = arith.constant 0 : index
    %get3A_169 = arith.constant 0 : index
    %get3A_170 = vector.load %arg2[%get3A_166, %get3A_167, %get3A_168, %get3A_169] : memref<1x12x512x64xf32, #tpu.memory_space<vmem>>, vector<1x1x512x64xf32>
    %get3A_171 = vector.shape_cast %get3A_170 : vector<1x1x512x64xf32> to vector<512x64xf32>
    %mul3A_172 = vector.broadcast %mul3A_165 : vector<1x64xf32> to vector<512x64xf32>
    %mul3A_173 = arith.mulf %get3A_171, %mul3A_172 : vector<512x64xf32>
    %reduce_sum3A_174 = arith.constant dense<0.000000e+00> : vector<512xf32>
    %reduce_sum3A_175 = vector.multi_reduction <add>, %mul3A_173, %reduce_sum3A_174 [1] : vector<512x64xf32> to vector<512xf32>
    %broadcast_in_dim3A_176 = vector.shape_cast %reduce_sum3A_175 : vector<512xf32> to vector<512x1xf32>
    %mul3A_177 = arith.mulf %get3A_171, %get3A_171 : vector<512x64xf32>
    %reduce_sum3A_178 = arith.constant dense<0.000000e+00> : vector<512xf32>
    %reduce_sum3A_179 = vector.multi_reduction <add>, %mul3A_177, %reduce_sum3A_178 [1] : vector<512x64xf32> to vector<512xf32>
    %broadcast_in_dim3A_180 = vector.shape_cast %reduce_sum3A_179 : vector<512xf32> to vector<512x1xf32>
    %sqrt3A_181 = math.sqrt %broadcast_in_dim3A_180 : vector<512x1xf32>
    %max3A_182 = arith.constant 9.99999993E-9 : f32
    %max3A_183 = vector.broadcast %max3A_182 : f32 to vector<512x1xf32>
    %max3A_184 = arith.maximumf %sqrt3A_181, %max3A_183 : vector<512x1xf32>
    %div3A_185 = arith.constant 1.000000e+00 : f32
    %div3A_186 = vector.broadcast %div3A_185 : f32 to vector<512x1xf32>
    %div3A_187 = arith.divf %div3A_186, %max3A_184 : vector<512x1xf32>
    %mul3A_188 = arith.mulf %broadcast_in_dim3A_176, %div3A_187 : vector<512x1xf32>
    %integer_pow3A_189 = arith.mulf %mul3A_188, %mul3A_188 : vector<512x1xf32>
    %dot_general3A_190 = arith.constant dense<0.000000e+00> : vector<8x1xf32>
    %dot_general3A_191 = tpu.matmul %convert_element_type3A_37, %integer_pow3A_189, %dot_general3A_190 {dimension_numbers = #tpu.dot_dimension_numbers<[1], [0], [0], [1], [0, 0, 1, 1], [], []>, transpose_lhs_hint = false} : vector<8x512xf32>, vector<512x1xf32>, vector<8x1xf32> -> vector<8x1xf32>
    %slice3A_192 = vector.extract_strided_slice %add3A {offsets = [0, 256], sizes = [1, 64], strides = [1, 1]} : vector<1x768xf32> to vector<1x64xf32>
    %mul3A_193 = arith.mulf %slice3A_192, %slice3A_192 : vector<1x64xf32>
    %reduce_sum3A_194 = arith.constant dense<0.000000e+00> : vector<1xf32>
    %reduce_sum3A_195 = vector.multi_reduction <add>, %mul3A_193, %reduce_sum3A_194 [1] : vector<1x64xf32> to vector<1xf32>
    %broadcast_in_dim3A_196 = vector.shape_cast %reduce_sum3A_195 : vector<1xf32> to vector<1x1xf32>
    %sqrt3A_197 = math.sqrt %broadcast_in_dim3A_196 : vector<1x1xf32>
    %max3A_198 = arith.constant 9.99999993E-9 : f32
    %max3A_199 = vector.broadcast %max3A_198 : f32 to vector<1x1xf32>
    %max3A_200 = arith.maximumf %sqrt3A_197, %max3A_199 : vector<1x1xf32>
    %div3A_201 = arith.constant 1.000000e+00 : f32
    %div3A_202 = vector.broadcast %div3A_201 : f32 to vector<1x1xf32>
    %div3A_203 = arith.divf %div3A_202, %max3A_200 : vector<1x1xf32>
    %mul3A_204 = vector.broadcast %div3A_203 : vector<1x1xf32> to vector<1x64xf32>
    %mul3A_205 = arith.mulf %slice3A_192, %mul3A_204 : vector<1x64xf32>
    %get3A_206 = arith.constant 0 : index
    %get3A_207 = arith.constant 4 : index
    %get3A_208 = arith.constant 0 : index
    %get3A_209 = arith.constant 0 : index
    %get3A_210 = vector.load %arg2[%get3A_206, %get3A_207, %get3A_208, %get3A_209] : memref<1x12x512x64xf32, #tpu.memory_space<vmem>>, vector<1x1x512x64xf32>
    %get3A_211 = vector.shape_cast %get3A_210 : vector<1x1x512x64xf32> to vector<512x64xf32>
    %mul3A_212 = vector.broadcast %mul3A_205 : vector<1x64xf32> to vector<512x64xf32>
    %mul3A_213 = arith.mulf %get3A_211, %mul3A_212 : vector<512x64xf32>
    %reduce_sum3A_214 = arith.constant dense<0.000000e+00> : vector<512xf32>
    %reduce_sum3A_215 = vector.multi_reduction <add>, %mul3A_213, %reduce_sum3A_214 [1] : vector<512x64xf32> to vector<512xf32>
    %broadcast_in_dim3A_216 = vector.shape_cast %reduce_sum3A_215 : vector<512xf32> to vector<512x1xf32>
    %mul3A_217 = arith.mulf %get3A_211, %get3A_211 : vector<512x64xf32>
    %reduce_sum3A_218 = arith.constant dense<0.000000e+00> : vector<512xf32>
    %reduce_sum3A_219 = vector.multi_reduction <add>, %mul3A_217, %reduce_sum3A_218 [1] : vector<512x64xf32> to vector<512xf32>
    %broadcast_in_dim3A_220 = vector.shape_cast %reduce_sum3A_219 : vector<512xf32> to vector<512x1xf32>
    %sqrt3A_221 = math.sqrt %broadcast_in_dim3A_220 : vector<512x1xf32>
    %max3A_222 = arith.constant 9.99999993E-9 : f32
    %max3A_223 = vector.broadcast %max3A_222 : f32 to vector<512x1xf32>
    %max3A_224 = arith.maximumf %sqrt3A_221, %max3A_223 : vector<512x1xf32>
    %div3A_225 = arith.constant 1.000000e+00 : f32
    %div3A_226 = vector.broadcast %div3A_225 : f32 to vector<512x1xf32>
    %div3A_227 = arith.divf %div3A_226, %max3A_224 : vector<512x1xf32>
    %mul3A_228 = arith.mulf %broadcast_in_dim3A_216, %div3A_227 : vector<512x1xf32>
    %integer_pow3A_229 = arith.mulf %mul3A_228, %mul3A_228 : vector<512x1xf32>
    %dot_general3A_230 = arith.constant dense<0.000000e+00> : vector<8x1xf32>
    %dot_general3A_231 = tpu.matmul %convert_element_type3A_37, %integer_pow3A_229, %dot_general3A_230 {dimension_numbers = #tpu.dot_dimension_numbers<[1], [0], [0], [1], [0, 0, 1, 1], [], []>, transpose_lhs_hint = false} : vector<8x512xf32>, vector<512x1xf32>, vector<8x1xf32> -> vector<8x1xf32>
    %slice3A_232 = vector.extract_strided_slice %add3A {offsets = [0, 320], sizes = [1, 64], strides = [1, 1]} : vector<1x768xf32> to vector<1x64xf32>
    %mul3A_233 = arith.mulf %slice3A_232, %slice3A_232 : vector<1x64xf32>
    %reduce_sum3A_234 = arith.constant dense<0.000000e+00> : vector<1xf32>
    %reduce_sum3A_235 = vector.multi_reduction <add>, %mul3A_233, %reduce_sum3A_234 [1] : vector<1x64xf32> to vector<1xf32>
    %broadcast_in_dim3A_236 = vector.shape_cast %reduce_sum3A_235 : vector<1xf32> to vector<1x1xf32>
    %sqrt3A_237 = math.sqrt %broadcast_in_dim3A_236 : vector<1x1xf32>
    %max3A_238 = arith.constant 9.99999993E-9 : f32
    %max3A_239 = vector.broadcast %max3A_238 : f32 to vector<1x1xf32>
    %max3A_240 = arith.maximumf %sqrt3A_237, %max3A_239 : vector<1x1xf32>
    %div3A_241 = arith.constant 1.000000e+00 : f32
    %div3A_242 = vector.broadcast %div3A_241 : f32 to vector<1x1xf32>
    %div3A_243 = arith.divf %div3A_242, %max3A_240 : vector<1x1xf32>
    %mul3A_244 = vector.broadcast %div3A_243 : vector<1x1xf32> to vector<1x64xf32>
    %mul3A_245 = arith.mulf %slice3A_232, %mul3A_244 : vector<1x64xf32>
    %get3A_246 = arith.constant 0 : index
    %get3A_247 = arith.constant 5 : index
    %get3A_248 = arith.constant 0 : index
    %get3A_249 = arith.constant 0 : index
    %get3A_250 = vector.load %arg2[%get3A_246, %get3A_247, %get3A_248, %get3A_249] : memref<1x12x512x64xf32, #tpu.memory_space<vmem>>, vector<1x1x512x64xf32>
    %get3A_251 = vector.shape_cast %get3A_250 : vector<1x1x512x64xf32> to vector<512x64xf32>
    %mul3A_252 = vector.broadcast %mul3A_245 : vector<1x64xf32> to vector<512x64xf32>
    %mul3A_253 = arith.mulf %get3A_251, %mul3A_252 : vector<512x64xf32>
    %reduce_sum3A_254 = arith.constant dense<0.000000e+00> : vector<512xf32>
    %reduce_sum3A_255 = vector.multi_reduction <add>, %mul3A_253, %reduce_sum3A_254 [1] : vector<512x64xf32> to vector<512xf32>
    %broadcast_in_dim3A_256 = vector.shape_cast %reduce_sum3A_255 : vector<512xf32> to vector<512x1xf32>
    %mul3A_257 = arith.mulf %get3A_251, %get3A_251 : vector<512x64xf32>
    %reduce_sum3A_258 = arith.constant dense<0.000000e+00> : vector<512xf32>
    %reduce_sum3A_259 = vector.multi_reduction <add>, %mul3A_257, %reduce_sum3A_258 [1] : vector<512x64xf32> to vector<512xf32>
    %broadcast_in_dim3A_260 = vector.shape_cast %reduce_sum3A_259 : vector<512xf32> to vector<512x1xf32>
    %sqrt3A_261 = math.sqrt %broadcast_in_dim3A_260 : vector<512x1xf32>
    %max3A_262 = arith.constant 9.99999993E-9 : f32
    %max3A_263 = vector.broadcast %max3A_262 : f32 to vector<512x1xf32>
    %max3A_264 = arith.maximumf %sqrt3A_261, %max3A_263 : vector<512x1xf32>
    %div3A_265 = arith.constant 1.000000e+00 : f32
    %div3A_266 = vector.broadcast %div3A_265 : f32 to vector<512x1xf32>
    %div3A_267 = arith.divf %div3A_266, %max3A_264 : vector<512x1xf32>
    %mul3A_268 = arith.mulf %broadcast_in_dim3A_256, %div3A_267 : vector<512x1xf32>
    %integer_pow3A_269 = arith.mulf %mul3A_268, %mul3A_268 : vector<512x1xf32>
    %dot_general3A_270 = arith.constant dense<0.000000e+00> : vector<8x1xf32>
    %dot_general3A_271 = tpu.matmul %convert_element_type3A_37, %integer_pow3A_269, %dot_general3A_270 {dimension_numbers = #tpu.dot_dimension_numbers<[1], [0], [0], [1], [0, 0, 1, 1], [], []>, transpose_lhs_hint = false} : vector<8x512xf32>, vector<512x1xf32>, vector<8x1xf32> -> vector<8x1xf32>
    %slice3A_272 = vector.extract_strided_slice %add3A {offsets = [0, 384], sizes = [1, 64], strides = [1, 1]} : vector<1x768xf32> to vector<1x64xf32>
    %mul3A_273 = arith.mulf %slice3A_272, %slice3A_272 : vector<1x64xf32>
    %reduce_sum3A_274 = arith.constant dense<0.000000e+00> : vector<1xf32>
    %reduce_sum3A_275 = vector.multi_reduction <add>, %mul3A_273, %reduce_sum3A_274 [1] : vector<1x64xf32> to vector<1xf32>
    %broadcast_in_dim3A_276 = vector.shape_cast %reduce_sum3A_275 : vector<1xf32> to vector<1x1xf32>
    %sqrt3A_277 = math.sqrt %broadcast_in_dim3A_276 : vector<1x1xf32>
    %max3A_278 = arith.constant 9.99999993E-9 : f32
    %max3A_279 = vector.broadcast %max3A_278 : f32 to vector<1x1xf32>
    %max3A_280 = arith.maximumf %sqrt3A_277, %max3A_279 : vector<1x1xf32>
    %div3A_281 = arith.constant 1.000000e+00 : f32
    %div3A_282 = vector.broadcast %div3A_281 : f32 to vector<1x1xf32>
    %div3A_283 = arith.divf %div3A_282, %max3A_280 : vector<1x1xf32>
    %mul3A_284 = vector.broadcast %div3A_283 : vector<1x1xf32> to vector<1x64xf32>
    %mul3A_285 = arith.mulf %slice3A_272, %mul3A_284 : vector<1x64xf32>
    %get3A_286 = arith.constant 0 : index
    %get3A_287 = arith.constant 6 : index
    %get3A_288 = arith.constant 0 : index
    %get3A_289 = arith.constant 0 : index
    %get3A_290 = vector.load %arg2[%get3A_286, %get3A_287, %get3A_288, %get3A_289] : memref<1x12x512x64xf32, #tpu.memory_space<vmem>>, vector<1x1x512x64xf32>
    %get3A_291 = vector.shape_cast %get3A_290 : vector<1x1x512x64xf32> to vector<512x64xf32>
    %mul3A_292 = vector.broadcast %mul3A_285 : vector<1x64xf32> to vector<512x64xf32>
    %mul3A_293 = arith.mulf %get3A_291, %mul3A_292 : vector<512x64xf32>
    %reduce_sum3A_294 = arith.constant dense<0.000000e+00> : vector<512xf32>
    %reduce_sum3A_295 = vector.multi_reduction <add>, %mul3A_293, %reduce_sum3A_294 [1] : vector<512x64xf32> to vector<512xf32>
    %broadcast_in_dim3A_296 = vector.shape_cast %reduce_sum3A_295 : vector<512xf32> to vector<512x1xf32>
    %mul3A_297 = arith.mulf %get3A_291, %get3A_291 : vector<512x64xf32>
    %reduce_sum3A_298 = arith.constant dense<0.000000e+00> : vector<512xf32>
    %reduce_sum3A_299 = vector.multi_reduction <add>, %mul3A_297, %reduce_sum3A_298 [1] : vector<512x64xf32> to vector<512xf32>
    %broadcast_in_dim3A_300 = vector.shape_cast %reduce_sum3A_299 : vector<512xf32> to vector<512x1xf32>
    %sqrt3A_301 = math.sqrt %broadcast_in_dim3A_300 : vector<512x1xf32>
    %max3A_302 = arith.constant 9.99999993E-9 : f32
    %max3A_303 = vector.broadcast %max3A_302 : f32 to vector<512x1xf32>
    %max3A_304 = arith.maximumf %sqrt3A_301, %max3A_303 : vector<512x1xf32>
    %div3A_305 = arith.constant 1.000000e+00 : f32
    %div3A_306 = vector.broadcast %div3A_305 : f32 to vector<512x1xf32>
    %div3A_307 = arith.divf %div3A_306, %max3A_304 : vector<512x1xf32>
    %mul3A_308 = arith.mulf %broadcast_in_dim3A_296, %div3A_307 : vector<512x1xf32>
    %integer_pow3A_309 = arith.mulf %mul3A_308, %mul3A_308 : vector<512x1xf32>
    %dot_general3A_310 = arith.constant dense<0.000000e+00> : vector<8x1xf32>
    %dot_general3A_311 = tpu.matmul %convert_element_type3A_37, %integer_pow3A_309, %dot_general3A_310 {dimension_numbers = #tpu.dot_dimension_numbers<[1], [0], [0], [1], [0, 0, 1, 1], [], []>, transpose_lhs_hint = false} : vector<8x512xf32>, vector<512x1xf32>, vector<8x1xf32> -> vector<8x1xf32>
    %slice3A_312 = vector.extract_strided_slice %add3A {offsets = [0, 448], sizes = [1, 64], strides = [1, 1]} : vector<1x768xf32> to vector<1x64xf32>
    %mul3A_313 = arith.mulf %slice3A_312, %slice3A_312 : vector<1x64xf32>
    %reduce_sum3A_314 = arith.constant dense<0.000000e+00> : vector<1xf32>
    %reduce_sum3A_315 = vector.multi_reduction <add>, %mul3A_313, %reduce_sum3A_314 [1] : vector<1x64xf32> to vector<1xf32>
    %broadcast_in_dim3A_316 = vector.shape_cast %reduce_sum3A_315 : vector<1xf32> to vector<1x1xf32>
    %sqrt3A_317 = math.sqrt %broadcast_in_dim3A_316 : vector<1x1xf32>
    %max3A_318 = arith.constant 9.99999993E-9 : f32
    %max3A_319 = vector.broadcast %max3A_318 : f32 to vector<1x1xf32>
    %max3A_320 = arith.maximumf %sqrt3A_317, %max3A_319 : vector<1x1xf32>
    %div3A_321 = arith.constant 1.000000e+00 : f32
    %div3A_322 = vector.broadcast %div3A_321 : f32 to vector<1x1xf32>
    %div3A_323 = arith.divf %div3A_322, %max3A_320 : vector<1x1xf32>
    %mul3A_324 = vector.broadcast %div3A_323 : vector<1x1xf32> to vector<1x64xf32>
    %mul3A_325 = arith.mulf %slice3A_312, %mul3A_324 : vector<1x64xf32>
    %get3A_326 = arith.constant 0 : index
    %get3A_327 = arith.constant 7 : index
    %get3A_328 = arith.constant 0 : index
    %get3A_329 = arith.constant 0 : index
    %get3A_330 = vector.load %arg2[%get3A_326, %get3A_327, %get3A_328, %get3A_329] : memref<1x12x512x64xf32, #tpu.memory_space<vmem>>, vector<1x1x512x64xf32>
    %get3A_331 = vector.shape_cast %get3A_330 : vector<1x1x512x64xf32> to vector<512x64xf32>
    %mul3A_332 = vector.broadcast %mul3A_325 : vector<1x64xf32> to vector<512x64xf32>
    %mul3A_333 = arith.mulf %get3A_331, %mul3A_332 : vector<512x64xf32>
    %reduce_sum3A_334 = arith.constant dense<0.000000e+00> : vector<512xf32>
    %reduce_sum3A_335 = vector.multi_reduction <add>, %mul3A_333, %reduce_sum3A_334 [1] : vector<512x64xf32> to vector<512xf32>
    %broadcast_in_dim3A_336 = vector.shape_cast %reduce_sum3A_335 : vector<512xf32> to vector<512x1xf32>
    %mul3A_337 = arith.mulf %get3A_331, %get3A_331 : vector<512x64xf32>
    %reduce_sum3A_338 = arith.constant dense<0.000000e+00> : vector<512xf32>
    %reduce_sum3A_339 = vector.multi_reduction <add>, %mul3A_337, %reduce_sum3A_338 [1] : vector<512x64xf32> to vector<512xf32>
    %broadcast_in_dim3A_340 = vector.shape_cast %reduce_sum3A_339 : vector<512xf32> to vector<512x1xf32>
    %sqrt3A_341 = math.sqrt %broadcast_in_dim3A_340 : vector<512x1xf32>
    %max3A_342 = arith.constant 9.99999993E-9 : f32
    %max3A_343 = vector.broadcast %max3A_342 : f32 to vector<512x1xf32>
    %max3A_344 = arith.maximumf %sqrt3A_341, %max3A_343 : vector<512x1xf32>
    %div3A_345 = arith.constant 1.000000e+00 : f32
    %div3A_346 = vector.broadcast %div3A_345 : f32 to vector<512x1xf32>
    %div3A_347 = arith.divf %div3A_346, %max3A_344 : vector<512x1xf32>
    %mul3A_348 = arith.mulf %broadcast_in_dim3A_336, %div3A_347 : vector<512x1xf32>
    %integer_pow3A_349 = arith.mulf %mul3A_348, %mul3A_348 : vector<512x1xf32>
    %dot_general3A_350 = arith.constant dense<0.000000e+00> : vector<8x1xf32>
    %dot_general3A_351 = tpu.matmul %convert_element_type3A_37, %integer_pow3A_349, %dot_general3A_350 {dimension_numbers = #tpu.dot_dimension_numbers<[1], [0], [0], [1], [0, 0, 1, 1], [], []>, transpose_lhs_hint = false} : vector<8x512xf32>, vector<512x1xf32>, vector<8x1xf32> -> vector<8x1xf32>
    %slice3A_352 = vector.extract_strided_slice %add3A {offsets = [0, 512], sizes = [1, 64], strides = [1, 1]} : vector<1x768xf32> to vector<1x64xf32>
    %mul3A_353 = arith.mulf %slice3A_352, %slice3A_352 : vector<1x64xf32>
    %reduce_sum3A_354 = arith.constant dense<0.000000e+00> : vector<1xf32>
    %reduce_sum3A_355 = vector.multi_reduction <add>, %mul3A_353, %reduce_sum3A_354 [1] : vector<1x64xf32> to vector<1xf32>
    %broadcast_in_dim3A_356 = vector.shape_cast %reduce_sum3A_355 : vector<1xf32> to vector<1x1xf32>
    %sqrt3A_357 = math.sqrt %broadcast_in_dim3A_356 : vector<1x1xf32>
    %max3A_358 = arith.constant 9.99999993E-9 : f32
    %max3A_359 = vector.broadcast %max3A_358 : f32 to vector<1x1xf32>
    %max3A_360 = arith.maximumf %sqrt3A_357, %max3A_359 : vector<1x1xf32>
    %div3A_361 = arith.constant 1.000000e+00 : f32
    %div3A_362 = vector.broadcast %div3A_361 : f32 to vector<1x1xf32>
    %div3A_363 = arith.divf %div3A_362, %max3A_360 : vector<1x1xf32>
    %mul3A_364 = vector.broadcast %div3A_363 : vector<1x1xf32> to vector<1x64xf32>
    %mul3A_365 = arith.mulf %slice3A_352, %mul3A_364 : vector<1x64xf32>
    %get3A_366 = arith.constant 0 : index
    %get3A_367 = arith.constant 8 : index
    %get3A_368 = arith.constant 0 : index
    %get3A_369 = arith.constant 0 : index
    %get3A_370 = vector.load %arg2[%get3A_366, %get3A_367, %get3A_368, %get3A_369] : memref<1x12x512x64xf32, #tpu.memory_space<vmem>>, vector<1x1x512x64xf32>
    %get3A_371 = vector.shape_cast %get3A_370 : vector<1x1x512x64xf32> to vector<512x64xf32>
    %mul3A_372 = vector.broadcast %mul3A_365 : vector<1x64xf32> to vector<512x64xf32>
    %mul3A_373 = arith.mulf %get3A_371, %mul3A_372 : vector<512x64xf32>
    %reduce_sum3A_374 = arith.constant dense<0.000000e+00> : vector<512xf32>
    %reduce_sum3A_375 = vector.multi_reduction <add>, %mul3A_373, %reduce_sum3A_374 [1] : vector<512x64xf32> to vector<512xf32>
    %broadcast_in_dim3A_376 = vector.shape_cast %reduce_sum3A_375 : vector<512xf32> to vector<512x1xf32>
    %mul3A_377 = arith.mulf %get3A_371, %get3A_371 : vector<512x64xf32>
    %reduce_sum3A_378 = arith.constant dense<0.000000e+00> : vector<512xf32>
    %reduce_sum3A_379 = vector.multi_reduction <add>, %mul3A_377, %reduce_sum3A_378 [1] : vector<512x64xf32> to vector<512xf32>
    %broadcast_in_dim3A_380 = vector.shape_cast %reduce_sum3A_379 : vector<512xf32> to vector<512x1xf32>
    %sqrt3A_381 = math.sqrt %broadcast_in_dim3A_380 : vector<512x1xf32>
    %max3A_382 = arith.constant 9.99999993E-9 : f32
    %max3A_383 = vector.broadcast %max3A_382 : f32 to vector<512x1xf32>
    %max3A_384 = arith.maximumf %sqrt3A_381, %max3A_383 : vector<512x1xf32>
    %div3A_385 = arith.constant 1.000000e+00 : f32
    %div3A_386 = vector.broadcast %div3A_385 : f32 to vector<512x1xf32>
    %div3A_387 = arith.divf %div3A_386, %max3A_384 : vector<512x1xf32>
    %mul3A_388 = arith.mulf %broadcast_in_dim3A_376, %div3A_387 : vector<512x1xf32>
    %integer_pow3A_389 = arith.mulf %mul3A_388, %mul3A_388 : vector<512x1xf32>
    %dot_general3A_390 = arith.constant dense<0.000000e+00> : vector<8x1xf32>
    %dot_general3A_391 = tpu.matmul %convert_element_type3A_37, %integer_pow3A_389, %dot_general3A_390 {dimension_numbers = #tpu.dot_dimension_numbers<[1], [0], [0], [1], [0, 0, 1, 1], [], []>, transpose_lhs_hint = false} : vector<8x512xf32>, vector<512x1xf32>, vector<8x1xf32> -> vector<8x1xf32>
    %slice3A_392 = vector.extract_strided_slice %add3A {offsets = [0, 576], sizes = [1, 64], strides = [1, 1]} : vector<1x768xf32> to vector<1x64xf32>
    %mul3A_393 = arith.mulf %slice3A_392, %slice3A_392 : vector<1x64xf32>
    %reduce_sum3A_394 = arith.constant dense<0.000000e+00> : vector<1xf32>
    %reduce_sum3A_395 = vector.multi_reduction <add>, %mul3A_393, %reduce_sum3A_394 [1] : vector<1x64xf32> to vector<1xf32>
    %broadcast_in_dim3A_396 = vector.shape_cast %reduce_sum3A_395 : vector<1xf32> to vector<1x1xf32>
    %sqrt3A_397 = math.sqrt %broadcast_in_dim3A_396 : vector<1x1xf32>
    %max3A_398 = arith.constant 9.99999993E-9 : f32
    %max3A_399 = vector.broadcast %max3A_398 : f32 to vector<1x1xf32>
    %max3A_400 = arith.maximumf %sqrt3A_397, %max3A_399 : vector<1x1xf32>
    %div3A_401 = arith.constant 1.000000e+00 : f32
    %div3A_402 = vector.broadcast %div3A_401 : f32 to vector<1x1xf32>
    %div3A_403 = arith.divf %div3A_402, %max3A_400 : vector<1x1xf32>
    %mul3A_404 = vector.broadcast %div3A_403 : vector<1x1xf32> to vector<1x64xf32>
    %mul3A_405 = arith.mulf %slice3A_392, %mul3A_404 : vector<1x64xf32>
    %get3A_406 = arith.constant 0 : index
    %get3A_407 = arith.constant 9 : index
    %get3A_408 = arith.constant 0 : index
    %get3A_409 = arith.constant 0 : index
    %get3A_410 = vector.load %arg2[%get3A_406, %get3A_407, %get3A_408, %get3A_409] : memref<1x12x512x64xf32, #tpu.memory_space<vmem>>, vector<1x1x512x64xf32>
    %get3A_411 = vector.shape_cast %get3A_410 : vector<1x1x512x64xf32> to vector<512x64xf32>
    %mul3A_412 = vector.broadcast %mul3A_405 : vector<1x64xf32> to vector<512x64xf32>
    %mul3A_413 = arith.mulf %get3A_411, %mul3A_412 : vector<512x64xf32>
    %reduce_sum3A_414 = arith.constant dense<0.000000e+00> : vector<512xf32>
    %reduce_sum3A_415 = vector.multi_reduction <add>, %mul3A_413, %reduce_sum3A_414 [1] : vector<512x64xf32> to vector<512xf32>
    %broadcast_in_dim3A_416 = vector.shape_cast %reduce_sum3A_415 : vector<512xf32> to vector<512x1xf32>
    %mul3A_417 = arith.mulf %get3A_411, %get3A_411 : vector<512x64xf32>
    %reduce_sum3A_418 = arith.constant dense<0.000000e+00> : vector<512xf32>
    %reduce_sum3A_419 = vector.multi_reduction <add>, %mul3A_417, %reduce_sum3A_418 [1] : vector<512x64xf32> to vector<512xf32>
    %broadcast_in_dim3A_420 = vector.shape_cast %reduce_sum3A_419 : vector<512xf32> to vector<512x1xf32>
    %sqrt3A_421 = math.sqrt %broadcast_in_dim3A_420 : vector<512x1xf32>
    %max3A_422 = arith.constant 9.99999993E-9 : f32
    %max3A_423 = vector.broadcast %max3A_422 : f32 to vector<512x1xf32>
    %max3A_424 = arith.maximumf %sqrt3A_421, %max3A_423 : vector<512x1xf32>
    %div3A_425 = arith.constant 1.000000e+00 : f32
    %div3A_426 = vector.broadcast %div3A_425 : f32 to vector<512x1xf32>
    %div3A_427 = arith.divf %div3A_426, %max3A_424 : vector<512x1xf32>
    %mul3A_428 = arith.mulf %broadcast_in_dim3A_416, %div3A_427 : vector<512x1xf32>
    %integer_pow3A_429 = arith.mulf %mul3A_428, %mul3A_428 : vector<512x1xf32>
    %dot_general3A_430 = arith.constant dense<0.000000e+00> : vector<8x1xf32>
    %dot_general3A_431 = tpu.matmul %convert_element_type3A_37, %integer_pow3A_429, %dot_general3A_430 {dimension_numbers = #tpu.dot_dimension_numbers<[1], [0], [0], [1], [0, 0, 1, 1], [], []>, transpose_lhs_hint = false} : vector<8x512xf32>, vector<512x1xf32>, vector<8x1xf32> -> vector<8x1xf32>
    %slice3A_432 = vector.extract_strided_slice %add3A {offsets = [0, 640], sizes = [1, 64], strides = [1, 1]} : vector<1x768xf32> to vector<1x64xf32>
    %mul3A_433 = arith.mulf %slice3A_432, %slice3A_432 : vector<1x64xf32>
    %reduce_sum3A_434 = arith.constant dense<0.000000e+00> : vector<1xf32>
    %reduce_sum3A_435 = vector.multi_reduction <add>, %mul3A_433, %reduce_sum3A_434 [1] : vector<1x64xf32> to vector<1xf32>
    %broadcast_in_dim3A_436 = vector.shape_cast %reduce_sum3A_435 : vector<1xf32> to vector<1x1xf32>
    %sqrt3A_437 = math.sqrt %broadcast_in_dim3A_436 : vector<1x1xf32>
    %max3A_438 = arith.constant 9.99999993E-9 : f32
    %max3A_439 = vector.broadcast %max3A_438 : f32 to vector<1x1xf32>
    %max3A_440 = arith.maximumf %sqrt3A_437, %max3A_439 : vector<1x1xf32>
    %div3A_441 = arith.constant 1.000000e+00 : f32
    %div3A_442 = vector.broadcast %div3A_441 : f32 to vector<1x1xf32>
    %div3A_443 = arith.divf %div3A_442, %max3A_440 : vector<1x1xf32>
    %mul3A_444 = vector.broadcast %div3A_443 : vector<1x1xf32> to vector<1x64xf32>
    %mul3A_445 = arith.mulf %slice3A_432, %mul3A_444 : vector<1x64xf32>
    %get3A_446 = arith.constant 0 : index
    %get3A_447 = arith.constant 10 : index
    %get3A_448 = arith.constant 0 : index
    %get3A_449 = arith.constant 0 : index
    %get3A_450 = vector.load %arg2[%get3A_446, %get3A_447, %get3A_448, %get3A_449] : memref<1x12x512x64xf32, #tpu.memory_space<vmem>>, vector<1x1x512x64xf32>
    %get3A_451 = vector.shape_cast %get3A_450 : vector<1x1x512x64xf32> to vector<512x64xf32>
    %mul3A_452 = vector.broadcast %mul3A_445 : vector<1x64xf32> to vector<512x64xf32>
    %mul3A_453 = arith.mulf %get3A_451, %mul3A_452 : vector<512x64xf32>
    %reduce_sum3A_454 = arith.constant dense<0.000000e+00> : vector<512xf32>
    %reduce_sum3A_455 = vector.multi_reduction <add>, %mul3A_453, %reduce_sum3A_454 [1] : vector<512x64xf32> to vector<512xf32>
    %broadcast_in_dim3A_456 = vector.shape_cast %reduce_sum3A_455 : vector<512xf32> to vector<512x1xf32>
    %mul3A_457 = arith.mulf %get3A_451, %get3A_451 : vector<512x64xf32>
    %reduce_sum3A_458 = arith.constant dense<0.000000e+00> : vector<512xf32>
    %reduce_sum3A_459 = vector.multi_reduction <add>, %mul3A_457, %reduce_sum3A_458 [1] : vector<512x64xf32> to vector<512xf32>
    %broadcast_in_dim3A_460 = vector.shape_cast %reduce_sum3A_459 : vector<512xf32> to vector<512x1xf32>
    %sqrt3A_461 = math.sqrt %broadcast_in_dim3A_460 : vector<512x1xf32>
    %max3A_462 = arith.constant 9.99999993E-9 : f32
    %max3A_463 = vector.broadcast %max3A_462 : f32 to vector<512x1xf32>
    %max3A_464 = arith.maximumf %sqrt3A_461, %max3A_463 : vector<512x1xf32>
    %div3A_465 = arith.constant 1.000000e+00 : f32
    %div3A_466 = vector.broadcast %div3A_465 : f32 to vector<512x1xf32>
    %div3A_467 = arith.divf %div3A_466, %max3A_464 : vector<512x1xf32>
    %mul3A_468 = arith.mulf %broadcast_in_dim3A_456, %div3A_467 : vector<512x1xf32>
    %integer_pow3A_469 = arith.mulf %mul3A_468, %mul3A_468 : vector<512x1xf32>
    %dot_general3A_470 = arith.constant dense<0.000000e+00> : vector<8x1xf32>
    %dot_general3A_471 = tpu.matmul %convert_element_type3A_37, %integer_pow3A_469, %dot_general3A_470 {dimension_numbers = #tpu.dot_dimension_numbers<[1], [0], [0], [1], [0, 0, 1, 1], [], []>, transpose_lhs_hint = false} : vector<8x512xf32>, vector<512x1xf32>, vector<8x1xf32> -> vector<8x1xf32>
    %slice3A_472 = vector.extract_strided_slice %add3A {offsets = [0, 704], sizes = [1, 64], strides = [1, 1]} : vector<1x768xf32> to vector<1x64xf32>
    %mul3A_473 = arith.mulf %slice3A_472, %slice3A_472 : vector<1x64xf32>
    %reduce_sum3A_474 = arith.constant dense<0.000000e+00> : vector<1xf32>
    %reduce_sum3A_475 = vector.multi_reduction <add>, %mul3A_473, %reduce_sum3A_474 [1] : vector<1x64xf32> to vector<1xf32>
    %broadcast_in_dim3A_476 = vector.shape_cast %reduce_sum3A_475 : vector<1xf32> to vector<1x1xf32>
    %sqrt3A_477 = math.sqrt %broadcast_in_dim3A_476 : vector<1x1xf32>
    %max3A_478 = arith.constant 9.99999993E-9 : f32
    %max3A_479 = vector.broadcast %max3A_478 : f32 to vector<1x1xf32>
    %max3A_480 = arith.maximumf %sqrt3A_477, %max3A_479 : vector<1x1xf32>
    %div3A_481 = arith.constant 1.000000e+00 : f32
    %div3A_482 = vector.broadcast %div3A_481 : f32 to vector<1x1xf32>
    %div3A_483 = arith.divf %div3A_482, %max3A_480 : vector<1x1xf32>
    %mul3A_484 = vector.broadcast %div3A_483 : vector<1x1xf32> to vector<1x64xf32>
    %mul3A_485 = arith.mulf %slice3A_472, %mul3A_484 : vector<1x64xf32>
    %get3A_486 = arith.constant 0 : index
    %get3A_487 = arith.constant 11 : index
    %get3A_488 = arith.constant 0 : index
    %get3A_489 = arith.constant 0 : index
    %get3A_490 = vector.load %arg2[%get3A_486, %get3A_487, %get3A_488, %get3A_489] : memref<1x12x512x64xf32, #tpu.memory_space<vmem>>, vector<1x1x512x64xf32>
    %get3A_491 = vector.shape_cast %get3A_490 : vector<1x1x512x64xf32> to vector<512x64xf32>
    %mul3A_492 = vector.broadcast %mul3A_485 : vector<1x64xf32> to vector<512x64xf32>
    %mul3A_493 = arith.mulf %get3A_491, %mul3A_492 : vector<512x64xf32>
    %reduce_sum3A_494 = arith.constant dense<0.000000e+00> : vector<512xf32>
    %reduce_sum3A_495 = vector.multi_reduction <add>, %mul3A_493, %reduce_sum3A_494 [1] : vector<512x64xf32> to vector<512xf32>
    %broadcast_in_dim3A_496 = vector.shape_cast %reduce_sum3A_495 : vector<512xf32> to vector<512x1xf32>
    %mul3A_497 = arith.mulf %get3A_491, %get3A_491 : vector<512x64xf32>
    %reduce_sum3A_498 = arith.constant dense<0.000000e+00> : vector<512xf32>
    %reduce_sum3A_499 = vector.multi_reduction <add>, %mul3A_497, %reduce_sum3A_498 [1] : vector<512x64xf32> to vector<512xf32>
    %broadcast_in_dim3A_500 = vector.shape_cast %reduce_sum3A_499 : vector<512xf32> to vector<512x1xf32>
    %sqrt3A_501 = math.sqrt %broadcast_in_dim3A_500 : vector<512x1xf32>
    %max3A_502 = arith.constant 9.99999993E-9 : f32
    %max3A_503 = vector.broadcast %max3A_502 : f32 to vector<512x1xf32>
    %max3A_504 = arith.maximumf %sqrt3A_501, %max3A_503 : vector<512x1xf32>
    %div3A_505 = arith.constant 1.000000e+00 : f32
    %div3A_506 = vector.broadcast %div3A_505 : f32 to vector<512x1xf32>
    %div3A_507 = arith.divf %div3A_506, %max3A_504 : vector<512x1xf32>
    %mul3A_508 = arith.mulf %broadcast_in_dim3A_496, %div3A_507 : vector<512x1xf32>
    %integer_pow3A_509 = arith.mulf %mul3A_508, %mul3A_508 : vector<512x1xf32>
    %dot_general3A_510 = arith.constant dense<0.000000e+00> : vector<8x1xf32>
    %dot_general3A_511 = tpu.matmul %convert_element_type3A_37, %integer_pow3A_509, %dot_general3A_510 {dimension_numbers = #tpu.dot_dimension_numbers<[1], [0], [0], [1], [0, 0, 1, 1], [], []>, transpose_lhs_hint = false} : vector<8x512xf32>, vector<512x1xf32>, vector<8x1xf32> -> vector<8x1xf32>
    %concatenate3A = tpu.concatenate %dot_general3A_71, %dot_general3A_111, %dot_general3A_151, %dot_general3A_191, %dot_general3A_231, %dot_general3A_271, %dot_general3A_311, %dot_general3A_351, %dot_general3A_391, %dot_general3A_431, %dot_general3A_471, %dot_general3A_511 in 1 : vector<8x1xf32>, vector<8x1xf32>, vector<8x1xf32>, vector<8x1xf32>, vector<8x1xf32>, vector<8x1xf32>, vector<8x1xf32>, vector<8x1xf32>, vector<8x1xf32>, vector<8x1xf32>, vector<8x1xf32>, vector<8x1xf32> -> vector<8x12xf32>
    %get3A_512 = arith.constant 0 : index
    %get3A_513 = arith.constant 0 : index
    %get3A_514 = memref.load %arg6[%get3A_512, %get3A_513] : memref<1x1xf32, #tpu.memory_space<smem>>
    %max3A_515 = arith.constant 0.00999999977 : f32
    %max3A_516 = arith.maximumf %get3A_514, %max3A_515 : f32
    %mul3A_517 = arith.constant 6.400000e+01 : f32
    %mul3A_518 = arith.mulf %mul3A_517, %max3A_516 : f32
    %div3A_519 = arith.constant 1.000000e+00 : f32
    %div3A_520 = arith.divf %div3A_519, %mul3A_518 : f32
    %mul3A_521 = vector.broadcast %div3A_520 : f32 to vector<8x12xf32>
    %mul3A_522 = arith.mulf %concatenate3A, %mul3A_521 : vector<8x12xf32>
    %swap3A = arith.constant 0 : index
    %swap3A_523 = arith.constant 0 : index
    %swap3A_524 = arith.constant 0 : index
    %swap3A_525 = vector.load %arg7[%swap3A, %swap3A_523, %swap3A_524] : memref<1x8x12xf32, #tpu.memory_space<vmem>>, vector<1x8x12xf32>
    %swap3A_526 = vector.shape_cast %swap3A_525 : vector<1x8x12xf32> to vector<8x12xf32>
    %swap3A_527 = vector.shape_cast %mul3A_522 : vector<8x12xf32> to vector<1x8x12xf32>
    tpu.vector_store %arg7[%swap3A, %swap3A_523, %swap3A_524], %swap3A_527 {strides = array<i32>} : memref<1x8x12xf32, #tpu.memory_space<vmem>>, vector<1x8x12xf32>,
    return
  }
  func.func @transform_0(%arg0: i32, %arg1: i32) -> (i32, i32, i32, i32) {
    %c0_i32 = arith.constant 0 : i32
    %c0_i32_0 = arith.constant 0 : i32
    %c0_i32_1 = arith.constant 0 : i32
    return %arg0, %c0_i32, %arg1, %c0_i32_0 : i32, i32, i32, i32
  }
  func.func @transform_1(%arg0: i32, %arg1: i32) -> (i32, i32, i32) {
    %c0_i32 = arith.constant 0 : i32
    %c0_i32_0 = arith.constant 0 : i32
    %c0_i32_1 = arith.constant 0 : i32
    return %arg0, %c0_i32, %c0_i32_0 : i32, i32, i32
  }
  func.func @transform_2(%arg0: i32, %arg1: i32) -> (i32, i32) {
    %c0_i32 = arith.constant 0 : i32
    %c0_i32_0 = arith.constant 0 : i32
    %c0_i32_1 = arith.constant 0 : i32
    return %c0_i32, %c0_i32_0 : i32, i32
  }
  func.func @transform_3(%arg0: i32, %arg1: i32) -> (i32, i32) {
    %c0_i32 = arith.constant 0 : i32
    %c0_i32_0 = arith.constant 0 : i32
    %c0_i32_1 = arith.constant 0 : i32
    return %c0_i32, %c0_i32_0 : i32, i32
  }
  func.func @transform_4(%arg0: i32, %arg1: i32) -> (i32, i32) {
    %c0_i32 = arith.constant 0 : i32
    %c0_i32_0 = arith.constant 0 : i32
    %c0_i32_1 = arith.constant 0 : i32
    return %c0_i32, %c0_i32_0 : i32, i32
  }
  func.func @transform_5(%arg0: i32, %arg1: i32) -> (i32, i32, i32) {
    %c0_i32 = arith.constant 0 : i32
    %c0_i32_0 = arith.constant 0 : i32
    return %arg0, %arg1, %c0_i32 : i32, i32, i32
  }
}

module attributes {stable_mosaic.version = 14 : i64} {
  func.func @_ktk_body(%arg0: memref<24x128xf32, #tpu.memory_space<vmem>>, %arg1: memref<24x16xi32, #tpu.memory_space<vmem>>, %arg2: memref<24x16xf32, #tpu.memory_space<vmem>>) attributes {dimension_semantics = [], scalar_prefetch = 0 : i64, scratch_operands = 0 : i64, tpu.core_type = #tpu.core_type<tc>} {
    %get3A = arith.constant 0 : index
    %get3A_0 = arith.constant 0 : index
    %get3A_1 = vector.load %arg0[%get3A, %get3A_0] : memref<24x128xf32, #tpu.memory_space<vmem>>, vector<24x128xf32>
    %iota3A = tpu.iota {dimensions = array<i32: 1>} : vector<24x128xi32>
    %reduce_max3A = arith.constant dense<0xFF800000> : vector<24xf32>
    %reduce_max3A_2 = vector.multi_reduction <maximumf>, %get3A_1, %reduce_max3A [1] : vector<24x128xf32> to vector<24xf32>
    %broadcast_in_dim3A = vector.shape_cast %reduce_max3A_2 : vector<24xf32> to vector<24x1xf32>
    %eq3A = vector.broadcast %broadcast_in_dim3A : vector<24x1xf32> to vector<24x128xf32>
    %eq3A_3 = arith.cmpf oeq, %get3A_1, %eq3A : vector<24x128xf32>
    %jit3A = arith.constant 128 : i32
    %broadcast_in_dim3A_4 = vector.broadcast %jit3A : i32 to vector<24x128xi32>
    %select_n3A = arith.select %eq3A_3, %iota3A, %broadcast_in_dim3A_4 : vector<24x128xi1>, vector<24x128xi32>
    %reduce_min3A = arith.constant dense<2147483647> : vector<24xi32>
    %reduce_min3A_5 = vector.multi_reduction <minsi>, %select_n3A, %reduce_min3A [1] : vector<24x128xi32> to vector<24xi32>
    %broadcast_in_dim3A_6 = vector.shape_cast %reduce_min3A_5 : vector<24xi32> to vector<24x1xi32>
    %eq3A_7 = vector.broadcast %broadcast_in_dim3A_6 : vector<24x1xi32> to vector<24x128xi32>
    %eq3A_8 = arith.cmpi eq, %iota3A, %eq3A_7 : vector<24x128xi32>
    %jit3A_9 = arith.constant 0xFF800000 : f32
    %broadcast_in_dim3A_10 = vector.broadcast %jit3A_9 : f32 to vector<24x128xf32>
    %select_n3A_11 = arith.select %eq3A_8, %broadcast_in_dim3A_10, %get3A_1 : vector<24x128xi1>, vector<24x128xf32>
    %reduce_max3A_12 = arith.constant dense<0xFF800000> : vector<24xf32>
    %reduce_max3A_13 = vector.multi_reduction <maximumf>, %select_n3A_11, %reduce_max3A_12 [1] : vector<24x128xf32> to vector<24xf32>
    %broadcast_in_dim3A_14 = vector.shape_cast %reduce_max3A_13 : vector<24xf32> to vector<24x1xf32>
    %eq3A_15 = vector.broadcast %broadcast_in_dim3A_14 : vector<24x1xf32> to vector<24x128xf32>
    %eq3A_16 = arith.cmpf oeq, %select_n3A_11, %eq3A_15 : vector<24x128xf32>
    %jit3A_17 = arith.constant 128 : i32
    %broadcast_in_dim3A_18 = vector.broadcast %jit3A_17 : i32 to vector<24x128xi32>
    %select_n3A_19 = arith.select %eq3A_16, %iota3A, %broadcast_in_dim3A_18 : vector<24x128xi1>, vector<24x128xi32>
    %reduce_min3A_20 = arith.constant dense<2147483647> : vector<24xi32>
    %reduce_min3A_21 = vector.multi_reduction <minsi>, %select_n3A_19, %reduce_min3A_20 [1] : vector<24x128xi32> to vector<24xi32>
    %broadcast_in_dim3A_22 = vector.shape_cast %reduce_min3A_21 : vector<24xi32> to vector<24x1xi32>
    %eq3A_23 = vector.broadcast %broadcast_in_dim3A_22 : vector<24x1xi32> to vector<24x128xi32>
    %eq3A_24 = arith.cmpi eq, %iota3A, %eq3A_23 : vector<24x128xi32>
    %jit3A_25 = arith.constant 0xFF800000 : f32
    %broadcast_in_dim3A_26 = vector.broadcast %jit3A_25 : f32 to vector<24x128xf32>
    %select_n3A_27 = arith.select %eq3A_24, %broadcast_in_dim3A_26, %select_n3A_11 : vector<24x128xi1>, vector<24x128xf32>
    %reduce_max3A_28 = arith.constant dense<0xFF800000> : vector<24xf32>
    %reduce_max3A_29 = vector.multi_reduction <maximumf>, %select_n3A_27, %reduce_max3A_28 [1] : vector<24x128xf32> to vector<24xf32>
    %broadcast_in_dim3A_30 = vector.shape_cast %reduce_max3A_29 : vector<24xf32> to vector<24x1xf32>
    %eq3A_31 = vector.broadcast %broadcast_in_dim3A_30 : vector<24x1xf32> to vector<24x128xf32>
    %eq3A_32 = arith.cmpf oeq, %select_n3A_27, %eq3A_31 : vector<24x128xf32>
    %jit3A_33 = arith.constant 128 : i32
    %broadcast_in_dim3A_34 = vector.broadcast %jit3A_33 : i32 to vector<24x128xi32>
    %select_n3A_35 = arith.select %eq3A_32, %iota3A, %broadcast_in_dim3A_34 : vector<24x128xi1>, vector<24x128xi32>
    %reduce_min3A_36 = arith.constant dense<2147483647> : vector<24xi32>
    %reduce_min3A_37 = vector.multi_reduction <minsi>, %select_n3A_35, %reduce_min3A_36 [1] : vector<24x128xi32> to vector<24xi32>
    %broadcast_in_dim3A_38 = vector.shape_cast %reduce_min3A_37 : vector<24xi32> to vector<24x1xi32>
    %eq3A_39 = vector.broadcast %broadcast_in_dim3A_38 : vector<24x1xi32> to vector<24x128xi32>
    %eq3A_40 = arith.cmpi eq, %iota3A, %eq3A_39 : vector<24x128xi32>
    %jit3A_41 = arith.constant 0xFF800000 : f32
    %broadcast_in_dim3A_42 = vector.broadcast %jit3A_41 : f32 to vector<24x128xf32>
    %select_n3A_43 = arith.select %eq3A_40, %broadcast_in_dim3A_42, %select_n3A_27 : vector<24x128xi1>, vector<24x128xf32>
    %reduce_max3A_44 = arith.constant dense<0xFF800000> : vector<24xf32>
    %reduce_max3A_45 = vector.multi_reduction <maximumf>, %select_n3A_43, %reduce_max3A_44 [1] : vector<24x128xf32> to vector<24xf32>
    %broadcast_in_dim3A_46 = vector.shape_cast %reduce_max3A_45 : vector<24xf32> to vector<24x1xf32>
    %eq3A_47 = vector.broadcast %broadcast_in_dim3A_46 : vector<24x1xf32> to vector<24x128xf32>
    %eq3A_48 = arith.cmpf oeq, %select_n3A_43, %eq3A_47 : vector<24x128xf32>
    %jit3A_49 = arith.constant 128 : i32
    %broadcast_in_dim3A_50 = vector.broadcast %jit3A_49 : i32 to vector<24x128xi32>
    %select_n3A_51 = arith.select %eq3A_48, %iota3A, %broadcast_in_dim3A_50 : vector<24x128xi1>, vector<24x128xi32>
    %reduce_min3A_52 = arith.constant dense<2147483647> : vector<24xi32>
    %reduce_min3A_53 = vector.multi_reduction <minsi>, %select_n3A_51, %reduce_min3A_52 [1] : vector<24x128xi32> to vector<24xi32>
    %broadcast_in_dim3A_54 = vector.shape_cast %reduce_min3A_53 : vector<24xi32> to vector<24x1xi32>
    %eq3A_55 = vector.broadcast %broadcast_in_dim3A_54 : vector<24x1xi32> to vector<24x128xi32>
    %eq3A_56 = arith.cmpi eq, %iota3A, %eq3A_55 : vector<24x128xi32>
    %jit3A_57 = arith.constant 0xFF800000 : f32
    %broadcast_in_dim3A_58 = vector.broadcast %jit3A_57 : f32 to vector<24x128xf32>
    %select_n3A_59 = arith.select %eq3A_56, %broadcast_in_dim3A_58, %select_n3A_43 : vector<24x128xi1>, vector<24x128xf32>
    %reduce_max3A_60 = arith.constant dense<0xFF800000> : vector<24xf32>
    %reduce_max3A_61 = vector.multi_reduction <maximumf>, %select_n3A_59, %reduce_max3A_60 [1] : vector<24x128xf32> to vector<24xf32>
    %broadcast_in_dim3A_62 = vector.shape_cast %reduce_max3A_61 : vector<24xf32> to vector<24x1xf32>
    %eq3A_63 = vector.broadcast %broadcast_in_dim3A_62 : vector<24x1xf32> to vector<24x128xf32>
    %eq3A_64 = arith.cmpf oeq, %select_n3A_59, %eq3A_63 : vector<24x128xf32>
    %jit3A_65 = arith.constant 128 : i32
    %broadcast_in_dim3A_66 = vector.broadcast %jit3A_65 : i32 to vector<24x128xi32>
    %select_n3A_67 = arith.select %eq3A_64, %iota3A, %broadcast_in_dim3A_66 : vector<24x128xi1>, vector<24x128xi32>
    %reduce_min3A_68 = arith.constant dense<2147483647> : vector<24xi32>
    %reduce_min3A_69 = vector.multi_reduction <minsi>, %select_n3A_67, %reduce_min3A_68 [1] : vector<24x128xi32> to vector<24xi32>
    %broadcast_in_dim3A_70 = vector.shape_cast %reduce_min3A_69 : vector<24xi32> to vector<24x1xi32>
    %eq3A_71 = vector.broadcast %broadcast_in_dim3A_70 : vector<24x1xi32> to vector<24x128xi32>
    %eq3A_72 = arith.cmpi eq, %iota3A, %eq3A_71 : vector<24x128xi32>
    %jit3A_73 = arith.constant 0xFF800000 : f32
    %broadcast_in_dim3A_74 = vector.broadcast %jit3A_73 : f32 to vector<24x128xf32>
    %select_n3A_75 = arith.select %eq3A_72, %broadcast_in_dim3A_74, %select_n3A_59 : vector<24x128xi1>, vector<24x128xf32>
    %reduce_max3A_76 = arith.constant dense<0xFF800000> : vector<24xf32>
    %reduce_max3A_77 = vector.multi_reduction <maximumf>, %select_n3A_75, %reduce_max3A_76 [1] : vector<24x128xf32> to vector<24xf32>
    %broadcast_in_dim3A_78 = vector.shape_cast %reduce_max3A_77 : vector<24xf32> to vector<24x1xf32>
    %eq3A_79 = vector.broadcast %broadcast_in_dim3A_78 : vector<24x1xf32> to vector<24x128xf32>
    %eq3A_80 = arith.cmpf oeq, %select_n3A_75, %eq3A_79 : vector<24x128xf32>
    %jit3A_81 = arith.constant 128 : i32
    %broadcast_in_dim3A_82 = vector.broadcast %jit3A_81 : i32 to vector<24x128xi32>
    %select_n3A_83 = arith.select %eq3A_80, %iota3A, %broadcast_in_dim3A_82 : vector<24x128xi1>, vector<24x128xi32>
    %reduce_min3A_84 = arith.constant dense<2147483647> : vector<24xi32>
    %reduce_min3A_85 = vector.multi_reduction <minsi>, %select_n3A_83, %reduce_min3A_84 [1] : vector<24x128xi32> to vector<24xi32>
    %broadcast_in_dim3A_86 = vector.shape_cast %reduce_min3A_85 : vector<24xi32> to vector<24x1xi32>
    %eq3A_87 = vector.broadcast %broadcast_in_dim3A_86 : vector<24x1xi32> to vector<24x128xi32>
    %eq3A_88 = arith.cmpi eq, %iota3A, %eq3A_87 : vector<24x128xi32>
    %jit3A_89 = arith.constant 0xFF800000 : f32
    %broadcast_in_dim3A_90 = vector.broadcast %jit3A_89 : f32 to vector<24x128xf32>
    %select_n3A_91 = arith.select %eq3A_88, %broadcast_in_dim3A_90, %select_n3A_75 : vector<24x128xi1>, vector<24x128xf32>
    %reduce_max3A_92 = arith.constant dense<0xFF800000> : vector<24xf32>
    %reduce_max3A_93 = vector.multi_reduction <maximumf>, %select_n3A_91, %reduce_max3A_92 [1] : vector<24x128xf32> to vector<24xf32>
    %broadcast_in_dim3A_94 = vector.shape_cast %reduce_max3A_93 : vector<24xf32> to vector<24x1xf32>
    %eq3A_95 = vector.broadcast %broadcast_in_dim3A_94 : vector<24x1xf32> to vector<24x128xf32>
    %eq3A_96 = arith.cmpf oeq, %select_n3A_91, %eq3A_95 : vector<24x128xf32>
    %jit3A_97 = arith.constant 128 : i32
    %broadcast_in_dim3A_98 = vector.broadcast %jit3A_97 : i32 to vector<24x128xi32>
    %select_n3A_99 = arith.select %eq3A_96, %iota3A, %broadcast_in_dim3A_98 : vector<24x128xi1>, vector<24x128xi32>
    %reduce_min3A_100 = arith.constant dense<2147483647> : vector<24xi32>
    %reduce_min3A_101 = vector.multi_reduction <minsi>, %select_n3A_99, %reduce_min3A_100 [1] : vector<24x128xi32> to vector<24xi32>
    %broadcast_in_dim3A_102 = vector.shape_cast %reduce_min3A_101 : vector<24xi32> to vector<24x1xi32>
    %eq3A_103 = vector.broadcast %broadcast_in_dim3A_102 : vector<24x1xi32> to vector<24x128xi32>
    %eq3A_104 = arith.cmpi eq, %iota3A, %eq3A_103 : vector<24x128xi32>
    %jit3A_105 = arith.constant 0xFF800000 : f32
    %broadcast_in_dim3A_106 = vector.broadcast %jit3A_105 : f32 to vector<24x128xf32>
    %select_n3A_107 = arith.select %eq3A_104, %broadcast_in_dim3A_106, %select_n3A_91 : vector<24x128xi1>, vector<24x128xf32>
    %reduce_max3A_108 = arith.constant dense<0xFF800000> : vector<24xf32>
    %reduce_max3A_109 = vector.multi_reduction <maximumf>, %select_n3A_107, %reduce_max3A_108 [1] : vector<24x128xf32> to vector<24xf32>
    %broadcast_in_dim3A_110 = vector.shape_cast %reduce_max3A_109 : vector<24xf32> to vector<24x1xf32>
    %eq3A_111 = vector.broadcast %broadcast_in_dim3A_110 : vector<24x1xf32> to vector<24x128xf32>
    %eq3A_112 = arith.cmpf oeq, %select_n3A_107, %eq3A_111 : vector<24x128xf32>
    %jit3A_113 = arith.constant 128 : i32
    %broadcast_in_dim3A_114 = vector.broadcast %jit3A_113 : i32 to vector<24x128xi32>
    %select_n3A_115 = arith.select %eq3A_112, %iota3A, %broadcast_in_dim3A_114 : vector<24x128xi1>, vector<24x128xi32>
    %reduce_min3A_116 = arith.constant dense<2147483647> : vector<24xi32>
    %reduce_min3A_117 = vector.multi_reduction <minsi>, %select_n3A_115, %reduce_min3A_116 [1] : vector<24x128xi32> to vector<24xi32>
    %broadcast_in_dim3A_118 = vector.shape_cast %reduce_min3A_117 : vector<24xi32> to vector<24x1xi32>
    %concatenate3A = tpu.concatenate %broadcast_in_dim3A, %broadcast_in_dim3A_14, %broadcast_in_dim3A_30, %broadcast_in_dim3A_46, %broadcast_in_dim3A_62, %broadcast_in_dim3A_78, %broadcast_in_dim3A_94, %broadcast_in_dim3A_110 in 1 : vector<24x1xf32>, vector<24x1xf32>, vector<24x1xf32>, vector<24x1xf32>, vector<24x1xf32>, vector<24x1xf32>, vector<24x1xf32>, vector<24x1xf32> -> vector<24x8xf32>
    %concatenate3A_119 = tpu.concatenate %broadcast_in_dim3A_6, %broadcast_in_dim3A_22, %broadcast_in_dim3A_38, %broadcast_in_dim3A_54, %broadcast_in_dim3A_70, %broadcast_in_dim3A_86, %broadcast_in_dim3A_102, %broadcast_in_dim3A_118 in 1 : vector<24x1xi32>, vector<24x1xi32>, vector<24x1xi32>, vector<24x1xi32>, vector<24x1xi32>, vector<24x1xi32>, vector<24x1xi32>, vector<24x1xi32> -> vector<24x8xi32>
    %reduce_max3A_120 = arith.constant dense<0xFF800000> : vector<24xf32>
    %reduce_max3A_121 = vector.multi_reduction <maximumf>, %concatenate3A, %reduce_max3A_120 [1] : vector<24x8xf32> to vector<24xf32>
    %broadcast_in_dim3A_122 = vector.shape_cast %reduce_max3A_121 : vector<24xf32> to vector<24x1xf32>
    %sub3A = vector.broadcast %broadcast_in_dim3A_122 : vector<24x1xf32> to vector<24x8xf32>
    %sub3A_123 = arith.subf %concatenate3A, %sub3A : vector<24x8xf32>
    %exp3A = math.exp %sub3A_123 : vector<24x8xf32>
    %reduce_sum3A = arith.constant dense<0.000000e+00> : vector<24xf32>
    %reduce_sum3A_124 = vector.multi_reduction <add>, %exp3A, %reduce_sum3A [1] : vector<24x8xf32> to vector<24xf32>
    %broadcast_in_dim3A_125 = vector.shape_cast %reduce_sum3A_124 : vector<24xf32> to vector<24x1xf32>
    %div3A = vector.broadcast %broadcast_in_dim3A_125 : vector<24x1xf32> to vector<24x8xf32>
    %div3A_126 = arith.divf %exp3A, %div3A : vector<24x8xf32>
    %broadcast_in_dim3A_127 = arith.constant 0 : i32
    %broadcast_in_dim3A_128 = vector.broadcast %broadcast_in_dim3A_127 : i32 to vector<24x8xi32>
    %concatenate3A_129 = tpu.concatenate %concatenate3A_119, %broadcast_in_dim3A_128 in 1 : vector<24x8xi32>, vector<24x8xi32> -> vector<24x16xi32>
    %swap3A = arith.constant 0 : index
    %swap3A_130 = arith.constant 0 : index
    %swap3A_131 = vector.load %arg1[%swap3A, %swap3A_130] : memref<24x16xi32, #tpu.memory_space<vmem>>, vector<24x16xi32>
    tpu.vector_store %arg1[%swap3A, %swap3A_130], %concatenate3A_129 {strides = array<i32>} : memref<24x16xi32, #tpu.memory_space<vmem>>, vector<24x16xi32>,
    %convert_element_type3A = arith.sitofp %broadcast_in_dim3A_128 : vector<24x8xi32> to vector<24x8xf32>
    %concatenate3A_132 = tpu.concatenate %div3A_126, %convert_element_type3A in 1 : vector<24x8xf32>, vector<24x8xf32> -> vector<24x16xf32>
    %swap3A_133 = arith.constant 0 : index
    %swap3A_134 = arith.constant 0 : index
    %swap3A_135 = vector.load %arg2[%swap3A_133, %swap3A_134] : memref<24x16xf32, #tpu.memory_space<vmem>>, vector<24x16xf32>
    tpu.vector_store %arg2[%swap3A_133, %swap3A_134], %concatenate3A_132 {strides = array<i32>} : memref<24x16xf32, #tpu.memory_space<vmem>>, vector<24x16xf32>,
    return
  }
}

module attributes {stable_mosaic.version = 14 : i64} {
  func.func @_k3_body(%arg0: i32, %arg1: i32, %arg2: memref<1x512x768xf32, #tpu.memory_space<vmem>>, %arg3: memref<1x12x512x64xf32, #tpu.memory_space<vmem>>, %arg4: memref<1x12x512x64xf32, #tpu.memory_space<vmem>>, %arg5: memref<1x12x16xf32, #tpu.memory_space<smem>>, %arg6: memref<768x768xbf16, #tpu.memory_space<vmem>>, %arg7: memref<1x768xf32, #tpu.memory_space<vmem>>, %arg8: memref<1x512x768xf32, #tpu.memory_space<vmem>>, %arg9: memref<12x512x64xbf16, #tpu.memory_space<vmem>>, %arg10: memref<12x512x64xbf16, #tpu.memory_space<vmem>>) attributes {dimension_semantics = [#tpu.dimension_semantics<arbitrary>, #tpu.dimension_semantics<arbitrary>], iteration_bounds = array<i64: 2, 16>, scalar_prefetch = 0 : i64, scratch_operands = 2 : i64, tpu.core_type = #tpu.core_type<tc>, window_params = [{transform_indices = @transform_0, window_bounds = array<i64: 1, 512, 768>}, {transform_indices = @transform_1, window_bounds = array<i64: 1, 12, 512, 64>}, {transform_indices = @transform_2, window_bounds = array<i64: 1, 12, 512, 64>}, {transform_indices = @transform_3, window_bounds = array<i64: 1, 12, 16>}, {pipeline_mode = #tpu.pipeline_mode<synchronous>, transform_indices = @transform_4, window_bounds = array<i64: 768, 768>}, {pipeline_mode = #tpu.pipeline_mode<synchronous>, transform_indices = @transform_5, window_bounds = array<i64: 1, 768>}, {transform_indices = @transform_6, window_bounds = array<i64: 1, 512, 768>}]} {
    %get3A = arith.constant 0 : index
    %get3A_0 = arith.constant 0 : index
    %get3A_1 = arith.constant 0 : index
    %get3A_2 = vector.load %arg2[%get3A, %get3A_0, %get3A_1] : memref<1x512x768xf32, #tpu.memory_space<vmem>>, vector<1x512x768xf32>
    %get3A_3 = vector.shape_cast %get3A_2 : vector<1x512x768xf32> to vector<512x768xf32>
    %eq3A = arith.constant 0 : i32
    %eq3A_4 = arith.cmpi eq, %arg1, %eq3A : i32
    %convert_element_type3A = arith.extui %eq3A_4 : i1 to i32
    %cond3A = arith.constant 0 : i32
    %cond3A_5 = arith.cmpi ne, %convert_element_type3A, %cond3A : i32
    scf.if %cond3A_5 {
      %iota3A = tpu.iota {dimensions = array<i32: 0>} : vector<512x1xi32>
      %jit3A = arith.constant 64 : i32
      %div3A_404 = vector.broadcast %jit3A : i32 to vector<512x1xi32>
      %div3A_405 = arith.divsi %iota3A, %div3A_404 : vector<512x1xi32>
      %sign3A = arith.constant 0 : i32
      %sign3A_406 = vector.broadcast %sign3A : i32 to vector<512x1xi32>
      %sign3A_407 = arith.cmpi sgt, %iota3A, %sign3A_406 : vector<512x1xi32>
      %sign3A_408 = arith.extui %sign3A_407 : vector<512x1xi1> to vector<512x1xi32>
      %sign3A_409 = arith.constant 0 : i32
      %sign3A_410 = vector.broadcast %sign3A_409 : i32 to vector<512x1xi32>
      %sign3A_411 = arith.cmpi slt, %iota3A, %sign3A_410 : vector<512x1xi32>
      %sign3A_412 = arith.extui %sign3A_411 : vector<512x1xi1> to vector<512x1xi32>
      %sign3A_413 = arith.subi %sign3A_408, %sign3A_412 : vector<512x1xi32>
      %sign3A_414 = arith.constant 0 : i32
      %sign3A_415 = arith.cmpi sgt, %jit3A, %sign3A_414 : i32
      %sign3A_416 = arith.extui %sign3A_415 : i1 to i32
      %sign3A_417 = arith.constant 0 : i32
      %sign3A_418 = arith.cmpi slt, %jit3A, %sign3A_417 : i32
      %sign3A_419 = arith.extui %sign3A_418 : i1 to i32
      %sign3A_420 = arith.subi %sign3A_416, %sign3A_419 : i32
      %ne3A = vector.broadcast %sign3A_420 : i32 to vector<512x1xi32>
      %ne3A_421 = arith.cmpi ne, %sign3A_413, %ne3A : vector<512x1xi32>
      %rem3A = vector.broadcast %jit3A : i32 to vector<512x1xi32>
      %rem3A_422 = arith.remsi %iota3A, %rem3A : vector<512x1xi32>
      %ne3A_423 = arith.constant 0 : i32
      %ne3A_424 = vector.broadcast %ne3A_423 : i32 to vector<512x1xi32>
      %ne3A_425 = arith.cmpi ne, %rem3A_422, %ne3A_424 : vector<512x1xi32>
      %and3A = arith.andi %ne3A_421, %ne3A_425 : vector<512x1xi1>
      %sub3A = arith.constant 1 : i32
      %sub3A_426 = vector.broadcast %sub3A : i32 to vector<512x1xi32>
      %sub3A_427 = arith.subi %div3A_405, %sub3A_426 : vector<512x1xi32>
      %select_n3A = arith.select %and3A, %sub3A_427, %div3A_405 : vector<512x1xi1>, vector<512x1xi32>
      %get3A_428 = arith.constant 0 : index
      %get3A_429 = arith.constant 0 : index
      %get3A_430 = arith.constant 0 : index
      %get3A_431 = arith.constant 0 : index
      %get3A_432 = vector.load %arg3[%get3A_428, %get3A_429, %get3A_430, %get3A_431] : memref<1x12x512x64xf32, #tpu.memory_space<vmem>>, vector<1x1x512x64xf32>
      %get3A_433 = vector.shape_cast %get3A_432 : vector<1x1x512x64xf32> to vector<512x64xf32>
      %convert_element_type3A_434 = arith.truncf %get3A_433 : vector<512x64xf32> to vector<512x64xbf16>
      %swap3A_435 = arith.constant 0 : index
      %swap3A_436 = arith.constant 0 : index
      %swap3A_437 = arith.constant 0 : index
      %swap3A_438 = vector.load %arg9[%swap3A_435, %swap3A_436, %swap3A_437] : memref<12x512x64xbf16, #tpu.memory_space<vmem>>, vector<1x512x64xbf16>
      %swap3A_439 = vector.shape_cast %swap3A_438 : vector<1x512x64xbf16> to vector<512x64xbf16>
      %swap3A_440 = vector.shape_cast %convert_element_type3A_434 : vector<512x64xbf16> to vector<1x512x64xbf16>
      tpu.vector_store %arg9[%swap3A_435, %swap3A_436, %swap3A_437], %swap3A_440 {strides = array<i32>} : memref<12x512x64xbf16, #tpu.memory_space<vmem>>, vector<1x512x64xbf16>,
      %broadcast_in_dim3A_441 = arith.constant 0.000000e+00 : f32
      %broadcast_in_dim3A_442 = vector.broadcast %broadcast_in_dim3A_441 : f32 to vector<512x1xf32>
      %eq3A_443 = arith.constant 0 : i32
      %eq3A_444 = vector.broadcast %eq3A_443 : i32 to vector<512x1xi32>
      %eq3A_445 = arith.cmpi eq, %select_n3A, %eq3A_444 : vector<512x1xi32>
      %get3A_446 = arith.constant 0 : index
      %get3A_447 = arith.constant 0 : index
      %get3A_448 = arith.constant 0 : index
      %get3A_449 = memref.load %arg5[%get3A_446, %get3A_447, %get3A_448] : memref<1x12x16xf32, #tpu.memory_space<smem>>
      %broadcast_in_dim3A_450 = vector.broadcast %get3A_449 : f32 to vector<512x1xf32>
      %select_n3A_451 = arith.select %eq3A_445, %broadcast_in_dim3A_450, %broadcast_in_dim3A_442 : vector<512x1xi1>, vector<512x1xf32>
      %eq3A_452 = arith.constant 1 : i32
      %eq3A_453 = vector.broadcast %eq3A_452 : i32 to vector<512x1xi32>
      %eq3A_454 = arith.cmpi eq, %select_n3A, %eq3A_453 : vector<512x1xi32>
      %get3A_455 = arith.constant 0 : index
      %get3A_456 = arith.constant 0 : index
      %get3A_457 = arith.constant 1 : index
      %get3A_458 = memref.load %arg5[%get3A_455, %get3A_456, %get3A_457] : memref<1x12x16xf32, #tpu.memory_space<smem>>
      %broadcast_in_dim3A_459 = vector.broadcast %get3A_458 : f32 to vector<512x1xf32>
      %select_n3A_460 = arith.select %eq3A_454, %broadcast_in_dim3A_459, %select_n3A_451 : vector<512x1xi1>, vector<512x1xf32>
      %eq3A_461 = arith.constant 2 : i32
      %eq3A_462 = vector.broadcast %eq3A_461 : i32 to vector<512x1xi32>
      %eq3A_463 = arith.cmpi eq, %select_n3A, %eq3A_462 : vector<512x1xi32>
      %get3A_464 = arith.constant 0 : index
      %get3A_465 = arith.constant 0 : index
      %get3A_466 = arith.constant 2 : index
      %get3A_467 = memref.load %arg5[%get3A_464, %get3A_465, %get3A_466] : memref<1x12x16xf32, #tpu.memory_space<smem>>
      %broadcast_in_dim3A_468 = vector.broadcast %get3A_467 : f32 to vector<512x1xf32>
      %select_n3A_469 = arith.select %eq3A_463, %broadcast_in_dim3A_468, %select_n3A_460 : vector<512x1xi1>, vector<512x1xf32>
      %eq3A_470 = arith.constant 3 : i32
      %eq3A_471 = vector.broadcast %eq3A_470 : i32 to vector<512x1xi32>
      %eq3A_472 = arith.cmpi eq, %select_n3A, %eq3A_471 : vector<512x1xi32>
      %get3A_473 = arith.constant 0 : index
      %get3A_474 = arith.constant 0 : index
      %get3A_475 = arith.constant 3 : index
      %get3A_476 = memref.load %arg5[%get3A_473, %get3A_474, %get3A_475] : memref<1x12x16xf32, #tpu.memory_space<smem>>
      %broadcast_in_dim3A_477 = vector.broadcast %get3A_476 : f32 to vector<512x1xf32>
      %select_n3A_478 = arith.select %eq3A_472, %broadcast_in_dim3A_477, %select_n3A_469 : vector<512x1xi1>, vector<512x1xf32>
      %eq3A_479 = arith.constant 4 : i32
      %eq3A_480 = vector.broadcast %eq3A_479 : i32 to vector<512x1xi32>
      %eq3A_481 = arith.cmpi eq, %select_n3A, %eq3A_480 : vector<512x1xi32>
      %get3A_482 = arith.constant 0 : index
      %get3A_483 = arith.constant 0 : index
      %get3A_484 = arith.constant 4 : index
      %get3A_485 = memref.load %arg5[%get3A_482, %get3A_483, %get3A_484] : memref<1x12x16xf32, #tpu.memory_space<smem>>
      %broadcast_in_dim3A_486 = vector.broadcast %get3A_485 : f32 to vector<512x1xf32>
      %select_n3A_487 = arith.select %eq3A_481, %broadcast_in_dim3A_486, %select_n3A_478 : vector<512x1xi1>, vector<512x1xf32>
      %eq3A_488 = arith.constant 5 : i32
      %eq3A_489 = vector.broadcast %eq3A_488 : i32 to vector<512x1xi32>
      %eq3A_490 = arith.cmpi eq, %select_n3A, %eq3A_489 : vector<512x1xi32>
      %get3A_491 = arith.constant 0 : index
      %get3A_492 = arith.constant 0 : index
      %get3A_493 = arith.constant 5 : index
      %get3A_494 = memref.load %arg5[%get3A_491, %get3A_492, %get3A_493] : memref<1x12x16xf32, #tpu.memory_space<smem>>
      %broadcast_in_dim3A_495 = vector.broadcast %get3A_494 : f32 to vector<512x1xf32>
      %select_n3A_496 = arith.select %eq3A_490, %broadcast_in_dim3A_495, %select_n3A_487 : vector<512x1xi1>, vector<512x1xf32>
      %eq3A_497 = arith.constant 6 : i32
      %eq3A_498 = vector.broadcast %eq3A_497 : i32 to vector<512x1xi32>
      %eq3A_499 = arith.cmpi eq, %select_n3A, %eq3A_498 : vector<512x1xi32>
      %get3A_500 = arith.constant 0 : index
      %get3A_501 = arith.constant 0 : index
      %get3A_502 = arith.constant 6 : index
      %get3A_503 = memref.load %arg5[%get3A_500, %get3A_501, %get3A_502] : memref<1x12x16xf32, #tpu.memory_space<smem>>
      %broadcast_in_dim3A_504 = vector.broadcast %get3A_503 : f32 to vector<512x1xf32>
      %select_n3A_505 = arith.select %eq3A_499, %broadcast_in_dim3A_504, %select_n3A_496 : vector<512x1xi1>, vector<512x1xf32>
      %eq3A_506 = arith.constant 7 : i32
      %eq3A_507 = vector.broadcast %eq3A_506 : i32 to vector<512x1xi32>
      %eq3A_508 = arith.cmpi eq, %select_n3A, %eq3A_507 : vector<512x1xi32>
      %get3A_509 = arith.constant 0 : index
      %get3A_510 = arith.constant 0 : index
      %get3A_511 = arith.constant 7 : index
      %get3A_512 = memref.load %arg5[%get3A_509, %get3A_510, %get3A_511] : memref<1x12x16xf32, #tpu.memory_space<smem>>
      %broadcast_in_dim3A_513 = vector.broadcast %get3A_512 : f32 to vector<512x1xf32>
      %select_n3A_514 = arith.select %eq3A_508, %broadcast_in_dim3A_513, %select_n3A_505 : vector<512x1xi1>, vector<512x1xf32>
      %get3A_515 = arith.constant 0 : index
      %get3A_516 = arith.constant 0 : index
      %get3A_517 = arith.constant 0 : index
      %get3A_518 = arith.constant 0 : index
      %get3A_519 = vector.load %arg4[%get3A_515, %get3A_516, %get3A_517, %get3A_518] : memref<1x12x512x64xf32, #tpu.memory_space<vmem>>, vector<1x1x512x64xf32>
      %get3A_520 = vector.shape_cast %get3A_519 : vector<1x1x512x64xf32> to vector<512x64xf32>
      %mul3A_521 = vector.broadcast %select_n3A_514 : vector<512x1xf32> to vector<512x64xf32>
      %mul3A_522 = arith.mulf %get3A_520, %mul3A_521 : vector<512x64xf32>
      %convert_element_type3A_523 = arith.truncf %mul3A_522 : vector<512x64xf32> to vector<512x64xbf16>
      %swap3A_524 = arith.constant 0 : index
      %swap3A_525 = arith.constant 0 : index
      %swap3A_526 = arith.constant 0 : index
      %swap3A_527 = vector.load %arg10[%swap3A_524, %swap3A_525, %swap3A_526] : memref<12x512x64xbf16, #tpu.memory_space<vmem>>, vector<1x512x64xbf16>
      %swap3A_528 = vector.shape_cast %swap3A_527 : vector<1x512x64xbf16> to vector<512x64xbf16>
      %swap3A_529 = vector.shape_cast %convert_element_type3A_523 : vector<512x64xbf16> to vector<1x512x64xbf16>
      tpu.vector_store %arg10[%swap3A_524, %swap3A_525, %swap3A_526], %swap3A_529 {strides = array<i32>} : memref<12x512x64xbf16, #tpu.memory_space<vmem>>, vector<1x512x64xbf16>,
      %get3A_530 = arith.constant 0 : index
      %get3A_531 = arith.constant 1 : index
      %get3A_532 = arith.constant 0 : index
      %get3A_533 = arith.constant 0 : index
      %get3A_534 = vector.load %arg3[%get3A_530, %get3A_531, %get3A_532, %get3A_533] : memref<1x12x512x64xf32, #tpu.memory_space<vmem>>, vector<1x1x512x64xf32>
      %get3A_535 = vector.shape_cast %get3A_534 : vector<1x1x512x64xf32> to vector<512x64xf32>
      %convert_element_type3A_536 = arith.truncf %get3A_535 : vector<512x64xf32> to vector<512x64xbf16>
      %swap3A_537 = arith.constant 1 : index
      %swap3A_538 = arith.constant 0 : index
      %swap3A_539 = arith.constant 0 : index
      %swap3A_540 = vector.load %arg9[%swap3A_537, %swap3A_538, %swap3A_539] : memref<12x512x64xbf16, #tpu.memory_space<vmem>>, vector<1x512x64xbf16>
      %swap3A_541 = vector.shape_cast %swap3A_540 : vector<1x512x64xbf16> to vector<512x64xbf16>
      %swap3A_542 = vector.shape_cast %convert_element_type3A_536 : vector<512x64xbf16> to vector<1x512x64xbf16>
      tpu.vector_store %arg9[%swap3A_537, %swap3A_538, %swap3A_539], %swap3A_542 {strides = array<i32>} : memref<12x512x64xbf16, #tpu.memory_space<vmem>>, vector<1x512x64xbf16>,
      %broadcast_in_dim3A_543 = arith.constant 0.000000e+00 : f32
      %broadcast_in_dim3A_544 = vector.broadcast %broadcast_in_dim3A_543 : f32 to vector<512x1xf32>
      %eq3A_545 = arith.constant 0 : i32
      %eq3A_546 = vector.broadcast %eq3A_545 : i32 to vector<512x1xi32>
      %eq3A_547 = arith.cmpi eq, %select_n3A, %eq3A_546 : vector<512x1xi32>
      %get3A_548 = arith.constant 0 : index
      %get3A_549 = arith.constant 1 : index
      %get3A_550 = arith.constant 0 : index
      %get3A_551 = memref.load %arg5[%get3A_548, %get3A_549, %get3A_550] : memref<1x12x16xf32, #tpu.memory_space<smem>>
      %broadcast_in_dim3A_552 = vector.broadcast %get3A_551 : f32 to vector<512x1xf32>
      %select_n3A_553 = arith.select %eq3A_547, %broadcast_in_dim3A_552, %broadcast_in_dim3A_544 : vector<512x1xi1>, vector<512x1xf32>
      %eq3A_554 = arith.constant 1 : i32
      %eq3A_555 = vector.broadcast %eq3A_554 : i32 to vector<512x1xi32>
      %eq3A_556 = arith.cmpi eq, %select_n3A, %eq3A_555 : vector<512x1xi32>
      %get3A_557 = arith.constant 0 : index
      %get3A_558 = arith.constant 1 : index
      %get3A_559 = arith.constant 1 : index
      %get3A_560 = memref.load %arg5[%get3A_557, %get3A_558, %get3A_559] : memref<1x12x16xf32, #tpu.memory_space<smem>>
      %broadcast_in_dim3A_561 = vector.broadcast %get3A_560 : f32 to vector<512x1xf32>
      %select_n3A_562 = arith.select %eq3A_556, %broadcast_in_dim3A_561, %select_n3A_553 : vector<512x1xi1>, vector<512x1xf32>
      %eq3A_563 = arith.constant 2 : i32
      %eq3A_564 = vector.broadcast %eq3A_563 : i32 to vector<512x1xi32>
      %eq3A_565 = arith.cmpi eq, %select_n3A, %eq3A_564 : vector<512x1xi32>
      %get3A_566 = arith.constant 0 : index
      %get3A_567 = arith.constant 1 : index
      %get3A_568 = arith.constant 2 : index
      %get3A_569 = memref.load %arg5[%get3A_566, %get3A_567, %get3A_568] : memref<1x12x16xf32, #tpu.memory_space<smem>>
      %broadcast_in_dim3A_570 = vector.broadcast %get3A_569 : f32 to vector<512x1xf32>
      %select_n3A_571 = arith.select %eq3A_565, %broadcast_in_dim3A_570, %select_n3A_562 : vector<512x1xi1>, vector<512x1xf32>
      %eq3A_572 = arith.constant 3 : i32
      %eq3A_573 = vector.broadcast %eq3A_572 : i32 to vector<512x1xi32>
      %eq3A_574 = arith.cmpi eq, %select_n3A, %eq3A_573 : vector<512x1xi32>
      %get3A_575 = arith.constant 0 : index
      %get3A_576 = arith.constant 1 : index
      %get3A_577 = arith.constant 3 : index
      %get3A_578 = memref.load %arg5[%get3A_575, %get3A_576, %get3A_577] : memref<1x12x16xf32, #tpu.memory_space<smem>>
      %broadcast_in_dim3A_579 = vector.broadcast %get3A_578 : f32 to vector<512x1xf32>
      %select_n3A_580 = arith.select %eq3A_574, %broadcast_in_dim3A_579, %select_n3A_571 : vector<512x1xi1>, vector<512x1xf32>
      %eq3A_581 = arith.constant 4 : i32
      %eq3A_582 = vector.broadcast %eq3A_581 : i32 to vector<512x1xi32>
      %eq3A_583 = arith.cmpi eq, %select_n3A, %eq3A_582 : vector<512x1xi32>
      %get3A_584 = arith.constant 0 : index
      %get3A_585 = arith.constant 1 : index
      %get3A_586 = arith.constant 4 : index
      %get3A_587 = memref.load %arg5[%get3A_584, %get3A_585, %get3A_586] : memref<1x12x16xf32, #tpu.memory_space<smem>>
      %broadcast_in_dim3A_588 = vector.broadcast %get3A_587 : f32 to vector<512x1xf32>
      %select_n3A_589 = arith.select %eq3A_583, %broadcast_in_dim3A_588, %select_n3A_580 : vector<512x1xi1>, vector<512x1xf32>
      %eq3A_590 = arith.constant 5 : i32
      %eq3A_591 = vector.broadcast %eq3A_590 : i32 to vector<512x1xi32>
      %eq3A_592 = arith.cmpi eq, %select_n3A, %eq3A_591 : vector<512x1xi32>
      %get3A_593 = arith.constant 0 : index
      %get3A_594 = arith.constant 1 : index
      %get3A_595 = arith.constant 5 : index
      %get3A_596 = memref.load %arg5[%get3A_593, %get3A_594, %get3A_595] : memref<1x12x16xf32, #tpu.memory_space<smem>>
      %broadcast_in_dim3A_597 = vector.broadcast %get3A_596 : f32 to vector<512x1xf32>
      %select_n3A_598 = arith.select %eq3A_592, %broadcast_in_dim3A_597, %select_n3A_589 : vector<512x1xi1>, vector<512x1xf32>
      %eq3A_599 = arith.constant 6 : i32
      %eq3A_600 = vector.broadcast %eq3A_599 : i32 to vector<512x1xi32>
      %eq3A_601 = arith.cmpi eq, %select_n3A, %eq3A_600 : vector<512x1xi32>
      %get3A_602 = arith.constant 0 : index
      %get3A_603 = arith.constant 1 : index
      %get3A_604 = arith.constant 6 : index
      %get3A_605 = memref.load %arg5[%get3A_602, %get3A_603, %get3A_604] : memref<1x12x16xf32, #tpu.memory_space<smem>>
      %broadcast_in_dim3A_606 = vector.broadcast %get3A_605 : f32 to vector<512x1xf32>
      %select_n3A_607 = arith.select %eq3A_601, %broadcast_in_dim3A_606, %select_n3A_598 : vector<512x1xi1>, vector<512x1xf32>
      %eq3A_608 = arith.constant 7 : i32
      %eq3A_609 = vector.broadcast %eq3A_608 : i32 to vector<512x1xi32>
      %eq3A_610 = arith.cmpi eq, %select_n3A, %eq3A_609 : vector<512x1xi32>
      %get3A_611 = arith.constant 0 : index
      %get3A_612 = arith.constant 1 : index
      %get3A_613 = arith.constant 7 : index
      %get3A_614 = memref.load %arg5[%get3A_611, %get3A_612, %get3A_613] : memref<1x12x16xf32, #tpu.memory_space<smem>>
      %broadcast_in_dim3A_615 = vector.broadcast %get3A_614 : f32 to vector<512x1xf32>
      %select_n3A_616 = arith.select %eq3A_610, %broadcast_in_dim3A_615, %select_n3A_607 : vector<512x1xi1>, vector<512x1xf32>
      %get3A_617 = arith.constant 0 : index
      %get3A_618 = arith.constant 1 : index
      %get3A_619 = arith.constant 0 : index
      %get3A_620 = arith.constant 0 : index
      %get3A_621 = vector.load %arg4[%get3A_617, %get3A_618, %get3A_619, %get3A_620] : memref<1x12x512x64xf32, #tpu.memory_space<vmem>>, vector<1x1x512x64xf32>
      %get3A_622 = vector.shape_cast %get3A_621 : vector<1x1x512x64xf32> to vector<512x64xf32>
      %mul3A_623 = vector.broadcast %select_n3A_616 : vector<512x1xf32> to vector<512x64xf32>
      %mul3A_624 = arith.mulf %get3A_622, %mul3A_623 : vector<512x64xf32>
      %convert_element_type3A_625 = arith.truncf %mul3A_624 : vector<512x64xf32> to vector<512x64xbf16>
      %swap3A_626 = arith.constant 1 : index
      %swap3A_627 = arith.constant 0 : index
      %swap3A_628 = arith.constant 0 : index
      %swap3A_629 = vector.load %arg10[%swap3A_626, %swap3A_627, %swap3A_628] : memref<12x512x64xbf16, #tpu.memory_space<vmem>>, vector<1x512x64xbf16>
      %swap3A_630 = vector.shape_cast %swap3A_629 : vector<1x512x64xbf16> to vector<512x64xbf16>
      %swap3A_631 = vector.shape_cast %convert_element_type3A_625 : vector<512x64xbf16> to vector<1x512x64xbf16>
      tpu.vector_store %arg10[%swap3A_626, %swap3A_627, %swap3A_628], %swap3A_631 {strides = array<i32>} : memref<12x512x64xbf16, #tpu.memory_space<vmem>>, vector<1x512x64xbf16>,
      %get3A_632 = arith.constant 0 : index
      %get3A_633 = arith.constant 2 : index
      %get3A_634 = arith.constant 0 : index
      %get3A_635 = arith.constant 0 : index
      %get3A_636 = vector.load %arg3[%get3A_632, %get3A_633, %get3A_634, %get3A_635] : memref<1x12x512x64xf32, #tpu.memory_space<vmem>>, vector<1x1x512x64xf32>
      %get3A_637 = vector.shape_cast %get3A_636 : vector<1x1x512x64xf32> to vector<512x64xf32>
      %convert_element_type3A_638 = arith.truncf %get3A_637 : vector<512x64xf32> to vector<512x64xbf16>
      %swap3A_639 = arith.constant 2 : index
      %swap3A_640 = arith.constant 0 : index
      %swap3A_641 = arith.constant 0 : index
      %swap3A_642 = vector.load %arg9[%swap3A_639, %swap3A_640, %swap3A_641] : memref<12x512x64xbf16, #tpu.memory_space<vmem>>, vector<1x512x64xbf16>
      %swap3A_643 = vector.shape_cast %swap3A_642 : vector<1x512x64xbf16> to vector<512x64xbf16>
      %swap3A_644 = vector.shape_cast %convert_element_type3A_638 : vector<512x64xbf16> to vector<1x512x64xbf16>
      tpu.vector_store %arg9[%swap3A_639, %swap3A_640, %swap3A_641], %swap3A_644 {strides = array<i32>} : memref<12x512x64xbf16, #tpu.memory_space<vmem>>, vector<1x512x64xbf16>,
      %broadcast_in_dim3A_645 = arith.constant 0.000000e+00 : f32
      %broadcast_in_dim3A_646 = vector.broadcast %broadcast_in_dim3A_645 : f32 to vector<512x1xf32>
      %eq3A_647 = arith.constant 0 : i32
      %eq3A_648 = vector.broadcast %eq3A_647 : i32 to vector<512x1xi32>
      %eq3A_649 = arith.cmpi eq, %select_n3A, %eq3A_648 : vector<512x1xi32>
      %get3A_650 = arith.constant 0 : index
      %get3A_651 = arith.constant 2 : index
      %get3A_652 = arith.constant 0 : index
      %get3A_653 = memref.load %arg5[%get3A_650, %get3A_651, %get3A_652] : memref<1x12x16xf32, #tpu.memory_space<smem>>
      %broadcast_in_dim3A_654 = vector.broadcast %get3A_653 : f32 to vector<512x1xf32>
      %select_n3A_655 = arith.select %eq3A_649, %broadcast_in_dim3A_654, %broadcast_in_dim3A_646 : vector<512x1xi1>, vector<512x1xf32>
      %eq3A_656 = arith.constant 1 : i32
      %eq3A_657 = vector.broadcast %eq3A_656 : i32 to vector<512x1xi32>
      %eq3A_658 = arith.cmpi eq, %select_n3A, %eq3A_657 : vector<512x1xi32>
      %get3A_659 = arith.constant 0 : index
      %get3A_660 = arith.constant 2 : index
      %get3A_661 = arith.constant 1 : index
      %get3A_662 = memref.load %arg5[%get3A_659, %get3A_660, %get3A_661] : memref<1x12x16xf32, #tpu.memory_space<smem>>
      %broadcast_in_dim3A_663 = vector.broadcast %get3A_662 : f32 to vector<512x1xf32>
      %select_n3A_664 = arith.select %eq3A_658, %broadcast_in_dim3A_663, %select_n3A_655 : vector<512x1xi1>, vector<512x1xf32>
      %eq3A_665 = arith.constant 2 : i32
      %eq3A_666 = vector.broadcast %eq3A_665 : i32 to vector<512x1xi32>
      %eq3A_667 = arith.cmpi eq, %select_n3A, %eq3A_666 : vector<512x1xi32>
      %get3A_668 = arith.constant 0 : index
      %get3A_669 = arith.constant 2 : index
      %get3A_670 = arith.constant 2 : index
      %get3A_671 = memref.load %arg5[%get3A_668, %get3A_669, %get3A_670] : memref<1x12x16xf32, #tpu.memory_space<smem>>
      %broadcast_in_dim3A_672 = vector.broadcast %get3A_671 : f32 to vector<512x1xf32>
      %select_n3A_673 = arith.select %eq3A_667, %broadcast_in_dim3A_672, %select_n3A_664 : vector<512x1xi1>, vector<512x1xf32>
      %eq3A_674 = arith.constant 3 : i32
      %eq3A_675 = vector.broadcast %eq3A_674 : i32 to vector<512x1xi32>
      %eq3A_676 = arith.cmpi eq, %select_n3A, %eq3A_675 : vector<512x1xi32>
      %get3A_677 = arith.constant 0 : index
      %get3A_678 = arith.constant 2 : index
      %get3A_679 = arith.constant 3 : index
      %get3A_680 = memref.load %arg5[%get3A_677, %get3A_678, %get3A_679] : memref<1x12x16xf32, #tpu.memory_space<smem>>
      %broadcast_in_dim3A_681 = vector.broadcast %get3A_680 : f32 to vector<512x1xf32>
      %select_n3A_682 = arith.select %eq3A_676, %broadcast_in_dim3A_681, %select_n3A_673 : vector<512x1xi1>, vector<512x1xf32>
      %eq3A_683 = arith.constant 4 : i32
      %eq3A_684 = vector.broadcast %eq3A_683 : i32 to vector<512x1xi32>
      %eq3A_685 = arith.cmpi eq, %select_n3A, %eq3A_684 : vector<512x1xi32>
      %get3A_686 = arith.constant 0 : index
      %get3A_687 = arith.constant 2 : index
      %get3A_688 = arith.constant 4 : index
      %get3A_689 = memref.load %arg5[%get3A_686, %get3A_687, %get3A_688] : memref<1x12x16xf32, #tpu.memory_space<smem>>
      %broadcast_in_dim3A_690 = vector.broadcast %get3A_689 : f32 to vector<512x1xf32>
      %select_n3A_691 = arith.select %eq3A_685, %broadcast_in_dim3A_690, %select_n3A_682 : vector<512x1xi1>, vector<512x1xf32>
      %eq3A_692 = arith.constant 5 : i32
      %eq3A_693 = vector.broadcast %eq3A_692 : i32 to vector<512x1xi32>
      %eq3A_694 = arith.cmpi eq, %select_n3A, %eq3A_693 : vector<512x1xi32>
      %get3A_695 = arith.constant 0 : index
      %get3A_696 = arith.constant 2 : index
      %get3A_697 = arith.constant 5 : index
      %get3A_698 = memref.load %arg5[%get3A_695, %get3A_696, %get3A_697] : memref<1x12x16xf32, #tpu.memory_space<smem>>
      %broadcast_in_dim3A_699 = vector.broadcast %get3A_698 : f32 to vector<512x1xf32>
      %select_n3A_700 = arith.select %eq3A_694, %broadcast_in_dim3A_699, %select_n3A_691 : vector<512x1xi1>, vector<512x1xf32>
      %eq3A_701 = arith.constant 6 : i32
      %eq3A_702 = vector.broadcast %eq3A_701 : i32 to vector<512x1xi32>
      %eq3A_703 = arith.cmpi eq, %select_n3A, %eq3A_702 : vector<512x1xi32>
      %get3A_704 = arith.constant 0 : index
      %get3A_705 = arith.constant 2 : index
      %get3A_706 = arith.constant 6 : index
      %get3A_707 = memref.load %arg5[%get3A_704, %get3A_705, %get3A_706] : memref<1x12x16xf32, #tpu.memory_space<smem>>
      %broadcast_in_dim3A_708 = vector.broadcast %get3A_707 : f32 to vector<512x1xf32>
      %select_n3A_709 = arith.select %eq3A_703, %broadcast_in_dim3A_708, %select_n3A_700 : vector<512x1xi1>, vector<512x1xf32>
      %eq3A_710 = arith.constant 7 : i32
      %eq3A_711 = vector.broadcast %eq3A_710 : i32 to vector<512x1xi32>
      %eq3A_712 = arith.cmpi eq, %select_n3A, %eq3A_711 : vector<512x1xi32>
      %get3A_713 = arith.constant 0 : index
      %get3A_714 = arith.constant 2 : index
      %get3A_715 = arith.constant 7 : index
      %get3A_716 = memref.load %arg5[%get3A_713, %get3A_714, %get3A_715] : memref<1x12x16xf32, #tpu.memory_space<smem>>
      %broadcast_in_dim3A_717 = vector.broadcast %get3A_716 : f32 to vector<512x1xf32>
      %select_n3A_718 = arith.select %eq3A_712, %broadcast_in_dim3A_717, %select_n3A_709 : vector<512x1xi1>, vector<512x1xf32>
      %get3A_719 = arith.constant 0 : index
      %get3A_720 = arith.constant 2 : index
      %get3A_721 = arith.constant 0 : index
      %get3A_722 = arith.constant 0 : index
      %get3A_723 = vector.load %arg4[%get3A_719, %get3A_720, %get3A_721, %get3A_722] : memref<1x12x512x64xf32, #tpu.memory_space<vmem>>, vector<1x1x512x64xf32>
      %get3A_724 = vector.shape_cast %get3A_723 : vector<1x1x512x64xf32> to vector<512x64xf32>
      %mul3A_725 = vector.broadcast %select_n3A_718 : vector<512x1xf32> to vector<512x64xf32>
      %mul3A_726 = arith.mulf %get3A_724, %mul3A_725 : vector<512x64xf32>
      %convert_element_type3A_727 = arith.truncf %mul3A_726 : vector<512x64xf32> to vector<512x64xbf16>
      %swap3A_728 = arith.constant 2 : index
      %swap3A_729 = arith.constant 0 : index
      %swap3A_730 = arith.constant 0 : index
      %swap3A_731 = vector.load %arg10[%swap3A_728, %swap3A_729, %swap3A_730] : memref<12x512x64xbf16, #tpu.memory_space<vmem>>, vector<1x512x64xbf16>
      %swap3A_732 = vector.shape_cast %swap3A_731 : vector<1x512x64xbf16> to vector<512x64xbf16>
      %swap3A_733 = vector.shape_cast %convert_element_type3A_727 : vector<512x64xbf16> to vector<1x512x64xbf16>
      tpu.vector_store %arg10[%swap3A_728, %swap3A_729, %swap3A_730], %swap3A_733 {strides = array<i32>} : memref<12x512x64xbf16, #tpu.memory_space<vmem>>, vector<1x512x64xbf16>,
      %get3A_734 = arith.constant 0 : index
      %get3A_735 = arith.constant 3 : index
      %get3A_736 = arith.constant 0 : index
      %get3A_737 = arith.constant 0 : index
      %get3A_738 = vector.load %arg3[%get3A_734, %get3A_735, %get3A_736, %get3A_737] : memref<1x12x512x64xf32, #tpu.memory_space<vmem>>, vector<1x1x512x64xf32>
      %get3A_739 = vector.shape_cast %get3A_738 : vector<1x1x512x64xf32> to vector<512x64xf32>
      %convert_element_type3A_740 = arith.truncf %get3A_739 : vector<512x64xf32> to vector<512x64xbf16>
      %swap3A_741 = arith.constant 3 : index
      %swap3A_742 = arith.constant 0 : index
      %swap3A_743 = arith.constant 0 : index
      %swap3A_744 = vector.load %arg9[%swap3A_741, %swap3A_742, %swap3A_743] : memref<12x512x64xbf16, #tpu.memory_space<vmem>>, vector<1x512x64xbf16>
      %swap3A_745 = vector.shape_cast %swap3A_744 : vector<1x512x64xbf16> to vector<512x64xbf16>
      %swap3A_746 = vector.shape_cast %convert_element_type3A_740 : vector<512x64xbf16> to vector<1x512x64xbf16>
      tpu.vector_store %arg9[%swap3A_741, %swap3A_742, %swap3A_743], %swap3A_746 {strides = array<i32>} : memref<12x512x64xbf16, #tpu.memory_space<vmem>>, vector<1x512x64xbf16>,
      %broadcast_in_dim3A_747 = arith.constant 0.000000e+00 : f32
      %broadcast_in_dim3A_748 = vector.broadcast %broadcast_in_dim3A_747 : f32 to vector<512x1xf32>
      %eq3A_749 = arith.constant 0 : i32
      %eq3A_750 = vector.broadcast %eq3A_749 : i32 to vector<512x1xi32>
      %eq3A_751 = arith.cmpi eq, %select_n3A, %eq3A_750 : vector<512x1xi32>
      %get3A_752 = arith.constant 0 : index
      %get3A_753 = arith.constant 3 : index
      %get3A_754 = arith.constant 0 : index
      %get3A_755 = memref.load %arg5[%get3A_752, %get3A_753, %get3A_754] : memref<1x12x16xf32, #tpu.memory_space<smem>>
      %broadcast_in_dim3A_756 = vector.broadcast %get3A_755 : f32 to vector<512x1xf32>
      %select_n3A_757 = arith.select %eq3A_751, %broadcast_in_dim3A_756, %broadcast_in_dim3A_748 : vector<512x1xi1>, vector<512x1xf32>
      %eq3A_758 = arith.constant 1 : i32
      %eq3A_759 = vector.broadcast %eq3A_758 : i32 to vector<512x1xi32>
      %eq3A_760 = arith.cmpi eq, %select_n3A, %eq3A_759 : vector<512x1xi32>
      %get3A_761 = arith.constant 0 : index
      %get3A_762 = arith.constant 3 : index
      %get3A_763 = arith.constant 1 : index
      %get3A_764 = memref.load %arg5[%get3A_761, %get3A_762, %get3A_763] : memref<1x12x16xf32, #tpu.memory_space<smem>>
      %broadcast_in_dim3A_765 = vector.broadcast %get3A_764 : f32 to vector<512x1xf32>
      %select_n3A_766 = arith.select %eq3A_760, %broadcast_in_dim3A_765, %select_n3A_757 : vector<512x1xi1>, vector<512x1xf32>
      %eq3A_767 = arith.constant 2 : i32
      %eq3A_768 = vector.broadcast %eq3A_767 : i32 to vector<512x1xi32>
      %eq3A_769 = arith.cmpi eq, %select_n3A, %eq3A_768 : vector<512x1xi32>
      %get3A_770 = arith.constant 0 : index
      %get3A_771 = arith.constant 3 : index
      %get3A_772 = arith.constant 2 : index
      %get3A_773 = memref.load %arg5[%get3A_770, %get3A_771, %get3A_772] : memref<1x12x16xf32, #tpu.memory_space<smem>>
      %broadcast_in_dim3A_774 = vector.broadcast %get3A_773 : f32 to vector<512x1xf32>
      %select_n3A_775 = arith.select %eq3A_769, %broadcast_in_dim3A_774, %select_n3A_766 : vector<512x1xi1>, vector<512x1xf32>
      %eq3A_776 = arith.constant 3 : i32
      %eq3A_777 = vector.broadcast %eq3A_776 : i32 to vector<512x1xi32>
      %eq3A_778 = arith.cmpi eq, %select_n3A, %eq3A_777 : vector<512x1xi32>
      %get3A_779 = arith.constant 0 : index
      %get3A_780 = arith.constant 3 : index
      %get3A_781 = arith.constant 3 : index
      %get3A_782 = memref.load %arg5[%get3A_779, %get3A_780, %get3A_781] : memref<1x12x16xf32, #tpu.memory_space<smem>>
      %broadcast_in_dim3A_783 = vector.broadcast %get3A_782 : f32 to vector<512x1xf32>
      %select_n3A_784 = arith.select %eq3A_778, %broadcast_in_dim3A_783, %select_n3A_775 : vector<512x1xi1>, vector<512x1xf32>
      %eq3A_785 = arith.constant 4 : i32
      %eq3A_786 = vector.broadcast %eq3A_785 : i32 to vector<512x1xi32>
      %eq3A_787 = arith.cmpi eq, %select_n3A, %eq3A_786 : vector<512x1xi32>
      %get3A_788 = arith.constant 0 : index
      %get3A_789 = arith.constant 3 : index
      %get3A_790 = arith.constant 4 : index
      %get3A_791 = memref.load %arg5[%get3A_788, %get3A_789, %get3A_790] : memref<1x12x16xf32, #tpu.memory_space<smem>>
      %broadcast_in_dim3A_792 = vector.broadcast %get3A_791 : f32 to vector<512x1xf32>
      %select_n3A_793 = arith.select %eq3A_787, %broadcast_in_dim3A_792, %select_n3A_784 : vector<512x1xi1>, vector<512x1xf32>
      %eq3A_794 = arith.constant 5 : i32
      %eq3A_795 = vector.broadcast %eq3A_794 : i32 to vector<512x1xi32>
      %eq3A_796 = arith.cmpi eq, %select_n3A, %eq3A_795 : vector<512x1xi32>
      %get3A_797 = arith.constant 0 : index
      %get3A_798 = arith.constant 3 : index
      %get3A_799 = arith.constant 5 : index
      %get3A_800 = memref.load %arg5[%get3A_797, %get3A_798, %get3A_799] : memref<1x12x16xf32, #tpu.memory_space<smem>>
      %broadcast_in_dim3A_801 = vector.broadcast %get3A_800 : f32 to vector<512x1xf32>
      %select_n3A_802 = arith.select %eq3A_796, %broadcast_in_dim3A_801, %select_n3A_793 : vector<512x1xi1>, vector<512x1xf32>
      %eq3A_803 = arith.constant 6 : i32
      %eq3A_804 = vector.broadcast %eq3A_803 : i32 to vector<512x1xi32>
      %eq3A_805 = arith.cmpi eq, %select_n3A, %eq3A_804 : vector<512x1xi32>
      %get3A_806 = arith.constant 0 : index
      %get3A_807 = arith.constant 3 : index
      %get3A_808 = arith.constant 6 : index
      %get3A_809 = memref.load %arg5[%get3A_806, %get3A_807, %get3A_808] : memref<1x12x16xf32, #tpu.memory_space<smem>>
      %broadcast_in_dim3A_810 = vector.broadcast %get3A_809 : f32 to vector<512x1xf32>
      %select_n3A_811 = arith.select %eq3A_805, %broadcast_in_dim3A_810, %select_n3A_802 : vector<512x1xi1>, vector<512x1xf32>
      %eq3A_812 = arith.constant 7 : i32
      %eq3A_813 = vector.broadcast %eq3A_812 : i32 to vector<512x1xi32>
      %eq3A_814 = arith.cmpi eq, %select_n3A, %eq3A_813 : vector<512x1xi32>
      %get3A_815 = arith.constant 0 : index
      %get3A_816 = arith.constant 3 : index
      %get3A_817 = arith.constant 7 : index
      %get3A_818 = memref.load %arg5[%get3A_815, %get3A_816, %get3A_817] : memref<1x12x16xf32, #tpu.memory_space<smem>>
      %broadcast_in_dim3A_819 = vector.broadcast %get3A_818 : f32 to vector<512x1xf32>
      %select_n3A_820 = arith.select %eq3A_814, %broadcast_in_dim3A_819, %select_n3A_811 : vector<512x1xi1>, vector<512x1xf32>
      %get3A_821 = arith.constant 0 : index
      %get3A_822 = arith.constant 3 : index
      %get3A_823 = arith.constant 0 : index
      %get3A_824 = arith.constant 0 : index
      %get3A_825 = vector.load %arg4[%get3A_821, %get3A_822, %get3A_823, %get3A_824] : memref<1x12x512x64xf32, #tpu.memory_space<vmem>>, vector<1x1x512x64xf32>
      %get3A_826 = vector.shape_cast %get3A_825 : vector<1x1x512x64xf32> to vector<512x64xf32>
      %mul3A_827 = vector.broadcast %select_n3A_820 : vector<512x1xf32> to vector<512x64xf32>
      %mul3A_828 = arith.mulf %get3A_826, %mul3A_827 : vector<512x64xf32>
      %convert_element_type3A_829 = arith.truncf %mul3A_828 : vector<512x64xf32> to vector<512x64xbf16>
      %swap3A_830 = arith.constant 3 : index
      %swap3A_831 = arith.constant 0 : index
      %swap3A_832 = arith.constant 0 : index
      %swap3A_833 = vector.load %arg10[%swap3A_830, %swap3A_831, %swap3A_832] : memref<12x512x64xbf16, #tpu.memory_space<vmem>>, vector<1x512x64xbf16>
      %swap3A_834 = vector.shape_cast %swap3A_833 : vector<1x512x64xbf16> to vector<512x64xbf16>
      %swap3A_835 = vector.shape_cast %convert_element_type3A_829 : vector<512x64xbf16> to vector<1x512x64xbf16>
      tpu.vector_store %arg10[%swap3A_830, %swap3A_831, %swap3A_832], %swap3A_835 {strides = array<i32>} : memref<12x512x64xbf16, #tpu.memory_space<vmem>>, vector<1x512x64xbf16>,
      %get3A_836 = arith.constant 0 : index
      %get3A_837 = arith.constant 4 : index
      %get3A_838 = arith.constant 0 : index
      %get3A_839 = arith.constant 0 : index
      %get3A_840 = vector.load %arg3[%get3A_836, %get3A_837, %get3A_838, %get3A_839] : memref<1x12x512x64xf32, #tpu.memory_space<vmem>>, vector<1x1x512x64xf32>
      %get3A_841 = vector.shape_cast %get3A_840 : vector<1x1x512x64xf32> to vector<512x64xf32>
      %convert_element_type3A_842 = arith.truncf %get3A_841 : vector<512x64xf32> to vector<512x64xbf16>
      %swap3A_843 = arith.constant 4 : index
      %swap3A_844 = arith.constant 0 : index
      %swap3A_845 = arith.constant 0 : index
      %swap3A_846 = vector.load %arg9[%swap3A_843, %swap3A_844, %swap3A_845] : memref<12x512x64xbf16, #tpu.memory_space<vmem>>, vector<1x512x64xbf16>
      %swap3A_847 = vector.shape_cast %swap3A_846 : vector<1x512x64xbf16> to vector<512x64xbf16>
      %swap3A_848 = vector.shape_cast %convert_element_type3A_842 : vector<512x64xbf16> to vector<1x512x64xbf16>
      tpu.vector_store %arg9[%swap3A_843, %swap3A_844, %swap3A_845], %swap3A_848 {strides = array<i32>} : memref<12x512x64xbf16, #tpu.memory_space<vmem>>, vector<1x512x64xbf16>,
      %broadcast_in_dim3A_849 = arith.constant 0.000000e+00 : f32
      %broadcast_in_dim3A_850 = vector.broadcast %broadcast_in_dim3A_849 : f32 to vector<512x1xf32>
      %eq3A_851 = arith.constant 0 : i32
      %eq3A_852 = vector.broadcast %eq3A_851 : i32 to vector<512x1xi32>
      %eq3A_853 = arith.cmpi eq, %select_n3A, %eq3A_852 : vector<512x1xi32>
      %get3A_854 = arith.constant 0 : index
      %get3A_855 = arith.constant 4 : index
      %get3A_856 = arith.constant 0 : index
      %get3A_857 = memref.load %arg5[%get3A_854, %get3A_855, %get3A_856] : memref<1x12x16xf32, #tpu.memory_space<smem>>
      %broadcast_in_dim3A_858 = vector.broadcast %get3A_857 : f32 to vector<512x1xf32>
      %select_n3A_859 = arith.select %eq3A_853, %broadcast_in_dim3A_858, %broadcast_in_dim3A_850 : vector<512x1xi1>, vector<512x1xf32>
      %eq3A_860 = arith.constant 1 : i32
      %eq3A_861 = vector.broadcast %eq3A_860 : i32 to vector<512x1xi32>
      %eq3A_862 = arith.cmpi eq, %select_n3A, %eq3A_861 : vector<512x1xi32>
      %get3A_863 = arith.constant 0 : index
      %get3A_864 = arith.constant 4 : index
      %get3A_865 = arith.constant 1 : index
      %get3A_866 = memref.load %arg5[%get3A_863, %get3A_864, %get3A_865] : memref<1x12x16xf32, #tpu.memory_space<smem>>
      %broadcast_in_dim3A_867 = vector.broadcast %get3A_866 : f32 to vector<512x1xf32>
      %select_n3A_868 = arith.select %eq3A_862, %broadcast_in_dim3A_867, %select_n3A_859 : vector<512x1xi1>, vector<512x1xf32>
      %eq3A_869 = arith.constant 2 : i32
      %eq3A_870 = vector.broadcast %eq3A_869 : i32 to vector<512x1xi32>
      %eq3A_871 = arith.cmpi eq, %select_n3A, %eq3A_870 : vector<512x1xi32>
      %get3A_872 = arith.constant 0 : index
      %get3A_873 = arith.constant 4 : index
      %get3A_874 = arith.constant 2 : index
      %get3A_875 = memref.load %arg5[%get3A_872, %get3A_873, %get3A_874] : memref<1x12x16xf32, #tpu.memory_space<smem>>
      %broadcast_in_dim3A_876 = vector.broadcast %get3A_875 : f32 to vector<512x1xf32>
      %select_n3A_877 = arith.select %eq3A_871, %broadcast_in_dim3A_876, %select_n3A_868 : vector<512x1xi1>, vector<512x1xf32>
      %eq3A_878 = arith.constant 3 : i32
      %eq3A_879 = vector.broadcast %eq3A_878 : i32 to vector<512x1xi32>
      %eq3A_880 = arith.cmpi eq, %select_n3A, %eq3A_879 : vector<512x1xi32>
      %get3A_881 = arith.constant 0 : index
      %get3A_882 = arith.constant 4 : index
      %get3A_883 = arith.constant 3 : index
      %get3A_884 = memref.load %arg5[%get3A_881, %get3A_882, %get3A_883] : memref<1x12x16xf32, #tpu.memory_space<smem>>
      %broadcast_in_dim3A_885 = vector.broadcast %get3A_884 : f32 to vector<512x1xf32>
      %select_n3A_886 = arith.select %eq3A_880, %broadcast_in_dim3A_885, %select_n3A_877 : vector<512x1xi1>, vector<512x1xf32>
      %eq3A_887 = arith.constant 4 : i32
      %eq3A_888 = vector.broadcast %eq3A_887 : i32 to vector<512x1xi32>
      %eq3A_889 = arith.cmpi eq, %select_n3A, %eq3A_888 : vector<512x1xi32>
      %get3A_890 = arith.constant 0 : index
      %get3A_891 = arith.constant 4 : index
      %get3A_892 = arith.constant 4 : index
      %get3A_893 = memref.load %arg5[%get3A_890, %get3A_891, %get3A_892] : memref<1x12x16xf32, #tpu.memory_space<smem>>
      %broadcast_in_dim3A_894 = vector.broadcast %get3A_893 : f32 to vector<512x1xf32>
      %select_n3A_895 = arith.select %eq3A_889, %broadcast_in_dim3A_894, %select_n3A_886 : vector<512x1xi1>, vector<512x1xf32>
      %eq3A_896 = arith.constant 5 : i32
      %eq3A_897 = vector.broadcast %eq3A_896 : i32 to vector<512x1xi32>
      %eq3A_898 = arith.cmpi eq, %select_n3A, %eq3A_897 : vector<512x1xi32>
      %get3A_899 = arith.constant 0 : index
      %get3A_900 = arith.constant 4 : index
      %get3A_901 = arith.constant 5 : index
      %get3A_902 = memref.load %arg5[%get3A_899, %get3A_900, %get3A_901] : memref<1x12x16xf32, #tpu.memory_space<smem>>
      %broadcast_in_dim3A_903 = vector.broadcast %get3A_902 : f32 to vector<512x1xf32>
      %select_n3A_904 = arith.select %eq3A_898, %broadcast_in_dim3A_903, %select_n3A_895 : vector<512x1xi1>, vector<512x1xf32>
      %eq3A_905 = arith.constant 6 : i32
      %eq3A_906 = vector.broadcast %eq3A_905 : i32 to vector<512x1xi32>
      %eq3A_907 = arith.cmpi eq, %select_n3A, %eq3A_906 : vector<512x1xi32>
      %get3A_908 = arith.constant 0 : index
      %get3A_909 = arith.constant 4 : index
      %get3A_910 = arith.constant 6 : index
      %get3A_911 = memref.load %arg5[%get3A_908, %get3A_909, %get3A_910] : memref<1x12x16xf32, #tpu.memory_space<smem>>
      %broadcast_in_dim3A_912 = vector.broadcast %get3A_911 : f32 to vector<512x1xf32>
      %select_n3A_913 = arith.select %eq3A_907, %broadcast_in_dim3A_912, %select_n3A_904 : vector<512x1xi1>, vector<512x1xf32>
      %eq3A_914 = arith.constant 7 : i32
      %eq3A_915 = vector.broadcast %eq3A_914 : i32 to vector<512x1xi32>
      %eq3A_916 = arith.cmpi eq, %select_n3A, %eq3A_915 : vector<512x1xi32>
      %get3A_917 = arith.constant 0 : index
      %get3A_918 = arith.constant 4 : index
      %get3A_919 = arith.constant 7 : index
      %get3A_920 = memref.load %arg5[%get3A_917, %get3A_918, %get3A_919] : memref<1x12x16xf32, #tpu.memory_space<smem>>
      %broadcast_in_dim3A_921 = vector.broadcast %get3A_920 : f32 to vector<512x1xf32>
      %select_n3A_922 = arith.select %eq3A_916, %broadcast_in_dim3A_921, %select_n3A_913 : vector<512x1xi1>, vector<512x1xf32>
      %get3A_923 = arith.constant 0 : index
      %get3A_924 = arith.constant 4 : index
      %get3A_925 = arith.constant 0 : index
      %get3A_926 = arith.constant 0 : index
      %get3A_927 = vector.load %arg4[%get3A_923, %get3A_924, %get3A_925, %get3A_926] : memref<1x12x512x64xf32, #tpu.memory_space<vmem>>, vector<1x1x512x64xf32>
      %get3A_928 = vector.shape_cast %get3A_927 : vector<1x1x512x64xf32> to vector<512x64xf32>
      %mul3A_929 = vector.broadcast %select_n3A_922 : vector<512x1xf32> to vector<512x64xf32>
      %mul3A_930 = arith.mulf %get3A_928, %mul3A_929 : vector<512x64xf32>
      %convert_element_type3A_931 = arith.truncf %mul3A_930 : vector<512x64xf32> to vector<512x64xbf16>
      %swap3A_932 = arith.constant 4 : index
      %swap3A_933 = arith.constant 0 : index
      %swap3A_934 = arith.constant 0 : index
      %swap3A_935 = vector.load %arg10[%swap3A_932, %swap3A_933, %swap3A_934] : memref<12x512x64xbf16, #tpu.memory_space<vmem>>, vector<1x512x64xbf16>
      %swap3A_936 = vector.shape_cast %swap3A_935 : vector<1x512x64xbf16> to vector<512x64xbf16>
      %swap3A_937 = vector.shape_cast %convert_element_type3A_931 : vector<512x64xbf16> to vector<1x512x64xbf16>
      tpu.vector_store %arg10[%swap3A_932, %swap3A_933, %swap3A_934], %swap3A_937 {strides = array<i32>} : memref<12x512x64xbf16, #tpu.memory_space<vmem>>, vector<1x512x64xbf16>,
      %get3A_938 = arith.constant 0 : index
      %get3A_939 = arith.constant 5 : index
      %get3A_940 = arith.constant 0 : index
      %get3A_941 = arith.constant 0 : index
      %get3A_942 = vector.load %arg3[%get3A_938, %get3A_939, %get3A_940, %get3A_941] : memref<1x12x512x64xf32, #tpu.memory_space<vmem>>, vector<1x1x512x64xf32>
      %get3A_943 = vector.shape_cast %get3A_942 : vector<1x1x512x64xf32> to vector<512x64xf32>
      %convert_element_type3A_944 = arith.truncf %get3A_943 : vector<512x64xf32> to vector<512x64xbf16>
      %swap3A_945 = arith.constant 5 : index
      %swap3A_946 = arith.constant 0 : index
      %swap3A_947 = arith.constant 0 : index
      %swap3A_948 = vector.load %arg9[%swap3A_945, %swap3A_946, %swap3A_947] : memref<12x512x64xbf16, #tpu.memory_space<vmem>>, vector<1x512x64xbf16>
      %swap3A_949 = vector.shape_cast %swap3A_948 : vector<1x512x64xbf16> to vector<512x64xbf16>
      %swap3A_950 = vector.shape_cast %convert_element_type3A_944 : vector<512x64xbf16> to vector<1x512x64xbf16>
      tpu.vector_store %arg9[%swap3A_945, %swap3A_946, %swap3A_947], %swap3A_950 {strides = array<i32>} : memref<12x512x64xbf16, #tpu.memory_space<vmem>>, vector<1x512x64xbf16>,
      %broadcast_in_dim3A_951 = arith.constant 0.000000e+00 : f32
      %broadcast_in_dim3A_952 = vector.broadcast %broadcast_in_dim3A_951 : f32 to vector<512x1xf32>
      %eq3A_953 = arith.constant 0 : i32
      %eq3A_954 = vector.broadcast %eq3A_953 : i32 to vector<512x1xi32>
      %eq3A_955 = arith.cmpi eq, %select_n3A, %eq3A_954 : vector<512x1xi32>
      %get3A_956 = arith.constant 0 : index
      %get3A_957 = arith.constant 5 : index
      %get3A_958 = arith.constant 0 : index
      %get3A_959 = memref.load %arg5[%get3A_956, %get3A_957, %get3A_958] : memref<1x12x16xf32, #tpu.memory_space<smem>>
      %broadcast_in_dim3A_960 = vector.broadcast %get3A_959 : f32 to vector<512x1xf32>
      %select_n3A_961 = arith.select %eq3A_955, %broadcast_in_dim3A_960, %broadcast_in_dim3A_952 : vector<512x1xi1>, vector<512x1xf32>
      %eq3A_962 = arith.constant 1 : i32
      %eq3A_963 = vector.broadcast %eq3A_962 : i32 to vector<512x1xi32>
      %eq3A_964 = arith.cmpi eq, %select_n3A, %eq3A_963 : vector<512x1xi32>
      %get3A_965 = arith.constant 0 : index
      %get3A_966 = arith.constant 5 : index
      %get3A_967 = arith.constant 1 : index
      %get3A_968 = memref.load %arg5[%get3A_965, %get3A_966, %get3A_967] : memref<1x12x16xf32, #tpu.memory_space<smem>>
      %broadcast_in_dim3A_969 = vector.broadcast %get3A_968 : f32 to vector<512x1xf32>
      %select_n3A_970 = arith.select %eq3A_964, %broadcast_in_dim3A_969, %select_n3A_961 : vector<512x1xi1>, vector<512x1xf32>
      %eq3A_971 = arith.constant 2 : i32
      %eq3A_972 = vector.broadcast %eq3A_971 : i32 to vector<512x1xi32>
      %eq3A_973 = arith.cmpi eq, %select_n3A, %eq3A_972 : vector<512x1xi32>
      %get3A_974 = arith.constant 0 : index
      %get3A_975 = arith.constant 5 : index
      %get3A_976 = arith.constant 2 : index
      %get3A_977 = memref.load %arg5[%get3A_974, %get3A_975, %get3A_976] : memref<1x12x16xf32, #tpu.memory_space<smem>>
      %broadcast_in_dim3A_978 = vector.broadcast %get3A_977 : f32 to vector<512x1xf32>
      %select_n3A_979 = arith.select %eq3A_973, %broadcast_in_dim3A_978, %select_n3A_970 : vector<512x1xi1>, vector<512x1xf32>
      %eq3A_980 = arith.constant 3 : i32
      %eq3A_981 = vector.broadcast %eq3A_980 : i32 to vector<512x1xi32>
      %eq3A_982 = arith.cmpi eq, %select_n3A, %eq3A_981 : vector<512x1xi32>
      %get3A_983 = arith.constant 0 : index
      %get3A_984 = arith.constant 5 : index
      %get3A_985 = arith.constant 3 : index
      %get3A_986 = memref.load %arg5[%get3A_983, %get3A_984, %get3A_985] : memref<1x12x16xf32, #tpu.memory_space<smem>>
      %broadcast_in_dim3A_987 = vector.broadcast %get3A_986 : f32 to vector<512x1xf32>
      %select_n3A_988 = arith.select %eq3A_982, %broadcast_in_dim3A_987, %select_n3A_979 : vector<512x1xi1>, vector<512x1xf32>
      %eq3A_989 = arith.constant 4 : i32
      %eq3A_990 = vector.broadcast %eq3A_989 : i32 to vector<512x1xi32>
      %eq3A_991 = arith.cmpi eq, %select_n3A, %eq3A_990 : vector<512x1xi32>
      %get3A_992 = arith.constant 0 : index
      %get3A_993 = arith.constant 5 : index
      %get3A_994 = arith.constant 4 : index
      %get3A_995 = memref.load %arg5[%get3A_992, %get3A_993, %get3A_994] : memref<1x12x16xf32, #tpu.memory_space<smem>>
      %broadcast_in_dim3A_996 = vector.broadcast %get3A_995 : f32 to vector<512x1xf32>
      %select_n3A_997 = arith.select %eq3A_991, %broadcast_in_dim3A_996, %select_n3A_988 : vector<512x1xi1>, vector<512x1xf32>
      %eq3A_998 = arith.constant 5 : i32
      %eq3A_999 = vector.broadcast %eq3A_998 : i32 to vector<512x1xi32>
      %eq3A_1000 = arith.cmpi eq, %select_n3A, %eq3A_999 : vector<512x1xi32>
      %get3A_1001 = arith.constant 0 : index
      %get3A_1002 = arith.constant 5 : index
      %get3A_1003 = arith.constant 5 : index
      %get3A_1004 = memref.load %arg5[%get3A_1001, %get3A_1002, %get3A_1003] : memref<1x12x16xf32, #tpu.memory_space<smem>>
      %broadcast_in_dim3A_1005 = vector.broadcast %get3A_1004 : f32 to vector<512x1xf32>
      %select_n3A_1006 = arith.select %eq3A_1000, %broadcast_in_dim3A_1005, %select_n3A_997 : vector<512x1xi1>, vector<512x1xf32>
      %eq3A_1007 = arith.constant 6 : i32
      %eq3A_1008 = vector.broadcast %eq3A_1007 : i32 to vector<512x1xi32>
      %eq3A_1009 = arith.cmpi eq, %select_n3A, %eq3A_1008 : vector<512x1xi32>
      %get3A_1010 = arith.constant 0 : index
      %get3A_1011 = arith.constant 5 : index
      %get3A_1012 = arith.constant 6 : index
      %get3A_1013 = memref.load %arg5[%get3A_1010, %get3A_1011, %get3A_1012] : memref<1x12x16xf32, #tpu.memory_space<smem>>
      %broadcast_in_dim3A_1014 = vector.broadcast %get3A_1013 : f32 to vector<512x1xf32>
      %select_n3A_1015 = arith.select %eq3A_1009, %broadcast_in_dim3A_1014, %select_n3A_1006 : vector<512x1xi1>, vector<512x1xf32>
      %eq3A_1016 = arith.constant 7 : i32
      %eq3A_1017 = vector.broadcast %eq3A_1016 : i32 to vector<512x1xi32>
      %eq3A_1018 = arith.cmpi eq, %select_n3A, %eq3A_1017 : vector<512x1xi32>
      %get3A_1019 = arith.constant 0 : index
      %get3A_1020 = arith.constant 5 : index
      %get3A_1021 = arith.constant 7 : index
      %get3A_1022 = memref.load %arg5[%get3A_1019, %get3A_1020, %get3A_1021] : memref<1x12x16xf32, #tpu.memory_space<smem>>
      %broadcast_in_dim3A_1023 = vector.broadcast %get3A_1022 : f32 to vector<512x1xf32>
      %select_n3A_1024 = arith.select %eq3A_1018, %broadcast_in_dim3A_1023, %select_n3A_1015 : vector<512x1xi1>, vector<512x1xf32>
      %get3A_1025 = arith.constant 0 : index
      %get3A_1026 = arith.constant 5 : index
      %get3A_1027 = arith.constant 0 : index
      %get3A_1028 = arith.constant 0 : index
      %get3A_1029 = vector.load %arg4[%get3A_1025, %get3A_1026, %get3A_1027, %get3A_1028] : memref<1x12x512x64xf32, #tpu.memory_space<vmem>>, vector<1x1x512x64xf32>
      %get3A_1030 = vector.shape_cast %get3A_1029 : vector<1x1x512x64xf32> to vector<512x64xf32>
      %mul3A_1031 = vector.broadcast %select_n3A_1024 : vector<512x1xf32> to vector<512x64xf32>
      %mul3A_1032 = arith.mulf %get3A_1030, %mul3A_1031 : vector<512x64xf32>
      %convert_element_type3A_1033 = arith.truncf %mul3A_1032 : vector<512x64xf32> to vector<512x64xbf16>
      %swap3A_1034 = arith.constant 5 : index
      %swap3A_1035 = arith.constant 0 : index
      %swap3A_1036 = arith.constant 0 : index
      %swap3A_1037 = vector.load %arg10[%swap3A_1034, %swap3A_1035, %swap3A_1036] : memref<12x512x64xbf16, #tpu.memory_space<vmem>>, vector<1x512x64xbf16>
      %swap3A_1038 = vector.shape_cast %swap3A_1037 : vector<1x512x64xbf16> to vector<512x64xbf16>
      %swap3A_1039 = vector.shape_cast %convert_element_type3A_1033 : vector<512x64xbf16> to vector<1x512x64xbf16>
      tpu.vector_store %arg10[%swap3A_1034, %swap3A_1035, %swap3A_1036], %swap3A_1039 {strides = array<i32>} : memref<12x512x64xbf16, #tpu.memory_space<vmem>>, vector<1x512x64xbf16>,
      %get3A_1040 = arith.constant 0 : index
      %get3A_1041 = arith.constant 6 : index
      %get3A_1042 = arith.constant 0 : index
      %get3A_1043 = arith.constant 0 : index
      %get3A_1044 = vector.load %arg3[%get3A_1040, %get3A_1041, %get3A_1042, %get3A_1043] : memref<1x12x512x64xf32, #tpu.memory_space<vmem>>, vector<1x1x512x64xf32>
      %get3A_1045 = vector.shape_cast %get3A_1044 : vector<1x1x512x64xf32> to vector<512x64xf32>
      %convert_element_type3A_1046 = arith.truncf %get3A_1045 : vector<512x64xf32> to vector<512x64xbf16>
      %swap3A_1047 = arith.constant 6 : index
      %swap3A_1048 = arith.constant 0 : index
      %swap3A_1049 = arith.constant 0 : index
      %swap3A_1050 = vector.load %arg9[%swap3A_1047, %swap3A_1048, %swap3A_1049] : memref<12x512x64xbf16, #tpu.memory_space<vmem>>, vector<1x512x64xbf16>
      %swap3A_1051 = vector.shape_cast %swap3A_1050 : vector<1x512x64xbf16> to vector<512x64xbf16>
      %swap3A_1052 = vector.shape_cast %convert_element_type3A_1046 : vector<512x64xbf16> to vector<1x512x64xbf16>
      tpu.vector_store %arg9[%swap3A_1047, %swap3A_1048, %swap3A_1049], %swap3A_1052 {strides = array<i32>} : memref<12x512x64xbf16, #tpu.memory_space<vmem>>, vector<1x512x64xbf16>,
      %broadcast_in_dim3A_1053 = arith.constant 0.000000e+00 : f32
      %broadcast_in_dim3A_1054 = vector.broadcast %broadcast_in_dim3A_1053 : f32 to vector<512x1xf32>
      %eq3A_1055 = arith.constant 0 : i32
      %eq3A_1056 = vector.broadcast %eq3A_1055 : i32 to vector<512x1xi32>
      %eq3A_1057 = arith.cmpi eq, %select_n3A, %eq3A_1056 : vector<512x1xi32>
      %get3A_1058 = arith.constant 0 : index
      %get3A_1059 = arith.constant 6 : index
      %get3A_1060 = arith.constant 0 : index
      %get3A_1061 = memref.load %arg5[%get3A_1058, %get3A_1059, %get3A_1060] : memref<1x12x16xf32, #tpu.memory_space<smem>>
      %broadcast_in_dim3A_1062 = vector.broadcast %get3A_1061 : f32 to vector<512x1xf32>
      %select_n3A_1063 = arith.select %eq3A_1057, %broadcast_in_dim3A_1062, %broadcast_in_dim3A_1054 : vector<512x1xi1>, vector<512x1xf32>
      %eq3A_1064 = arith.constant 1 : i32
      %eq3A_1065 = vector.broadcast %eq3A_1064 : i32 to vector<512x1xi32>
      %eq3A_1066 = arith.cmpi eq, %select_n3A, %eq3A_1065 : vector<512x1xi32>
      %get3A_1067 = arith.constant 0 : index
      %get3A_1068 = arith.constant 6 : index
      %get3A_1069 = arith.constant 1 : index
      %get3A_1070 = memref.load %arg5[%get3A_1067, %get3A_1068, %get3A_1069] : memref<1x12x16xf32, #tpu.memory_space<smem>>
      %broadcast_in_dim3A_1071 = vector.broadcast %get3A_1070 : f32 to vector<512x1xf32>
      %select_n3A_1072 = arith.select %eq3A_1066, %broadcast_in_dim3A_1071, %select_n3A_1063 : vector<512x1xi1>, vector<512x1xf32>
      %eq3A_1073 = arith.constant 2 : i32
      %eq3A_1074 = vector.broadcast %eq3A_1073 : i32 to vector<512x1xi32>
      %eq3A_1075 = arith.cmpi eq, %select_n3A, %eq3A_1074 : vector<512x1xi32>
      %get3A_1076 = arith.constant 0 : index
      %get3A_1077 = arith.constant 6 : index
      %get3A_1078 = arith.constant 2 : index
      %get3A_1079 = memref.load %arg5[%get3A_1076, %get3A_1077, %get3A_1078] : memref<1x12x16xf32, #tpu.memory_space<smem>>
      %broadcast_in_dim3A_1080 = vector.broadcast %get3A_1079 : f32 to vector<512x1xf32>
      %select_n3A_1081 = arith.select %eq3A_1075, %broadcast_in_dim3A_1080, %select_n3A_1072 : vector<512x1xi1>, vector<512x1xf32>
      %eq3A_1082 = arith.constant 3 : i32
      %eq3A_1083 = vector.broadcast %eq3A_1082 : i32 to vector<512x1xi32>
      %eq3A_1084 = arith.cmpi eq, %select_n3A, %eq3A_1083 : vector<512x1xi32>
      %get3A_1085 = arith.constant 0 : index
      %get3A_1086 = arith.constant 6 : index
      %get3A_1087 = arith.constant 3 : index
      %get3A_1088 = memref.load %arg5[%get3A_1085, %get3A_1086, %get3A_1087] : memref<1x12x16xf32, #tpu.memory_space<smem>>
      %broadcast_in_dim3A_1089 = vector.broadcast %get3A_1088 : f32 to vector<512x1xf32>
      %select_n3A_1090 = arith.select %eq3A_1084, %broadcast_in_dim3A_1089, %select_n3A_1081 : vector<512x1xi1>, vector<512x1xf32>
      %eq3A_1091 = arith.constant 4 : i32
      %eq3A_1092 = vector.broadcast %eq3A_1091 : i32 to vector<512x1xi32>
      %eq3A_1093 = arith.cmpi eq, %select_n3A, %eq3A_1092 : vector<512x1xi32>
      %get3A_1094 = arith.constant 0 : index
      %get3A_1095 = arith.constant 6 : index
      %get3A_1096 = arith.constant 4 : index
      %get3A_1097 = memref.load %arg5[%get3A_1094, %get3A_1095, %get3A_1096] : memref<1x12x16xf32, #tpu.memory_space<smem>>
      %broadcast_in_dim3A_1098 = vector.broadcast %get3A_1097 : f32 to vector<512x1xf32>
      %select_n3A_1099 = arith.select %eq3A_1093, %broadcast_in_dim3A_1098, %select_n3A_1090 : vector<512x1xi1>, vector<512x1xf32>
      %eq3A_1100 = arith.constant 5 : i32
      %eq3A_1101 = vector.broadcast %eq3A_1100 : i32 to vector<512x1xi32>
      %eq3A_1102 = arith.cmpi eq, %select_n3A, %eq3A_1101 : vector<512x1xi32>
      %get3A_1103 = arith.constant 0 : index
      %get3A_1104 = arith.constant 6 : index
      %get3A_1105 = arith.constant 5 : index
      %get3A_1106 = memref.load %arg5[%get3A_1103, %get3A_1104, %get3A_1105] : memref<1x12x16xf32, #tpu.memory_space<smem>>
      %broadcast_in_dim3A_1107 = vector.broadcast %get3A_1106 : f32 to vector<512x1xf32>
      %select_n3A_1108 = arith.select %eq3A_1102, %broadcast_in_dim3A_1107, %select_n3A_1099 : vector<512x1xi1>, vector<512x1xf32>
      %eq3A_1109 = arith.constant 6 : i32
      %eq3A_1110 = vector.broadcast %eq3A_1109 : i32 to vector<512x1xi32>
      %eq3A_1111 = arith.cmpi eq, %select_n3A, %eq3A_1110 : vector<512x1xi32>
      %get3A_1112 = arith.constant 0 : index
      %get3A_1113 = arith.constant 6 : index
      %get3A_1114 = arith.constant 6 : index
      %get3A_1115 = memref.load %arg5[%get3A_1112, %get3A_1113, %get3A_1114] : memref<1x12x16xf32, #tpu.memory_space<smem>>
      %broadcast_in_dim3A_1116 = vector.broadcast %get3A_1115 : f32 to vector<512x1xf32>
      %select_n3A_1117 = arith.select %eq3A_1111, %broadcast_in_dim3A_1116, %select_n3A_1108 : vector<512x1xi1>, vector<512x1xf32>
      %eq3A_1118 = arith.constant 7 : i32
      %eq3A_1119 = vector.broadcast %eq3A_1118 : i32 to vector<512x1xi32>
      %eq3A_1120 = arith.cmpi eq, %select_n3A, %eq3A_1119 : vector<512x1xi32>
      %get3A_1121 = arith.constant 0 : index
      %get3A_1122 = arith.constant 6 : index
      %get3A_1123 = arith.constant 7 : index
      %get3A_1124 = memref.load %arg5[%get3A_1121, %get3A_1122, %get3A_1123] : memref<1x12x16xf32, #tpu.memory_space<smem>>
      %broadcast_in_dim3A_1125 = vector.broadcast %get3A_1124 : f32 to vector<512x1xf32>
      %select_n3A_1126 = arith.select %eq3A_1120, %broadcast_in_dim3A_1125, %select_n3A_1117 : vector<512x1xi1>, vector<512x1xf32>
      %get3A_1127 = arith.constant 0 : index
      %get3A_1128 = arith.constant 6 : index
      %get3A_1129 = arith.constant 0 : index
      %get3A_1130 = arith.constant 0 : index
      %get3A_1131 = vector.load %arg4[%get3A_1127, %get3A_1128, %get3A_1129, %get3A_1130] : memref<1x12x512x64xf32, #tpu.memory_space<vmem>>, vector<1x1x512x64xf32>
      %get3A_1132 = vector.shape_cast %get3A_1131 : vector<1x1x512x64xf32> to vector<512x64xf32>
      %mul3A_1133 = vector.broadcast %select_n3A_1126 : vector<512x1xf32> to vector<512x64xf32>
      %mul3A_1134 = arith.mulf %get3A_1132, %mul3A_1133 : vector<512x64xf32>
      %convert_element_type3A_1135 = arith.truncf %mul3A_1134 : vector<512x64xf32> to vector<512x64xbf16>
      %swap3A_1136 = arith.constant 6 : index
      %swap3A_1137 = arith.constant 0 : index
      %swap3A_1138 = arith.constant 0 : index
      %swap3A_1139 = vector.load %arg10[%swap3A_1136, %swap3A_1137, %swap3A_1138] : memref<12x512x64xbf16, #tpu.memory_space<vmem>>, vector<1x512x64xbf16>
      %swap3A_1140 = vector.shape_cast %swap3A_1139 : vector<1x512x64xbf16> to vector<512x64xbf16>
      %swap3A_1141 = vector.shape_cast %convert_element_type3A_1135 : vector<512x64xbf16> to vector<1x512x64xbf16>
      tpu.vector_store %arg10[%swap3A_1136, %swap3A_1137, %swap3A_1138], %swap3A_1141 {strides = array<i32>} : memref<12x512x64xbf16, #tpu.memory_space<vmem>>, vector<1x512x64xbf16>,
      %get3A_1142 = arith.constant 0 : index
      %get3A_1143 = arith.constant 7 : index
      %get3A_1144 = arith.constant 0 : index
      %get3A_1145 = arith.constant 0 : index
      %get3A_1146 = vector.load %arg3[%get3A_1142, %get3A_1143, %get3A_1144, %get3A_1145] : memref<1x12x512x64xf32, #tpu.memory_space<vmem>>, vector<1x1x512x64xf32>
      %get3A_1147 = vector.shape_cast %get3A_1146 : vector<1x1x512x64xf32> to vector<512x64xf32>
      %convert_element_type3A_1148 = arith.truncf %get3A_1147 : vector<512x64xf32> to vector<512x64xbf16>
      %swap3A_1149 = arith.constant 7 : index
      %swap3A_1150 = arith.constant 0 : index
      %swap3A_1151 = arith.constant 0 : index
      %swap3A_1152 = vector.load %arg9[%swap3A_1149, %swap3A_1150, %swap3A_1151] : memref<12x512x64xbf16, #tpu.memory_space<vmem>>, vector<1x512x64xbf16>
      %swap3A_1153 = vector.shape_cast %swap3A_1152 : vector<1x512x64xbf16> to vector<512x64xbf16>
      %swap3A_1154 = vector.shape_cast %convert_element_type3A_1148 : vector<512x64xbf16> to vector<1x512x64xbf16>
      tpu.vector_store %arg9[%swap3A_1149, %swap3A_1150, %swap3A_1151], %swap3A_1154 {strides = array<i32>} : memref<12x512x64xbf16, #tpu.memory_space<vmem>>, vector<1x512x64xbf16>,
      %broadcast_in_dim3A_1155 = arith.constant 0.000000e+00 : f32
      %broadcast_in_dim3A_1156 = vector.broadcast %broadcast_in_dim3A_1155 : f32 to vector<512x1xf32>
      %eq3A_1157 = arith.constant 0 : i32
      %eq3A_1158 = vector.broadcast %eq3A_1157 : i32 to vector<512x1xi32>
      %eq3A_1159 = arith.cmpi eq, %select_n3A, %eq3A_1158 : vector<512x1xi32>
      %get3A_1160 = arith.constant 0 : index
      %get3A_1161 = arith.constant 7 : index
      %get3A_1162 = arith.constant 0 : index
      %get3A_1163 = memref.load %arg5[%get3A_1160, %get3A_1161, %get3A_1162] : memref<1x12x16xf32, #tpu.memory_space<smem>>
      %broadcast_in_dim3A_1164 = vector.broadcast %get3A_1163 : f32 to vector<512x1xf32>
      %select_n3A_1165 = arith.select %eq3A_1159, %broadcast_in_dim3A_1164, %broadcast_in_dim3A_1156 : vector<512x1xi1>, vector<512x1xf32>
      %eq3A_1166 = arith.constant 1 : i32
      %eq3A_1167 = vector.broadcast %eq3A_1166 : i32 to vector<512x1xi32>
      %eq3A_1168 = arith.cmpi eq, %select_n3A, %eq3A_1167 : vector<512x1xi32>
      %get3A_1169 = arith.constant 0 : index
      %get3A_1170 = arith.constant 7 : index
      %get3A_1171 = arith.constant 1 : index
      %get3A_1172 = memref.load %arg5[%get3A_1169, %get3A_1170, %get3A_1171] : memref<1x12x16xf32, #tpu.memory_space<smem>>
      %broadcast_in_dim3A_1173 = vector.broadcast %get3A_1172 : f32 to vector<512x1xf32>
      %select_n3A_1174 = arith.select %eq3A_1168, %broadcast_in_dim3A_1173, %select_n3A_1165 : vector<512x1xi1>, vector<512x1xf32>
      %eq3A_1175 = arith.constant 2 : i32
      %eq3A_1176 = vector.broadcast %eq3A_1175 : i32 to vector<512x1xi32>
      %eq3A_1177 = arith.cmpi eq, %select_n3A, %eq3A_1176 : vector<512x1xi32>
      %get3A_1178 = arith.constant 0 : index
      %get3A_1179 = arith.constant 7 : index
      %get3A_1180 = arith.constant 2 : index
      %get3A_1181 = memref.load %arg5[%get3A_1178, %get3A_1179, %get3A_1180] : memref<1x12x16xf32, #tpu.memory_space<smem>>
      %broadcast_in_dim3A_1182 = vector.broadcast %get3A_1181 : f32 to vector<512x1xf32>
      %select_n3A_1183 = arith.select %eq3A_1177, %broadcast_in_dim3A_1182, %select_n3A_1174 : vector<512x1xi1>, vector<512x1xf32>
      %eq3A_1184 = arith.constant 3 : i32
      %eq3A_1185 = vector.broadcast %eq3A_1184 : i32 to vector<512x1xi32>
      %eq3A_1186 = arith.cmpi eq, %select_n3A, %eq3A_1185 : vector<512x1xi32>
      %get3A_1187 = arith.constant 0 : index
      %get3A_1188 = arith.constant 7 : index
      %get3A_1189 = arith.constant 3 : index
      %get3A_1190 = memref.load %arg5[%get3A_1187, %get3A_1188, %get3A_1189] : memref<1x12x16xf32, #tpu.memory_space<smem>>
      %broadcast_in_dim3A_1191 = vector.broadcast %get3A_1190 : f32 to vector<512x1xf32>
      %select_n3A_1192 = arith.select %eq3A_1186, %broadcast_in_dim3A_1191, %select_n3A_1183 : vector<512x1xi1>, vector<512x1xf32>
      %eq3A_1193 = arith.constant 4 : i32
      %eq3A_1194 = vector.broadcast %eq3A_1193 : i32 to vector<512x1xi32>
      %eq3A_1195 = arith.cmpi eq, %select_n3A, %eq3A_1194 : vector<512x1xi32>
      %get3A_1196 = arith.constant 0 : index
      %get3A_1197 = arith.constant 7 : index
      %get3A_1198 = arith.constant 4 : index
      %get3A_1199 = memref.load %arg5[%get3A_1196, %get3A_1197, %get3A_1198] : memref<1x12x16xf32, #tpu.memory_space<smem>>
      %broadcast_in_dim3A_1200 = vector.broadcast %get3A_1199 : f32 to vector<512x1xf32>
      %select_n3A_1201 = arith.select %eq3A_1195, %broadcast_in_dim3A_1200, %select_n3A_1192 : vector<512x1xi1>, vector<512x1xf32>
      %eq3A_1202 = arith.constant 5 : i32
      %eq3A_1203 = vector.broadcast %eq3A_1202 : i32 to vector<512x1xi32>
      %eq3A_1204 = arith.cmpi eq, %select_n3A, %eq3A_1203 : vector<512x1xi32>
      %get3A_1205 = arith.constant 0 : index
      %get3A_1206 = arith.constant 7 : index
      %get3A_1207 = arith.constant 5 : index
      %get3A_1208 = memref.load %arg5[%get3A_1205, %get3A_1206, %get3A_1207] : memref<1x12x16xf32, #tpu.memory_space<smem>>
      %broadcast_in_dim3A_1209 = vector.broadcast %get3A_1208 : f32 to vector<512x1xf32>
      %select_n3A_1210 = arith.select %eq3A_1204, %broadcast_in_dim3A_1209, %select_n3A_1201 : vector<512x1xi1>, vector<512x1xf32>
      %eq3A_1211 = arith.constant 6 : i32
      %eq3A_1212 = vector.broadcast %eq3A_1211 : i32 to vector<512x1xi32>
      %eq3A_1213 = arith.cmpi eq, %select_n3A, %eq3A_1212 : vector<512x1xi32>
      %get3A_1214 = arith.constant 0 : index
      %get3A_1215 = arith.constant 7 : index
      %get3A_1216 = arith.constant 6 : index
      %get3A_1217 = memref.load %arg5[%get3A_1214, %get3A_1215, %get3A_1216] : memref<1x12x16xf32, #tpu.memory_space<smem>>
      %broadcast_in_dim3A_1218 = vector.broadcast %get3A_1217 : f32 to vector<512x1xf32>
      %select_n3A_1219 = arith.select %eq3A_1213, %broadcast_in_dim3A_1218, %select_n3A_1210 : vector<512x1xi1>, vector<512x1xf32>
      %eq3A_1220 = arith.constant 7 : i32
      %eq3A_1221 = vector.broadcast %eq3A_1220 : i32 to vector<512x1xi32>
      %eq3A_1222 = arith.cmpi eq, %select_n3A, %eq3A_1221 : vector<512x1xi32>
      %get3A_1223 = arith.constant 0 : index
      %get3A_1224 = arith.constant 7 : index
      %get3A_1225 = arith.constant 7 : index
      %get3A_1226 = memref.load %arg5[%get3A_1223, %get3A_1224, %get3A_1225] : memref<1x12x16xf32, #tpu.memory_space<smem>>
      %broadcast_in_dim3A_1227 = vector.broadcast %get3A_1226 : f32 to vector<512x1xf32>
      %select_n3A_1228 = arith.select %eq3A_1222, %broadcast_in_dim3A_1227, %select_n3A_1219 : vector<512x1xi1>, vector<512x1xf32>
      %get3A_1229 = arith.constant 0 : index
      %get3A_1230 = arith.constant 7 : index
      %get3A_1231 = arith.constant 0 : index
      %get3A_1232 = arith.constant 0 : index
      %get3A_1233 = vector.load %arg4[%get3A_1229, %get3A_1230, %get3A_1231, %get3A_1232] : memref<1x12x512x64xf32, #tpu.memory_space<vmem>>, vector<1x1x512x64xf32>
      %get3A_1234 = vector.shape_cast %get3A_1233 : vector<1x1x512x64xf32> to vector<512x64xf32>
      %mul3A_1235 = vector.broadcast %select_n3A_1228 : vector<512x1xf32> to vector<512x64xf32>
      %mul3A_1236 = arith.mulf %get3A_1234, %mul3A_1235 : vector<512x64xf32>
      %convert_element_type3A_1237 = arith.truncf %mul3A_1236 : vector<512x64xf32> to vector<512x64xbf16>
      %swap3A_1238 = arith.constant 7 : index
      %swap3A_1239 = arith.constant 0 : index
      %swap3A_1240 = arith.constant 0 : index
      %swap3A_1241 = vector.load %arg10[%swap3A_1238, %swap3A_1239, %swap3A_1240] : memref<12x512x64xbf16, #tpu.memory_space<vmem>>, vector<1x512x64xbf16>
      %swap3A_1242 = vector.shape_cast %swap3A_1241 : vector<1x512x64xbf16> to vector<512x64xbf16>
      %swap3A_1243 = vector.shape_cast %convert_element_type3A_1237 : vector<512x64xbf16> to vector<1x512x64xbf16>
      tpu.vector_store %arg10[%swap3A_1238, %swap3A_1239, %swap3A_1240], %swap3A_1243 {strides = array<i32>} : memref<12x512x64xbf16, #tpu.memory_space<vmem>>, vector<1x512x64xbf16>,
      %get3A_1244 = arith.constant 0 : index
      %get3A_1245 = arith.constant 8 : index
      %get3A_1246 = arith.constant 0 : index
      %get3A_1247 = arith.constant 0 : index
      %get3A_1248 = vector.load %arg3[%get3A_1244, %get3A_1245, %get3A_1246, %get3A_1247] : memref<1x12x512x64xf32, #tpu.memory_space<vmem>>, vector<1x1x512x64xf32>
      %get3A_1249 = vector.shape_cast %get3A_1248 : vector<1x1x512x64xf32> to vector<512x64xf32>
      %convert_element_type3A_1250 = arith.truncf %get3A_1249 : vector<512x64xf32> to vector<512x64xbf16>
      %swap3A_1251 = arith.constant 8 : index
      %swap3A_1252 = arith.constant 0 : index
      %swap3A_1253 = arith.constant 0 : index
      %swap3A_1254 = vector.load %arg9[%swap3A_1251, %swap3A_1252, %swap3A_1253] : memref<12x512x64xbf16, #tpu.memory_space<vmem>>, vector<1x512x64xbf16>
      %swap3A_1255 = vector.shape_cast %swap3A_1254 : vector<1x512x64xbf16> to vector<512x64xbf16>
      %swap3A_1256 = vector.shape_cast %convert_element_type3A_1250 : vector<512x64xbf16> to vector<1x512x64xbf16>
      tpu.vector_store %arg9[%swap3A_1251, %swap3A_1252, %swap3A_1253], %swap3A_1256 {strides = array<i32>} : memref<12x512x64xbf16, #tpu.memory_space<vmem>>, vector<1x512x64xbf16>,
      %broadcast_in_dim3A_1257 = arith.constant 0.000000e+00 : f32
      %broadcast_in_dim3A_1258 = vector.broadcast %broadcast_in_dim3A_1257 : f32 to vector<512x1xf32>
      %eq3A_1259 = arith.constant 0 : i32
      %eq3A_1260 = vector.broadcast %eq3A_1259 : i32 to vector<512x1xi32>
      %eq3A_1261 = arith.cmpi eq, %select_n3A, %eq3A_1260 : vector<512x1xi32>
      %get3A_1262 = arith.constant 0 : index
      %get3A_1263 = arith.constant 8 : index
      %get3A_1264 = arith.constant 0 : index
      %get3A_1265 = memref.load %arg5[%get3A_1262, %get3A_1263, %get3A_1264] : memref<1x12x16xf32, #tpu.memory_space<smem>>
      %broadcast_in_dim3A_1266 = vector.broadcast %get3A_1265 : f32 to vector<512x1xf32>
      %select_n3A_1267 = arith.select %eq3A_1261, %broadcast_in_dim3A_1266, %broadcast_in_dim3A_1258 : vector<512x1xi1>, vector<512x1xf32>
      %eq3A_1268 = arith.constant 1 : i32
      %eq3A_1269 = vector.broadcast %eq3A_1268 : i32 to vector<512x1xi32>
      %eq3A_1270 = arith.cmpi eq, %select_n3A, %eq3A_1269 : vector<512x1xi32>
      %get3A_1271 = arith.constant 0 : index
      %get3A_1272 = arith.constant 8 : index
      %get3A_1273 = arith.constant 1 : index
      %get3A_1274 = memref.load %arg5[%get3A_1271, %get3A_1272, %get3A_1273] : memref<1x12x16xf32, #tpu.memory_space<smem>>
      %broadcast_in_dim3A_1275 = vector.broadcast %get3A_1274 : f32 to vector<512x1xf32>
      %select_n3A_1276 = arith.select %eq3A_1270, %broadcast_in_dim3A_1275, %select_n3A_1267 : vector<512x1xi1>, vector<512x1xf32>
      %eq3A_1277 = arith.constant 2 : i32
      %eq3A_1278 = vector.broadcast %eq3A_1277 : i32 to vector<512x1xi32>
      %eq3A_1279 = arith.cmpi eq, %select_n3A, %eq3A_1278 : vector<512x1xi32>
      %get3A_1280 = arith.constant 0 : index
      %get3A_1281 = arith.constant 8 : index
      %get3A_1282 = arith.constant 2 : index
      %get3A_1283 = memref.load %arg5[%get3A_1280, %get3A_1281, %get3A_1282] : memref<1x12x16xf32, #tpu.memory_space<smem>>
      %broadcast_in_dim3A_1284 = vector.broadcast %get3A_1283 : f32 to vector<512x1xf32>
      %select_n3A_1285 = arith.select %eq3A_1279, %broadcast_in_dim3A_1284, %select_n3A_1276 : vector<512x1xi1>, vector<512x1xf32>
      %eq3A_1286 = arith.constant 3 : i32
      %eq3A_1287 = vector.broadcast %eq3A_1286 : i32 to vector<512x1xi32>
      %eq3A_1288 = arith.cmpi eq, %select_n3A, %eq3A_1287 : vector<512x1xi32>
      %get3A_1289 = arith.constant 0 : index
      %get3A_1290 = arith.constant 8 : index
      %get3A_1291 = arith.constant 3 : index
      %get3A_1292 = memref.load %arg5[%get3A_1289, %get3A_1290, %get3A_1291] : memref<1x12x16xf32, #tpu.memory_space<smem>>
      %broadcast_in_dim3A_1293 = vector.broadcast %get3A_1292 : f32 to vector<512x1xf32>
      %select_n3A_1294 = arith.select %eq3A_1288, %broadcast_in_dim3A_1293, %select_n3A_1285 : vector<512x1xi1>, vector<512x1xf32>
      %eq3A_1295 = arith.constant 4 : i32
      %eq3A_1296 = vector.broadcast %eq3A_1295 : i32 to vector<512x1xi32>
      %eq3A_1297 = arith.cmpi eq, %select_n3A, %eq3A_1296 : vector<512x1xi32>
      %get3A_1298 = arith.constant 0 : index
      %get3A_1299 = arith.constant 8 : index
      %get3A_1300 = arith.constant 4 : index
      %get3A_1301 = memref.load %arg5[%get3A_1298, %get3A_1299, %get3A_1300] : memref<1x12x16xf32, #tpu.memory_space<smem>>
      %broadcast_in_dim3A_1302 = vector.broadcast %get3A_1301 : f32 to vector<512x1xf32>
      %select_n3A_1303 = arith.select %eq3A_1297, %broadcast_in_dim3A_1302, %select_n3A_1294 : vector<512x1xi1>, vector<512x1xf32>
      %eq3A_1304 = arith.constant 5 : i32
      %eq3A_1305 = vector.broadcast %eq3A_1304 : i32 to vector<512x1xi32>
      %eq3A_1306 = arith.cmpi eq, %select_n3A, %eq3A_1305 : vector<512x1xi32>
      %get3A_1307 = arith.constant 0 : index
      %get3A_1308 = arith.constant 8 : index
      %get3A_1309 = arith.constant 5 : index
      %get3A_1310 = memref.load %arg5[%get3A_1307, %get3A_1308, %get3A_1309] : memref<1x12x16xf32, #tpu.memory_space<smem>>
      %broadcast_in_dim3A_1311 = vector.broadcast %get3A_1310 : f32 to vector<512x1xf32>
      %select_n3A_1312 = arith.select %eq3A_1306, %broadcast_in_dim3A_1311, %select_n3A_1303 : vector<512x1xi1>, vector<512x1xf32>
      %eq3A_1313 = arith.constant 6 : i32
      %eq3A_1314 = vector.broadcast %eq3A_1313 : i32 to vector<512x1xi32>
      %eq3A_1315 = arith.cmpi eq, %select_n3A, %eq3A_1314 : vector<512x1xi32>
      %get3A_1316 = arith.constant 0 : index
      %get3A_1317 = arith.constant 8 : index
      %get3A_1318 = arith.constant 6 : index
      %get3A_1319 = memref.load %arg5[%get3A_1316, %get3A_1317, %get3A_1318] : memref<1x12x16xf32, #tpu.memory_space<smem>>
      %broadcast_in_dim3A_1320 = vector.broadcast %get3A_1319 : f32 to vector<512x1xf32>
      %select_n3A_1321 = arith.select %eq3A_1315, %broadcast_in_dim3A_1320, %select_n3A_1312 : vector<512x1xi1>, vector<512x1xf32>
      %eq3A_1322 = arith.constant 7 : i32
      %eq3A_1323 = vector.broadcast %eq3A_1322 : i32 to vector<512x1xi32>
      %eq3A_1324 = arith.cmpi eq, %select_n3A, %eq3A_1323 : vector<512x1xi32>
      %get3A_1325 = arith.constant 0 : index
      %get3A_1326 = arith.constant 8 : index
      %get3A_1327 = arith.constant 7 : index
      %get3A_1328 = memref.load %arg5[%get3A_1325, %get3A_1326, %get3A_1327] : memref<1x12x16xf32, #tpu.memory_space<smem>>
      %broadcast_in_dim3A_1329 = vector.broadcast %get3A_1328 : f32 to vector<512x1xf32>
      %select_n3A_1330 = arith.select %eq3A_1324, %broadcast_in_dim3A_1329, %select_n3A_1321 : vector<512x1xi1>, vector<512x1xf32>
      %get3A_1331 = arith.constant 0 : index
      %get3A_1332 = arith.constant 8 : index
      %get3A_1333 = arith.constant 0 : index
      %get3A_1334 = arith.constant 0 : index
      %get3A_1335 = vector.load %arg4[%get3A_1331, %get3A_1332, %get3A_1333, %get3A_1334] : memref<1x12x512x64xf32, #tpu.memory_space<vmem>>, vector<1x1x512x64xf32>
      %get3A_1336 = vector.shape_cast %get3A_1335 : vector<1x1x512x64xf32> to vector<512x64xf32>
      %mul3A_1337 = vector.broadcast %select_n3A_1330 : vector<512x1xf32> to vector<512x64xf32>
      %mul3A_1338 = arith.mulf %get3A_1336, %mul3A_1337 : vector<512x64xf32>
      %convert_element_type3A_1339 = arith.truncf %mul3A_1338 : vector<512x64xf32> to vector<512x64xbf16>
      %swap3A_1340 = arith.constant 8 : index
      %swap3A_1341 = arith.constant 0 : index
      %swap3A_1342 = arith.constant 0 : index
      %swap3A_1343 = vector.load %arg10[%swap3A_1340, %swap3A_1341, %swap3A_1342] : memref<12x512x64xbf16, #tpu.memory_space<vmem>>, vector<1x512x64xbf16>
      %swap3A_1344 = vector.shape_cast %swap3A_1343 : vector<1x512x64xbf16> to vector<512x64xbf16>
      %swap3A_1345 = vector.shape_cast %convert_element_type3A_1339 : vector<512x64xbf16> to vector<1x512x64xbf16>
      tpu.vector_store %arg10[%swap3A_1340, %swap3A_1341, %swap3A_1342], %swap3A_1345 {strides = array<i32>} : memref<12x512x64xbf16, #tpu.memory_space<vmem>>, vector<1x512x64xbf16>,
      %get3A_1346 = arith.constant 0 : index
      %get3A_1347 = arith.constant 9 : index
      %get3A_1348 = arith.constant 0 : index
      %get3A_1349 = arith.constant 0 : index
      %get3A_1350 = vector.load %arg3[%get3A_1346, %get3A_1347, %get3A_1348, %get3A_1349] : memref<1x12x512x64xf32, #tpu.memory_space<vmem>>, vector<1x1x512x64xf32>
      %get3A_1351 = vector.shape_cast %get3A_1350 : vector<1x1x512x64xf32> to vector<512x64xf32>
      %convert_element_type3A_1352 = arith.truncf %get3A_1351 : vector<512x64xf32> to vector<512x64xbf16>
      %swap3A_1353 = arith.constant 9 : index
      %swap3A_1354 = arith.constant 0 : index
      %swap3A_1355 = arith.constant 0 : index
      %swap3A_1356 = vector.load %arg9[%swap3A_1353, %swap3A_1354, %swap3A_1355] : memref<12x512x64xbf16, #tpu.memory_space<vmem>>, vector<1x512x64xbf16>
      %swap3A_1357 = vector.shape_cast %swap3A_1356 : vector<1x512x64xbf16> to vector<512x64xbf16>
      %swap3A_1358 = vector.shape_cast %convert_element_type3A_1352 : vector<512x64xbf16> to vector<1x512x64xbf16>
      tpu.vector_store %arg9[%swap3A_1353, %swap3A_1354, %swap3A_1355], %swap3A_1358 {strides = array<i32>} : memref<12x512x64xbf16, #tpu.memory_space<vmem>>, vector<1x512x64xbf16>,
      %broadcast_in_dim3A_1359 = arith.constant 0.000000e+00 : f32
      %broadcast_in_dim3A_1360 = vector.broadcast %broadcast_in_dim3A_1359 : f32 to vector<512x1xf32>
      %eq3A_1361 = arith.constant 0 : i32
      %eq3A_1362 = vector.broadcast %eq3A_1361 : i32 to vector<512x1xi32>
      %eq3A_1363 = arith.cmpi eq, %select_n3A, %eq3A_1362 : vector<512x1xi32>
      %get3A_1364 = arith.constant 0 : index
      %get3A_1365 = arith.constant 9 : index
      %get3A_1366 = arith.constant 0 : index
      %get3A_1367 = memref.load %arg5[%get3A_1364, %get3A_1365, %get3A_1366] : memref<1x12x16xf32, #tpu.memory_space<smem>>
      %broadcast_in_dim3A_1368 = vector.broadcast %get3A_1367 : f32 to vector<512x1xf32>
      %select_n3A_1369 = arith.select %eq3A_1363, %broadcast_in_dim3A_1368, %broadcast_in_dim3A_1360 : vector<512x1xi1>, vector<512x1xf32>
      %eq3A_1370 = arith.constant 1 : i32
      %eq3A_1371 = vector.broadcast %eq3A_1370 : i32 to vector<512x1xi32>
      %eq3A_1372 = arith.cmpi eq, %select_n3A, %eq3A_1371 : vector<512x1xi32>
      %get3A_1373 = arith.constant 0 : index
      %get3A_1374 = arith.constant 9 : index
      %get3A_1375 = arith.constant 1 : index
      %get3A_1376 = memref.load %arg5[%get3A_1373, %get3A_1374, %get3A_1375] : memref<1x12x16xf32, #tpu.memory_space<smem>>
      %broadcast_in_dim3A_1377 = vector.broadcast %get3A_1376 : f32 to vector<512x1xf32>
      %select_n3A_1378 = arith.select %eq3A_1372, %broadcast_in_dim3A_1377, %select_n3A_1369 : vector<512x1xi1>, vector<512x1xf32>
      %eq3A_1379 = arith.constant 2 : i32
      %eq3A_1380 = vector.broadcast %eq3A_1379 : i32 to vector<512x1xi32>
      %eq3A_1381 = arith.cmpi eq, %select_n3A, %eq3A_1380 : vector<512x1xi32>
      %get3A_1382 = arith.constant 0 : index
      %get3A_1383 = arith.constant 9 : index
      %get3A_1384 = arith.constant 2 : index
      %get3A_1385 = memref.load %arg5[%get3A_1382, %get3A_1383, %get3A_1384] : memref<1x12x16xf32, #tpu.memory_space<smem>>
      %broadcast_in_dim3A_1386 = vector.broadcast %get3A_1385 : f32 to vector<512x1xf32>
      %select_n3A_1387 = arith.select %eq3A_1381, %broadcast_in_dim3A_1386, %select_n3A_1378 : vector<512x1xi1>, vector<512x1xf32>
      %eq3A_1388 = arith.constant 3 : i32
      %eq3A_1389 = vector.broadcast %eq3A_1388 : i32 to vector<512x1xi32>
      %eq3A_1390 = arith.cmpi eq, %select_n3A, %eq3A_1389 : vector<512x1xi32>
      %get3A_1391 = arith.constant 0 : index
      %get3A_1392 = arith.constant 9 : index
      %get3A_1393 = arith.constant 3 : index
      %get3A_1394 = memref.load %arg5[%get3A_1391, %get3A_1392, %get3A_1393] : memref<1x12x16xf32, #tpu.memory_space<smem>>
      %broadcast_in_dim3A_1395 = vector.broadcast %get3A_1394 : f32 to vector<512x1xf32>
      %select_n3A_1396 = arith.select %eq3A_1390, %broadcast_in_dim3A_1395, %select_n3A_1387 : vector<512x1xi1>, vector<512x1xf32>
      %eq3A_1397 = arith.constant 4 : i32
      %eq3A_1398 = vector.broadcast %eq3A_1397 : i32 to vector<512x1xi32>
      %eq3A_1399 = arith.cmpi eq, %select_n3A, %eq3A_1398 : vector<512x1xi32>
      %get3A_1400 = arith.constant 0 : index
      %get3A_1401 = arith.constant 9 : index
      %get3A_1402 = arith.constant 4 : index
      %get3A_1403 = memref.load %arg5[%get3A_1400, %get3A_1401, %get3A_1402] : memref<1x12x16xf32, #tpu.memory_space<smem>>
      %broadcast_in_dim3A_1404 = vector.broadcast %get3A_1403 : f32 to vector<512x1xf32>
      %select_n3A_1405 = arith.select %eq3A_1399, %broadcast_in_dim3A_1404, %select_n3A_1396 : vector<512x1xi1>, vector<512x1xf32>
      %eq3A_1406 = arith.constant 5 : i32
      %eq3A_1407 = vector.broadcast %eq3A_1406 : i32 to vector<512x1xi32>
      %eq3A_1408 = arith.cmpi eq, %select_n3A, %eq3A_1407 : vector<512x1xi32>
      %get3A_1409 = arith.constant 0 : index
      %get3A_1410 = arith.constant 9 : index
      %get3A_1411 = arith.constant 5 : index
      %get3A_1412 = memref.load %arg5[%get3A_1409, %get3A_1410, %get3A_1411] : memref<1x12x16xf32, #tpu.memory_space<smem>>
      %broadcast_in_dim3A_1413 = vector.broadcast %get3A_1412 : f32 to vector<512x1xf32>
      %select_n3A_1414 = arith.select %eq3A_1408, %broadcast_in_dim3A_1413, %select_n3A_1405 : vector<512x1xi1>, vector<512x1xf32>
      %eq3A_1415 = arith.constant 6 : i32
      %eq3A_1416 = vector.broadcast %eq3A_1415 : i32 to vector<512x1xi32>
      %eq3A_1417 = arith.cmpi eq, %select_n3A, %eq3A_1416 : vector<512x1xi32>
      %get3A_1418 = arith.constant 0 : index
      %get3A_1419 = arith.constant 9 : index
      %get3A_1420 = arith.constant 6 : index
      %get3A_1421 = memref.load %arg5[%get3A_1418, %get3A_1419, %get3A_1420] : memref<1x12x16xf32, #tpu.memory_space<smem>>
      %broadcast_in_dim3A_1422 = vector.broadcast %get3A_1421 : f32 to vector<512x1xf32>
      %select_n3A_1423 = arith.select %eq3A_1417, %broadcast_in_dim3A_1422, %select_n3A_1414 : vector<512x1xi1>, vector<512x1xf32>
      %eq3A_1424 = arith.constant 7 : i32
      %eq3A_1425 = vector.broadcast %eq3A_1424 : i32 to vector<512x1xi32>
      %eq3A_1426 = arith.cmpi eq, %select_n3A, %eq3A_1425 : vector<512x1xi32>
      %get3A_1427 = arith.constant 0 : index
      %get3A_1428 = arith.constant 9 : index
      %get3A_1429 = arith.constant 7 : index
      %get3A_1430 = memref.load %arg5[%get3A_1427, %get3A_1428, %get3A_1429] : memref<1x12x16xf32, #tpu.memory_space<smem>>
      %broadcast_in_dim3A_1431 = vector.broadcast %get3A_1430 : f32 to vector<512x1xf32>
      %select_n3A_1432 = arith.select %eq3A_1426, %broadcast_in_dim3A_1431, %select_n3A_1423 : vector<512x1xi1>, vector<512x1xf32>
      %get3A_1433 = arith.constant 0 : index
      %get3A_1434 = arith.constant 9 : index
      %get3A_1435 = arith.constant 0 : index
      %get3A_1436 = arith.constant 0 : index
      %get3A_1437 = vector.load %arg4[%get3A_1433, %get3A_1434, %get3A_1435, %get3A_1436] : memref<1x12x512x64xf32, #tpu.memory_space<vmem>>, vector<1x1x512x64xf32>
      %get3A_1438 = vector.shape_cast %get3A_1437 : vector<1x1x512x64xf32> to vector<512x64xf32>
      %mul3A_1439 = vector.broadcast %select_n3A_1432 : vector<512x1xf32> to vector<512x64xf32>
      %mul3A_1440 = arith.mulf %get3A_1438, %mul3A_1439 : vector<512x64xf32>
      %convert_element_type3A_1441 = arith.truncf %mul3A_1440 : vector<512x64xf32> to vector<512x64xbf16>
      %swap3A_1442 = arith.constant 9 : index
      %swap3A_1443 = arith.constant 0 : index
      %swap3A_1444 = arith.constant 0 : index
      %swap3A_1445 = vector.load %arg10[%swap3A_1442, %swap3A_1443, %swap3A_1444] : memref<12x512x64xbf16, #tpu.memory_space<vmem>>, vector<1x512x64xbf16>
      %swap3A_1446 = vector.shape_cast %swap3A_1445 : vector<1x512x64xbf16> to vector<512x64xbf16>
      %swap3A_1447 = vector.shape_cast %convert_element_type3A_1441 : vector<512x64xbf16> to vector<1x512x64xbf16>
      tpu.vector_store %arg10[%swap3A_1442, %swap3A_1443, %swap3A_1444], %swap3A_1447 {strides = array<i32>} : memref<12x512x64xbf16, #tpu.memory_space<vmem>>, vector<1x512x64xbf16>,
      %get3A_1448 = arith.constant 0 : index
      %get3A_1449 = arith.constant 10 : index
      %get3A_1450 = arith.constant 0 : index
      %get3A_1451 = arith.constant 0 : index
      %get3A_1452 = vector.load %arg3[%get3A_1448, %get3A_1449, %get3A_1450, %get3A_1451] : memref<1x12x512x64xf32, #tpu.memory_space<vmem>>, vector<1x1x512x64xf32>
      %get3A_1453 = vector.shape_cast %get3A_1452 : vector<1x1x512x64xf32> to vector<512x64xf32>
      %convert_element_type3A_1454 = arith.truncf %get3A_1453 : vector<512x64xf32> to vector<512x64xbf16>
      %swap3A_1455 = arith.constant 10 : index
      %swap3A_1456 = arith.constant 0 : index
      %swap3A_1457 = arith.constant 0 : index
      %swap3A_1458 = vector.load %arg9[%swap3A_1455, %swap3A_1456, %swap3A_1457] : memref<12x512x64xbf16, #tpu.memory_space<vmem>>, vector<1x512x64xbf16>
      %swap3A_1459 = vector.shape_cast %swap3A_1458 : vector<1x512x64xbf16> to vector<512x64xbf16>
      %swap3A_1460 = vector.shape_cast %convert_element_type3A_1454 : vector<512x64xbf16> to vector<1x512x64xbf16>
      tpu.vector_store %arg9[%swap3A_1455, %swap3A_1456, %swap3A_1457], %swap3A_1460 {strides = array<i32>} : memref<12x512x64xbf16, #tpu.memory_space<vmem>>, vector<1x512x64xbf16>,
      %broadcast_in_dim3A_1461 = arith.constant 0.000000e+00 : f32
      %broadcast_in_dim3A_1462 = vector.broadcast %broadcast_in_dim3A_1461 : f32 to vector<512x1xf32>
      %eq3A_1463 = arith.constant 0 : i32
      %eq3A_1464 = vector.broadcast %eq3A_1463 : i32 to vector<512x1xi32>
      %eq3A_1465 = arith.cmpi eq, %select_n3A, %eq3A_1464 : vector<512x1xi32>
      %get3A_1466 = arith.constant 0 : index
      %get3A_1467 = arith.constant 10 : index
      %get3A_1468 = arith.constant 0 : index
      %get3A_1469 = memref.load %arg5[%get3A_1466, %get3A_1467, %get3A_1468] : memref<1x12x16xf32, #tpu.memory_space<smem>>
      %broadcast_in_dim3A_1470 = vector.broadcast %get3A_1469 : f32 to vector<512x1xf32>
      %select_n3A_1471 = arith.select %eq3A_1465, %broadcast_in_dim3A_1470, %broadcast_in_dim3A_1462 : vector<512x1xi1>, vector<512x1xf32>
      %eq3A_1472 = arith.constant 1 : i32
      %eq3A_1473 = vector.broadcast %eq3A_1472 : i32 to vector<512x1xi32>
      %eq3A_1474 = arith.cmpi eq, %select_n3A, %eq3A_1473 : vector<512x1xi32>
      %get3A_1475 = arith.constant 0 : index
      %get3A_1476 = arith.constant 10 : index
      %get3A_1477 = arith.constant 1 : index
      %get3A_1478 = memref.load %arg5[%get3A_1475, %get3A_1476, %get3A_1477] : memref<1x12x16xf32, #tpu.memory_space<smem>>
      %broadcast_in_dim3A_1479 = vector.broadcast %get3A_1478 : f32 to vector<512x1xf32>
      %select_n3A_1480 = arith.select %eq3A_1474, %broadcast_in_dim3A_1479, %select_n3A_1471 : vector<512x1xi1>, vector<512x1xf32>
      %eq3A_1481 = arith.constant 2 : i32
      %eq3A_1482 = vector.broadcast %eq3A_1481 : i32 to vector<512x1xi32>
      %eq3A_1483 = arith.cmpi eq, %select_n3A, %eq3A_1482 : vector<512x1xi32>
      %get3A_1484 = arith.constant 0 : index
      %get3A_1485 = arith.constant 10 : index
      %get3A_1486 = arith.constant 2 : index
      %get3A_1487 = memref.load %arg5[%get3A_1484, %get3A_1485, %get3A_1486] : memref<1x12x16xf32, #tpu.memory_space<smem>>
      %broadcast_in_dim3A_1488 = vector.broadcast %get3A_1487 : f32 to vector<512x1xf32>
      %select_n3A_1489 = arith.select %eq3A_1483, %broadcast_in_dim3A_1488, %select_n3A_1480 : vector<512x1xi1>, vector<512x1xf32>
      %eq3A_1490 = arith.constant 3 : i32
      %eq3A_1491 = vector.broadcast %eq3A_1490 : i32 to vector<512x1xi32>
      %eq3A_1492 = arith.cmpi eq, %select_n3A, %eq3A_1491 : vector<512x1xi32>
      %get3A_1493 = arith.constant 0 : index
      %get3A_1494 = arith.constant 10 : index
      %get3A_1495 = arith.constant 3 : index
      %get3A_1496 = memref.load %arg5[%get3A_1493, %get3A_1494, %get3A_1495] : memref<1x12x16xf32, #tpu.memory_space<smem>>
      %broadcast_in_dim3A_1497 = vector.broadcast %get3A_1496 : f32 to vector<512x1xf32>
      %select_n3A_1498 = arith.select %eq3A_1492, %broadcast_in_dim3A_1497, %select_n3A_1489 : vector<512x1xi1>, vector<512x1xf32>
      %eq3A_1499 = arith.constant 4 : i32
      %eq3A_1500 = vector.broadcast %eq3A_1499 : i32 to vector<512x1xi32>
      %eq3A_1501 = arith.cmpi eq, %select_n3A, %eq3A_1500 : vector<512x1xi32>
      %get3A_1502 = arith.constant 0 : index
      %get3A_1503 = arith.constant 10 : index
      %get3A_1504 = arith.constant 4 : index
      %get3A_1505 = memref.load %arg5[%get3A_1502, %get3A_1503, %get3A_1504] : memref<1x12x16xf32, #tpu.memory_space<smem>>
      %broadcast_in_dim3A_1506 = vector.broadcast %get3A_1505 : f32 to vector<512x1xf32>
      %select_n3A_1507 = arith.select %eq3A_1501, %broadcast_in_dim3A_1506, %select_n3A_1498 : vector<512x1xi1>, vector<512x1xf32>
      %eq3A_1508 = arith.constant 5 : i32
      %eq3A_1509 = vector.broadcast %eq3A_1508 : i32 to vector<512x1xi32>
      %eq3A_1510 = arith.cmpi eq, %select_n3A, %eq3A_1509 : vector<512x1xi32>
      %get3A_1511 = arith.constant 0 : index
      %get3A_1512 = arith.constant 10 : index
      %get3A_1513 = arith.constant 5 : index
      %get3A_1514 = memref.load %arg5[%get3A_1511, %get3A_1512, %get3A_1513] : memref<1x12x16xf32, #tpu.memory_space<smem>>
      %broadcast_in_dim3A_1515 = vector.broadcast %get3A_1514 : f32 to vector<512x1xf32>
      %select_n3A_1516 = arith.select %eq3A_1510, %broadcast_in_dim3A_1515, %select_n3A_1507 : vector<512x1xi1>, vector<512x1xf32>
      %eq3A_1517 = arith.constant 6 : i32
      %eq3A_1518 = vector.broadcast %eq3A_1517 : i32 to vector<512x1xi32>
      %eq3A_1519 = arith.cmpi eq, %select_n3A, %eq3A_1518 : vector<512x1xi32>
      %get3A_1520 = arith.constant 0 : index
      %get3A_1521 = arith.constant 10 : index
      %get3A_1522 = arith.constant 6 : index
      %get3A_1523 = memref.load %arg5[%get3A_1520, %get3A_1521, %get3A_1522] : memref<1x12x16xf32, #tpu.memory_space<smem>>
      %broadcast_in_dim3A_1524 = vector.broadcast %get3A_1523 : f32 to vector<512x1xf32>
      %select_n3A_1525 = arith.select %eq3A_1519, %broadcast_in_dim3A_1524, %select_n3A_1516 : vector<512x1xi1>, vector<512x1xf32>
      %eq3A_1526 = arith.constant 7 : i32
      %eq3A_1527 = vector.broadcast %eq3A_1526 : i32 to vector<512x1xi32>
      %eq3A_1528 = arith.cmpi eq, %select_n3A, %eq3A_1527 : vector<512x1xi32>
      %get3A_1529 = arith.constant 0 : index
      %get3A_1530 = arith.constant 10 : index
      %get3A_1531 = arith.constant 7 : index
      %get3A_1532 = memref.load %arg5[%get3A_1529, %get3A_1530, %get3A_1531] : memref<1x12x16xf32, #tpu.memory_space<smem>>
      %broadcast_in_dim3A_1533 = vector.broadcast %get3A_1532 : f32 to vector<512x1xf32>
      %select_n3A_1534 = arith.select %eq3A_1528, %broadcast_in_dim3A_1533, %select_n3A_1525 : vector<512x1xi1>, vector<512x1xf32>
      %get3A_1535 = arith.constant 0 : index
      %get3A_1536 = arith.constant 10 : index
      %get3A_1537 = arith.constant 0 : index
      %get3A_1538 = arith.constant 0 : index
      %get3A_1539 = vector.load %arg4[%get3A_1535, %get3A_1536, %get3A_1537, %get3A_1538] : memref<1x12x512x64xf32, #tpu.memory_space<vmem>>, vector<1x1x512x64xf32>
      %get3A_1540 = vector.shape_cast %get3A_1539 : vector<1x1x512x64xf32> to vector<512x64xf32>
      %mul3A_1541 = vector.broadcast %select_n3A_1534 : vector<512x1xf32> to vector<512x64xf32>
      %mul3A_1542 = arith.mulf %get3A_1540, %mul3A_1541 : vector<512x64xf32>
      %convert_element_type3A_1543 = arith.truncf %mul3A_1542 : vector<512x64xf32> to vector<512x64xbf16>
      %swap3A_1544 = arith.constant 10 : index
      %swap3A_1545 = arith.constant 0 : index
      %swap3A_1546 = arith.constant 0 : index
      %swap3A_1547 = vector.load %arg10[%swap3A_1544, %swap3A_1545, %swap3A_1546] : memref<12x512x64xbf16, #tpu.memory_space<vmem>>, vector<1x512x64xbf16>
      %swap3A_1548 = vector.shape_cast %swap3A_1547 : vector<1x512x64xbf16> to vector<512x64xbf16>
      %swap3A_1549 = vector.shape_cast %convert_element_type3A_1543 : vector<512x64xbf16> to vector<1x512x64xbf16>
      tpu.vector_store %arg10[%swap3A_1544, %swap3A_1545, %swap3A_1546], %swap3A_1549 {strides = array<i32>} : memref<12x512x64xbf16, #tpu.memory_space<vmem>>, vector<1x512x64xbf16>,
      %get3A_1550 = arith.constant 0 : index
      %get3A_1551 = arith.constant 11 : index
      %get3A_1552 = arith.constant 0 : index
      %get3A_1553 = arith.constant 0 : index
      %get3A_1554 = vector.load %arg3[%get3A_1550, %get3A_1551, %get3A_1552, %get3A_1553] : memref<1x12x512x64xf32, #tpu.memory_space<vmem>>, vector<1x1x512x64xf32>
      %get3A_1555 = vector.shape_cast %get3A_1554 : vector<1x1x512x64xf32> to vector<512x64xf32>
      %convert_element_type3A_1556 = arith.truncf %get3A_1555 : vector<512x64xf32> to vector<512x64xbf16>
      %swap3A_1557 = arith.constant 11 : index
      %swap3A_1558 = arith.constant 0 : index
      %swap3A_1559 = arith.constant 0 : index
      %swap3A_1560 = vector.load %arg9[%swap3A_1557, %swap3A_1558, %swap3A_1559] : memref<12x512x64xbf16, #tpu.memory_space<vmem>>, vector<1x512x64xbf16>
      %swap3A_1561 = vector.shape_cast %swap3A_1560 : vector<1x512x64xbf16> to vector<512x64xbf16>
      %swap3A_1562 = vector.shape_cast %convert_element_type3A_1556 : vector<512x64xbf16> to vector<1x512x64xbf16>
      tpu.vector_store %arg9[%swap3A_1557, %swap3A_1558, %swap3A_1559], %swap3A_1562 {strides = array<i32>} : memref<12x512x64xbf16, #tpu.memory_space<vmem>>, vector<1x512x64xbf16>,
      %broadcast_in_dim3A_1563 = arith.constant 0.000000e+00 : f32
      %broadcast_in_dim3A_1564 = vector.broadcast %broadcast_in_dim3A_1563 : f32 to vector<512x1xf32>
      %eq3A_1565 = arith.constant 0 : i32
      %eq3A_1566 = vector.broadcast %eq3A_1565 : i32 to vector<512x1xi32>
      %eq3A_1567 = arith.cmpi eq, %select_n3A, %eq3A_1566 : vector<512x1xi32>
      %get3A_1568 = arith.constant 0 : index
      %get3A_1569 = arith.constant 11 : index
      %get3A_1570 = arith.constant 0 : index
      %get3A_1571 = memref.load %arg5[%get3A_1568, %get3A_1569, %get3A_1570] : memref<1x12x16xf32, #tpu.memory_space<smem>>
      %broadcast_in_dim3A_1572 = vector.broadcast %get3A_1571 : f32 to vector<512x1xf32>
      %select_n3A_1573 = arith.select %eq3A_1567, %broadcast_in_dim3A_1572, %broadcast_in_dim3A_1564 : vector<512x1xi1>, vector<512x1xf32>
      %eq3A_1574 = arith.constant 1 : i32
      %eq3A_1575 = vector.broadcast %eq3A_1574 : i32 to vector<512x1xi32>
      %eq3A_1576 = arith.cmpi eq, %select_n3A, %eq3A_1575 : vector<512x1xi32>
      %get3A_1577 = arith.constant 0 : index
      %get3A_1578 = arith.constant 11 : index
      %get3A_1579 = arith.constant 1 : index
      %get3A_1580 = memref.load %arg5[%get3A_1577, %get3A_1578, %get3A_1579] : memref<1x12x16xf32, #tpu.memory_space<smem>>
      %broadcast_in_dim3A_1581 = vector.broadcast %get3A_1580 : f32 to vector<512x1xf32>
      %select_n3A_1582 = arith.select %eq3A_1576, %broadcast_in_dim3A_1581, %select_n3A_1573 : vector<512x1xi1>, vector<512x1xf32>
      %eq3A_1583 = arith.constant 2 : i32
      %eq3A_1584 = vector.broadcast %eq3A_1583 : i32 to vector<512x1xi32>
      %eq3A_1585 = arith.cmpi eq, %select_n3A, %eq3A_1584 : vector<512x1xi32>
      %get3A_1586 = arith.constant 0 : index
      %get3A_1587 = arith.constant 11 : index
      %get3A_1588 = arith.constant 2 : index
      %get3A_1589 = memref.load %arg5[%get3A_1586, %get3A_1587, %get3A_1588] : memref<1x12x16xf32, #tpu.memory_space<smem>>
      %broadcast_in_dim3A_1590 = vector.broadcast %get3A_1589 : f32 to vector<512x1xf32>
      %select_n3A_1591 = arith.select %eq3A_1585, %broadcast_in_dim3A_1590, %select_n3A_1582 : vector<512x1xi1>, vector<512x1xf32>
      %eq3A_1592 = arith.constant 3 : i32
      %eq3A_1593 = vector.broadcast %eq3A_1592 : i32 to vector<512x1xi32>
      %eq3A_1594 = arith.cmpi eq, %select_n3A, %eq3A_1593 : vector<512x1xi32>
      %get3A_1595 = arith.constant 0 : index
      %get3A_1596 = arith.constant 11 : index
      %get3A_1597 = arith.constant 3 : index
      %get3A_1598 = memref.load %arg5[%get3A_1595, %get3A_1596, %get3A_1597] : memref<1x12x16xf32, #tpu.memory_space<smem>>
      %broadcast_in_dim3A_1599 = vector.broadcast %get3A_1598 : f32 to vector<512x1xf32>
      %select_n3A_1600 = arith.select %eq3A_1594, %broadcast_in_dim3A_1599, %select_n3A_1591 : vector<512x1xi1>, vector<512x1xf32>
      %eq3A_1601 = arith.constant 4 : i32
      %eq3A_1602 = vector.broadcast %eq3A_1601 : i32 to vector<512x1xi32>
      %eq3A_1603 = arith.cmpi eq, %select_n3A, %eq3A_1602 : vector<512x1xi32>
      %get3A_1604 = arith.constant 0 : index
      %get3A_1605 = arith.constant 11 : index
      %get3A_1606 = arith.constant 4 : index
      %get3A_1607 = memref.load %arg5[%get3A_1604, %get3A_1605, %get3A_1606] : memref<1x12x16xf32, #tpu.memory_space<smem>>
      %broadcast_in_dim3A_1608 = vector.broadcast %get3A_1607 : f32 to vector<512x1xf32>
      %select_n3A_1609 = arith.select %eq3A_1603, %broadcast_in_dim3A_1608, %select_n3A_1600 : vector<512x1xi1>, vector<512x1xf32>
      %eq3A_1610 = arith.constant 5 : i32
      %eq3A_1611 = vector.broadcast %eq3A_1610 : i32 to vector<512x1xi32>
      %eq3A_1612 = arith.cmpi eq, %select_n3A, %eq3A_1611 : vector<512x1xi32>
      %get3A_1613 = arith.constant 0 : index
      %get3A_1614 = arith.constant 11 : index
      %get3A_1615 = arith.constant 5 : index
      %get3A_1616 = memref.load %arg5[%get3A_1613, %get3A_1614, %get3A_1615] : memref<1x12x16xf32, #tpu.memory_space<smem>>
      %broadcast_in_dim3A_1617 = vector.broadcast %get3A_1616 : f32 to vector<512x1xf32>
      %select_n3A_1618 = arith.select %eq3A_1612, %broadcast_in_dim3A_1617, %select_n3A_1609 : vector<512x1xi1>, vector<512x1xf32>
      %eq3A_1619 = arith.constant 6 : i32
      %eq3A_1620 = vector.broadcast %eq3A_1619 : i32 to vector<512x1xi32>
      %eq3A_1621 = arith.cmpi eq, %select_n3A, %eq3A_1620 : vector<512x1xi32>
      %get3A_1622 = arith.constant 0 : index
      %get3A_1623 = arith.constant 11 : index
      %get3A_1624 = arith.constant 6 : index
      %get3A_1625 = memref.load %arg5[%get3A_1622, %get3A_1623, %get3A_1624] : memref<1x12x16xf32, #tpu.memory_space<smem>>
      %broadcast_in_dim3A_1626 = vector.broadcast %get3A_1625 : f32 to vector<512x1xf32>
      %select_n3A_1627 = arith.select %eq3A_1621, %broadcast_in_dim3A_1626, %select_n3A_1618 : vector<512x1xi1>, vector<512x1xf32>
      %eq3A_1628 = arith.constant 7 : i32
      %eq3A_1629 = vector.broadcast %eq3A_1628 : i32 to vector<512x1xi32>
      %eq3A_1630 = arith.cmpi eq, %select_n3A, %eq3A_1629 : vector<512x1xi32>
      %get3A_1631 = arith.constant 0 : index
      %get3A_1632 = arith.constant 11 : index
      %get3A_1633 = arith.constant 7 : index
      %get3A_1634 = memref.load %arg5[%get3A_1631, %get3A_1632, %get3A_1633] : memref<1x12x16xf32, #tpu.memory_space<smem>>
      %broadcast_in_dim3A_1635 = vector.broadcast %get3A_1634 : f32 to vector<512x1xf32>
      %select_n3A_1636 = arith.select %eq3A_1630, %broadcast_in_dim3A_1635, %select_n3A_1627 : vector<512x1xi1>, vector<512x1xf32>
      %get3A_1637 = arith.constant 0 : index
      %get3A_1638 = arith.constant 11 : index
      %get3A_1639 = arith.constant 0 : index
      %get3A_1640 = arith.constant 0 : index
      %get3A_1641 = vector.load %arg4[%get3A_1637, %get3A_1638, %get3A_1639, %get3A_1640] : memref<1x12x512x64xf32, #tpu.memory_space<vmem>>, vector<1x1x512x64xf32>
      %get3A_1642 = vector.shape_cast %get3A_1641 : vector<1x1x512x64xf32> to vector<512x64xf32>
      %mul3A_1643 = vector.broadcast %select_n3A_1636 : vector<512x1xf32> to vector<512x64xf32>
      %mul3A_1644 = arith.mulf %get3A_1642, %mul3A_1643 : vector<512x64xf32>
      %convert_element_type3A_1645 = arith.truncf %mul3A_1644 : vector<512x64xf32> to vector<512x64xbf16>
      %swap3A_1646 = arith.constant 11 : index
      %swap3A_1647 = arith.constant 0 : index
      %swap3A_1648 = arith.constant 0 : index
      %swap3A_1649 = vector.load %arg10[%swap3A_1646, %swap3A_1647, %swap3A_1648] : memref<12x512x64xbf16, #tpu.memory_space<vmem>>, vector<1x512x64xbf16>
      %swap3A_1650 = vector.shape_cast %swap3A_1649 : vector<1x512x64xbf16> to vector<512x64xbf16>
      %swap3A_1651 = vector.shape_cast %convert_element_type3A_1645 : vector<512x64xbf16> to vector<1x512x64xbf16>
      tpu.vector_store %arg10[%swap3A_1646, %swap3A_1647, %swap3A_1648], %swap3A_1651 {strides = array<i32>} : memref<12x512x64xbf16, #tpu.memory_space<vmem>>, vector<1x512x64xbf16>,
    } else {
    }
    %get3A_6 = arith.constant 0 : index
    %get3A_7 = arith.constant 0 : index
    %get3A_8 = vector.load %arg7[%get3A_6, %get3A_7] : memref<1x768xf32, #tpu.memory_space<vmem>>, vector<1x768xf32>
    %broadcast_in_dim3A = vector.shape_cast %get3A_8 : vector<1x768xf32> to vector<1x768xf32>
    %broadcast_in_dim3A_9 = vector.broadcast %broadcast_in_dim3A : vector<1x768xf32> to vector<512x768xf32>
    %slice3A = vector.extract_strided_slice %get3A_3 {offsets = [0, 0], sizes = [512, 64], strides = [1, 1]} : vector<512x768xf32> to vector<512x64xf32>
    %mul3A = arith.constant 0.180336878 : f32
    %mul3A_10 = vector.broadcast %mul3A : f32 to vector<512x64xf32>
    %mul3A_11 = arith.mulf %slice3A, %mul3A_10 : vector<512x64xf32>
    %convert_element_type3A_12 = arith.truncf %mul3A_11 : vector<512x64xf32> to vector<512x64xbf16>
    %get3A_13 = arith.constant 0 : index
    %get3A_14 = arith.constant 0 : index
    %get3A_15 = arith.constant 0 : index
    %get3A_16 = vector.load %arg9[%get3A_13, %get3A_14, %get3A_15] : memref<12x512x64xbf16, #tpu.memory_space<vmem>>, vector<1x512x64xbf16>
    %get3A_17 = vector.shape_cast %get3A_16 : vector<1x512x64xbf16> to vector<512x64xbf16>
    %dot_general3A = arith.constant dense<0.000000e+00> : vector<512x512xf32>
    %dot_general3A_18 = tpu.matmul %convert_element_type3A_12, %get3A_17, %dot_general3A {dimension_numbers = #tpu.dot_dimension_numbers<[1], [1], [0], [0], [0, 0, 1, 0], [], []>, transpose_lhs_hint = false} : vector<512x64xbf16>, vector<512x64xbf16>, vector<512x512xf32> -> vector<512x512xf32>
    %exp23A = math.exp2 %dot_general3A_18 : vector<512x512xf32>
    %reduce_sum3A = arith.constant dense<0.000000e+00> : vector<512xf32>
    %reduce_sum3A_19 = vector.multi_reduction <add>, %exp23A, %reduce_sum3A [1] : vector<512x512xf32> to vector<512xf32>
    %broadcast_in_dim3A_20 = vector.shape_cast %reduce_sum3A_19 : vector<512xf32> to vector<512x1xf32>
    %convert_element_type3A_21 = arith.truncf %exp23A : vector<512x512xf32> to vector<512x512xbf16>
    %get3A_22 = arith.constant 0 : index
    %get3A_23 = arith.constant 0 : index
    %get3A_24 = arith.constant 0 : index
    %get3A_25 = vector.load %arg10[%get3A_22, %get3A_23, %get3A_24] : memref<12x512x64xbf16, #tpu.memory_space<vmem>>, vector<1x512x64xbf16>
    %get3A_26 = vector.shape_cast %get3A_25 : vector<1x512x64xbf16> to vector<512x64xbf16>
    %dot_general3A_27 = arith.constant dense<0.000000e+00> : vector<512x64xf32>
    %dot_general3A_28 = tpu.matmul %convert_element_type3A_21, %get3A_26, %dot_general3A_27 {dimension_numbers = #tpu.dot_dimension_numbers<[1], [0], [0], [1], [0, 0, 1, 1], [], []>, transpose_lhs_hint = false} : vector<512x512xbf16>, vector<512x64xbf16>, vector<512x64xf32> -> vector<512x64xf32>
    %div3A = vector.broadcast %broadcast_in_dim3A_20 : vector<512x1xf32> to vector<512x64xf32>
    %div3A_29 = arith.divf %dot_general3A_28, %div3A : vector<512x64xf32>
    %convert_element_type3A_30 = arith.truncf %div3A_29 : vector<512x64xf32> to vector<512x64xbf16>
    %get3A_31 = arith.constant 0 : index
    %get3A_32 = arith.constant 0 : index
    %get3A_33 = vector.load %arg6[%get3A_31, %get3A_32] : memref<768x768xbf16, #tpu.memory_space<vmem>>, vector<768x64xbf16>
    %dot_general3A_34 = arith.constant dense<0.000000e+00> : vector<512x768xf32>
    %dot_general3A_35 = tpu.matmul %convert_element_type3A_30, %get3A_33, %dot_general3A_34 {dimension_numbers = #tpu.dot_dimension_numbers<[1], [1], [0], [0], [0, 0, 1, 0], [], []>, transpose_lhs_hint = false} : vector<512x64xbf16>, vector<768x64xbf16>, vector<512x768xf32> -> vector<512x768xf32>
    %add3A = arith.addf %broadcast_in_dim3A_9, %dot_general3A_35 : vector<512x768xf32>
    %slice3A_36 = vector.extract_strided_slice %get3A_3 {offsets = [0, 64], sizes = [512, 64], strides = [1, 1]} : vector<512x768xf32> to vector<512x64xf32>
    %mul3A_37 = arith.constant 0.180336878 : f32
    %mul3A_38 = vector.broadcast %mul3A_37 : f32 to vector<512x64xf32>
    %mul3A_39 = arith.mulf %slice3A_36, %mul3A_38 : vector<512x64xf32>
    %convert_element_type3A_40 = arith.truncf %mul3A_39 : vector<512x64xf32> to vector<512x64xbf16>
    %get3A_41 = arith.constant 1 : index
    %get3A_42 = arith.constant 0 : index
    %get3A_43 = arith.constant 0 : index
    %get3A_44 = vector.load %arg9[%get3A_41, %get3A_42, %get3A_43] : memref<12x512x64xbf16, #tpu.memory_space<vmem>>, vector<1x512x64xbf16>
    %get3A_45 = vector.shape_cast %get3A_44 : vector<1x512x64xbf16> to vector<512x64xbf16>
    %dot_general3A_46 = arith.constant dense<0.000000e+00> : vector<512x512xf32>
    %dot_general3A_47 = tpu.matmul %convert_element_type3A_40, %get3A_45, %dot_general3A_46 {dimension_numbers = #tpu.dot_dimension_numbers<[1], [1], [0], [0], [0, 0, 1, 0], [], []>, transpose_lhs_hint = false} : vector<512x64xbf16>, vector<512x64xbf16>, vector<512x512xf32> -> vector<512x512xf32>
    %exp23A_48 = math.exp2 %dot_general3A_47 : vector<512x512xf32>
    %reduce_sum3A_49 = arith.constant dense<0.000000e+00> : vector<512xf32>
    %reduce_sum3A_50 = vector.multi_reduction <add>, %exp23A_48, %reduce_sum3A_49 [1] : vector<512x512xf32> to vector<512xf32>
    %broadcast_in_dim3A_51 = vector.shape_cast %reduce_sum3A_50 : vector<512xf32> to vector<512x1xf32>
    %convert_element_type3A_52 = arith.truncf %exp23A_48 : vector<512x512xf32> to vector<512x512xbf16>
    %get3A_53 = arith.constant 1 : index
    %get3A_54 = arith.constant 0 : index
    %get3A_55 = arith.constant 0 : index
    %get3A_56 = vector.load %arg10[%get3A_53, %get3A_54, %get3A_55] : memref<12x512x64xbf16, #tpu.memory_space<vmem>>, vector<1x512x64xbf16>
    %get3A_57 = vector.shape_cast %get3A_56 : vector<1x512x64xbf16> to vector<512x64xbf16>
    %dot_general3A_58 = arith.constant dense<0.000000e+00> : vector<512x64xf32>
    %dot_general3A_59 = tpu.matmul %convert_element_type3A_52, %get3A_57, %dot_general3A_58 {dimension_numbers = #tpu.dot_dimension_numbers<[1], [0], [0], [1], [0, 0, 1, 1], [], []>, transpose_lhs_hint = false} : vector<512x512xbf16>, vector<512x64xbf16>, vector<512x64xf32> -> vector<512x64xf32>
    %div3A_60 = vector.broadcast %broadcast_in_dim3A_51 : vector<512x1xf32> to vector<512x64xf32>
    %div3A_61 = arith.divf %dot_general3A_59, %div3A_60 : vector<512x64xf32>
    %convert_element_type3A_62 = arith.truncf %div3A_61 : vector<512x64xf32> to vector<512x64xbf16>
    %get3A_63 = arith.constant 0 : index
    %get3A_64 = arith.constant 64 : index
    %get3A_65 = vector.load %arg6[%get3A_63, %get3A_64] : memref<768x768xbf16, #tpu.memory_space<vmem>>, vector<768x64xbf16>
    %dot_general3A_66 = arith.constant dense<0.000000e+00> : vector<512x768xf32>
    %dot_general3A_67 = tpu.matmul %convert_element_type3A_62, %get3A_65, %dot_general3A_66 {dimension_numbers = #tpu.dot_dimension_numbers<[1], [1], [0], [0], [0, 0, 1, 0], [], []>, transpose_lhs_hint = false} : vector<512x64xbf16>, vector<768x64xbf16>, vector<512x768xf32> -> vector<512x768xf32>
    %add3A_68 = arith.addf %add3A, %dot_general3A_67 : vector<512x768xf32>
    %slice3A_69 = vector.extract_strided_slice %get3A_3 {offsets = [0, 128], sizes = [512, 64], strides = [1, 1]} : vector<512x768xf32> to vector<512x64xf32>
    %mul3A_70 = arith.constant 0.180336878 : f32
    %mul3A_71 = vector.broadcast %mul3A_70 : f32 to vector<512x64xf32>
    %mul3A_72 = arith.mulf %slice3A_69, %mul3A_71 : vector<512x64xf32>
    %convert_element_type3A_73 = arith.truncf %mul3A_72 : vector<512x64xf32> to vector<512x64xbf16>
    %get3A_74 = arith.constant 2 : index
    %get3A_75 = arith.constant 0 : index
    %get3A_76 = arith.constant 0 : index
    %get3A_77 = vector.load %arg9[%get3A_74, %get3A_75, %get3A_76] : memref<12x512x64xbf16, #tpu.memory_space<vmem>>, vector<1x512x64xbf16>
    %get3A_78 = vector.shape_cast %get3A_77 : vector<1x512x64xbf16> to vector<512x64xbf16>
    %dot_general3A_79 = arith.constant dense<0.000000e+00> : vector<512x512xf32>
    %dot_general3A_80 = tpu.matmul %convert_element_type3A_73, %get3A_78, %dot_general3A_79 {dimension_numbers = #tpu.dot_dimension_numbers<[1], [1], [0], [0], [0, 0, 1, 0], [], []>, transpose_lhs_hint = false} : vector<512x64xbf16>, vector<512x64xbf16>, vector<512x512xf32> -> vector<512x512xf32>
    %exp23A_81 = math.exp2 %dot_general3A_80 : vector<512x512xf32>
    %reduce_sum3A_82 = arith.constant dense<0.000000e+00> : vector<512xf32>
    %reduce_sum3A_83 = vector.multi_reduction <add>, %exp23A_81, %reduce_sum3A_82 [1] : vector<512x512xf32> to vector<512xf32>
    %broadcast_in_dim3A_84 = vector.shape_cast %reduce_sum3A_83 : vector<512xf32> to vector<512x1xf32>
    %convert_element_type3A_85 = arith.truncf %exp23A_81 : vector<512x512xf32> to vector<512x512xbf16>
    %get3A_86 = arith.constant 2 : index
    %get3A_87 = arith.constant 0 : index
    %get3A_88 = arith.constant 0 : index
    %get3A_89 = vector.load %arg10[%get3A_86, %get3A_87, %get3A_88] : memref<12x512x64xbf16, #tpu.memory_space<vmem>>, vector<1x512x64xbf16>
    %get3A_90 = vector.shape_cast %get3A_89 : vector<1x512x64xbf16> to vector<512x64xbf16>
    %dot_general3A_91 = arith.constant dense<0.000000e+00> : vector<512x64xf32>
    %dot_general3A_92 = tpu.matmul %convert_element_type3A_85, %get3A_90, %dot_general3A_91 {dimension_numbers = #tpu.dot_dimension_numbers<[1], [0], [0], [1], [0, 0, 1, 1], [], []>, transpose_lhs_hint = false} : vector<512x512xbf16>, vector<512x64xbf16>, vector<512x64xf32> -> vector<512x64xf32>
    %div3A_93 = vector.broadcast %broadcast_in_dim3A_84 : vector<512x1xf32> to vector<512x64xf32>
    %div3A_94 = arith.divf %dot_general3A_92, %div3A_93 : vector<512x64xf32>
    %convert_element_type3A_95 = arith.truncf %div3A_94 : vector<512x64xf32> to vector<512x64xbf16>
    %get3A_96 = arith.constant 0 : index
    %get3A_97 = arith.constant 128 : index
    %get3A_98 = vector.load %arg6[%get3A_96, %get3A_97] : memref<768x768xbf16, #tpu.memory_space<vmem>>, vector<768x64xbf16>
    %dot_general3A_99 = arith.constant dense<0.000000e+00> : vector<512x768xf32>
    %dot_general3A_100 = tpu.matmul %convert_element_type3A_95, %get3A_98, %dot_general3A_99 {dimension_numbers = #tpu.dot_dimension_numbers<[1], [1], [0], [0], [0, 0, 1, 0], [], []>, transpose_lhs_hint = false} : vector<512x64xbf16>, vector<768x64xbf16>, vector<512x768xf32> -> vector<512x768xf32>
    %add3A_101 = arith.addf %add3A_68, %dot_general3A_100 : vector<512x768xf32>
    %slice3A_102 = vector.extract_strided_slice %get3A_3 {offsets = [0, 192], sizes = [512, 64], strides = [1, 1]} : vector<512x768xf32> to vector<512x64xf32>
    %mul3A_103 = arith.constant 0.180336878 : f32
    %mul3A_104 = vector.broadcast %mul3A_103 : f32 to vector<512x64xf32>
    %mul3A_105 = arith.mulf %slice3A_102, %mul3A_104 : vector<512x64xf32>
    %convert_element_type3A_106 = arith.truncf %mul3A_105 : vector<512x64xf32> to vector<512x64xbf16>
    %get3A_107 = arith.constant 3 : index
    %get3A_108 = arith.constant 0 : index
    %get3A_109 = arith.constant 0 : index
    %get3A_110 = vector.load %arg9[%get3A_107, %get3A_108, %get3A_109] : memref<12x512x64xbf16, #tpu.memory_space<vmem>>, vector<1x512x64xbf16>
    %get3A_111 = vector.shape_cast %get3A_110 : vector<1x512x64xbf16> to vector<512x64xbf16>
    %dot_general3A_112 = arith.constant dense<0.000000e+00> : vector<512x512xf32>
    %dot_general3A_113 = tpu.matmul %convert_element_type3A_106, %get3A_111, %dot_general3A_112 {dimension_numbers = #tpu.dot_dimension_numbers<[1], [1], [0], [0], [0, 0, 1, 0], [], []>, transpose_lhs_hint = false} : vector<512x64xbf16>, vector<512x64xbf16>, vector<512x512xf32> -> vector<512x512xf32>
    %exp23A_114 = math.exp2 %dot_general3A_113 : vector<512x512xf32>
    %reduce_sum3A_115 = arith.constant dense<0.000000e+00> : vector<512xf32>
    %reduce_sum3A_116 = vector.multi_reduction <add>, %exp23A_114, %reduce_sum3A_115 [1] : vector<512x512xf32> to vector<512xf32>
    %broadcast_in_dim3A_117 = vector.shape_cast %reduce_sum3A_116 : vector<512xf32> to vector<512x1xf32>
    %convert_element_type3A_118 = arith.truncf %exp23A_114 : vector<512x512xf32> to vector<512x512xbf16>
    %get3A_119 = arith.constant 3 : index
    %get3A_120 = arith.constant 0 : index
    %get3A_121 = arith.constant 0 : index
    %get3A_122 = vector.load %arg10[%get3A_119, %get3A_120, %get3A_121] : memref<12x512x64xbf16, #tpu.memory_space<vmem>>, vector<1x512x64xbf16>
    %get3A_123 = vector.shape_cast %get3A_122 : vector<1x512x64xbf16> to vector<512x64xbf16>
    %dot_general3A_124 = arith.constant dense<0.000000e+00> : vector<512x64xf32>
    %dot_general3A_125 = tpu.matmul %convert_element_type3A_118, %get3A_123, %dot_general3A_124 {dimension_numbers = #tpu.dot_dimension_numbers<[1], [0], [0], [1], [0, 0, 1, 1], [], []>, transpose_lhs_hint = false} : vector<512x512xbf16>, vector<512x64xbf16>, vector<512x64xf32> -> vector<512x64xf32>
    %div3A_126 = vector.broadcast %broadcast_in_dim3A_117 : vector<512x1xf32> to vector<512x64xf32>
    %div3A_127 = arith.divf %dot_general3A_125, %div3A_126 : vector<512x64xf32>
    %convert_element_type3A_128 = arith.truncf %div3A_127 : vector<512x64xf32> to vector<512x64xbf16>
    %get3A_129 = arith.constant 0 : index
    %get3A_130 = arith.constant 192 : index
    %get3A_131 = vector.load %arg6[%get3A_129, %get3A_130] : memref<768x768xbf16, #tpu.memory_space<vmem>>, vector<768x64xbf16>
    %dot_general3A_132 = arith.constant dense<0.000000e+00> : vector<512x768xf32>
    %dot_general3A_133 = tpu.matmul %convert_element_type3A_128, %get3A_131, %dot_general3A_132 {dimension_numbers = #tpu.dot_dimension_numbers<[1], [1], [0], [0], [0, 0, 1, 0], [], []>, transpose_lhs_hint = false} : vector<512x64xbf16>, vector<768x64xbf16>, vector<512x768xf32> -> vector<512x768xf32>
    %add3A_134 = arith.addf %add3A_101, %dot_general3A_133 : vector<512x768xf32>
    %slice3A_135 = vector.extract_strided_slice %get3A_3 {offsets = [0, 256], sizes = [512, 64], strides = [1, 1]} : vector<512x768xf32> to vector<512x64xf32>
    %mul3A_136 = arith.constant 0.180336878 : f32
    %mul3A_137 = vector.broadcast %mul3A_136 : f32 to vector<512x64xf32>
    %mul3A_138 = arith.mulf %slice3A_135, %mul3A_137 : vector<512x64xf32>
    %convert_element_type3A_139 = arith.truncf %mul3A_138 : vector<512x64xf32> to vector<512x64xbf16>
    %get3A_140 = arith.constant 4 : index
    %get3A_141 = arith.constant 0 : index
    %get3A_142 = arith.constant 0 : index
    %get3A_143 = vector.load %arg9[%get3A_140, %get3A_141, %get3A_142] : memref<12x512x64xbf16, #tpu.memory_space<vmem>>, vector<1x512x64xbf16>
    %get3A_144 = vector.shape_cast %get3A_143 : vector<1x512x64xbf16> to vector<512x64xbf16>
    %dot_general3A_145 = arith.constant dense<0.000000e+00> : vector<512x512xf32>
    %dot_general3A_146 = tpu.matmul %convert_element_type3A_139, %get3A_144, %dot_general3A_145 {dimension_numbers = #tpu.dot_dimension_numbers<[1], [1], [0], [0], [0, 0, 1, 0], [], []>, transpose_lhs_hint = false} : vector<512x64xbf16>, vector<512x64xbf16>, vector<512x512xf32> -> vector<512x512xf32>
    %exp23A_147 = math.exp2 %dot_general3A_146 : vector<512x512xf32>
    %reduce_sum3A_148 = arith.constant dense<0.000000e+00> : vector<512xf32>
    %reduce_sum3A_149 = vector.multi_reduction <add>, %exp23A_147, %reduce_sum3A_148 [1] : vector<512x512xf32> to vector<512xf32>
    %broadcast_in_dim3A_150 = vector.shape_cast %reduce_sum3A_149 : vector<512xf32> to vector<512x1xf32>
    %convert_element_type3A_151 = arith.truncf %exp23A_147 : vector<512x512xf32> to vector<512x512xbf16>
    %get3A_152 = arith.constant 4 : index
    %get3A_153 = arith.constant 0 : index
    %get3A_154 = arith.constant 0 : index
    %get3A_155 = vector.load %arg10[%get3A_152, %get3A_153, %get3A_154] : memref<12x512x64xbf16, #tpu.memory_space<vmem>>, vector<1x512x64xbf16>
    %get3A_156 = vector.shape_cast %get3A_155 : vector<1x512x64xbf16> to vector<512x64xbf16>
    %dot_general3A_157 = arith.constant dense<0.000000e+00> : vector<512x64xf32>
    %dot_general3A_158 = tpu.matmul %convert_element_type3A_151, %get3A_156, %dot_general3A_157 {dimension_numbers = #tpu.dot_dimension_numbers<[1], [0], [0], [1], [0, 0, 1, 1], [], []>, transpose_lhs_hint = false} : vector<512x512xbf16>, vector<512x64xbf16>, vector<512x64xf32> -> vector<512x64xf32>
    %div3A_159 = vector.broadcast %broadcast_in_dim3A_150 : vector<512x1xf32> to vector<512x64xf32>
    %div3A_160 = arith.divf %dot_general3A_158, %div3A_159 : vector<512x64xf32>
    %convert_element_type3A_161 = arith.truncf %div3A_160 : vector<512x64xf32> to vector<512x64xbf16>
    %get3A_162 = arith.constant 0 : index
    %get3A_163 = arith.constant 256 : index
    %get3A_164 = vector.load %arg6[%get3A_162, %get3A_163] : memref<768x768xbf16, #tpu.memory_space<vmem>>, vector<768x64xbf16>
    %dot_general3A_165 = arith.constant dense<0.000000e+00> : vector<512x768xf32>
    %dot_general3A_166 = tpu.matmul %convert_element_type3A_161, %get3A_164, %dot_general3A_165 {dimension_numbers = #tpu.dot_dimension_numbers<[1], [1], [0], [0], [0, 0, 1, 0], [], []>, transpose_lhs_hint = false} : vector<512x64xbf16>, vector<768x64xbf16>, vector<512x768xf32> -> vector<512x768xf32>
    %add3A_167 = arith.addf %add3A_134, %dot_general3A_166 : vector<512x768xf32>
    %slice3A_168 = vector.extract_strided_slice %get3A_3 {offsets = [0, 320], sizes = [512, 64], strides = [1, 1]} : vector<512x768xf32> to vector<512x64xf32>
    %mul3A_169 = arith.constant 0.180336878 : f32
    %mul3A_170 = vector.broadcast %mul3A_169 : f32 to vector<512x64xf32>
    %mul3A_171 = arith.mulf %slice3A_168, %mul3A_170 : vector<512x64xf32>
    %convert_element_type3A_172 = arith.truncf %mul3A_171 : vector<512x64xf32> to vector<512x64xbf16>
    %get3A_173 = arith.constant 5 : index
    %get3A_174 = arith.constant 0 : index
    %get3A_175 = arith.constant 0 : index
    %get3A_176 = vector.load %arg9[%get3A_173, %get3A_174, %get3A_175] : memref<12x512x64xbf16, #tpu.memory_space<vmem>>, vector<1x512x64xbf16>
    %get3A_177 = vector.shape_cast %get3A_176 : vector<1x512x64xbf16> to vector<512x64xbf16>
    %dot_general3A_178 = arith.constant dense<0.000000e+00> : vector<512x512xf32>
    %dot_general3A_179 = tpu.matmul %convert_element_type3A_172, %get3A_177, %dot_general3A_178 {dimension_numbers = #tpu.dot_dimension_numbers<[1], [1], [0], [0], [0, 0, 1, 0], [], []>, transpose_lhs_hint = false} : vector<512x64xbf16>, vector<512x64xbf16>, vector<512x512xf32> -> vector<512x512xf32>
    %exp23A_180 = math.exp2 %dot_general3A_179 : vector<512x512xf32>
    %reduce_sum3A_181 = arith.constant dense<0.000000e+00> : vector<512xf32>
    %reduce_sum3A_182 = vector.multi_reduction <add>, %exp23A_180, %reduce_sum3A_181 [1] : vector<512x512xf32> to vector<512xf32>
    %broadcast_in_dim3A_183 = vector.shape_cast %reduce_sum3A_182 : vector<512xf32> to vector<512x1xf32>
    %convert_element_type3A_184 = arith.truncf %exp23A_180 : vector<512x512xf32> to vector<512x512xbf16>
    %get3A_185 = arith.constant 5 : index
    %get3A_186 = arith.constant 0 : index
    %get3A_187 = arith.constant 0 : index
    %get3A_188 = vector.load %arg10[%get3A_185, %get3A_186, %get3A_187] : memref<12x512x64xbf16, #tpu.memory_space<vmem>>, vector<1x512x64xbf16>
    %get3A_189 = vector.shape_cast %get3A_188 : vector<1x512x64xbf16> to vector<512x64xbf16>
    %dot_general3A_190 = arith.constant dense<0.000000e+00> : vector<512x64xf32>
    %dot_general3A_191 = tpu.matmul %convert_element_type3A_184, %get3A_189, %dot_general3A_190 {dimension_numbers = #tpu.dot_dimension_numbers<[1], [0], [0], [1], [0, 0, 1, 1], [], []>, transpose_lhs_hint = false} : vector<512x512xbf16>, vector<512x64xbf16>, vector<512x64xf32> -> vector<512x64xf32>
    %div3A_192 = vector.broadcast %broadcast_in_dim3A_183 : vector<512x1xf32> to vector<512x64xf32>
    %div3A_193 = arith.divf %dot_general3A_191, %div3A_192 : vector<512x64xf32>
    %convert_element_type3A_194 = arith.truncf %div3A_193 : vector<512x64xf32> to vector<512x64xbf16>
    %get3A_195 = arith.constant 0 : index
    %get3A_196 = arith.constant 320 : index
    %get3A_197 = vector.load %arg6[%get3A_195, %get3A_196] : memref<768x768xbf16, #tpu.memory_space<vmem>>, vector<768x64xbf16>
    %dot_general3A_198 = arith.constant dense<0.000000e+00> : vector<512x768xf32>
    %dot_general3A_199 = tpu.matmul %convert_element_type3A_194, %get3A_197, %dot_general3A_198 {dimension_numbers = #tpu.dot_dimension_numbers<[1], [1], [0], [0], [0, 0, 1, 0], [], []>, transpose_lhs_hint = false} : vector<512x64xbf16>, vector<768x64xbf16>, vector<512x768xf32> -> vector<512x768xf32>
    %add3A_200 = arith.addf %add3A_167, %dot_general3A_199 : vector<512x768xf32>
    %slice3A_201 = vector.extract_strided_slice %get3A_3 {offsets = [0, 384], sizes = [512, 64], strides = [1, 1]} : vector<512x768xf32> to vector<512x64xf32>
    %mul3A_202 = arith.constant 0.180336878 : f32
    %mul3A_203 = vector.broadcast %mul3A_202 : f32 to vector<512x64xf32>
    %mul3A_204 = arith.mulf %slice3A_201, %mul3A_203 : vector<512x64xf32>
    %convert_element_type3A_205 = arith.truncf %mul3A_204 : vector<512x64xf32> to vector<512x64xbf16>
    %get3A_206 = arith.constant 6 : index
    %get3A_207 = arith.constant 0 : index
    %get3A_208 = arith.constant 0 : index
    %get3A_209 = vector.load %arg9[%get3A_206, %get3A_207, %get3A_208] : memref<12x512x64xbf16, #tpu.memory_space<vmem>>, vector<1x512x64xbf16>
    %get3A_210 = vector.shape_cast %get3A_209 : vector<1x512x64xbf16> to vector<512x64xbf16>
    %dot_general3A_211 = arith.constant dense<0.000000e+00> : vector<512x512xf32>
    %dot_general3A_212 = tpu.matmul %convert_element_type3A_205, %get3A_210, %dot_general3A_211 {dimension_numbers = #tpu.dot_dimension_numbers<[1], [1], [0], [0], [0, 0, 1, 0], [], []>, transpose_lhs_hint = false} : vector<512x64xbf16>, vector<512x64xbf16>, vector<512x512xf32> -> vector<512x512xf32>
    %exp23A_213 = math.exp2 %dot_general3A_212 : vector<512x512xf32>
    %reduce_sum3A_214 = arith.constant dense<0.000000e+00> : vector<512xf32>
    %reduce_sum3A_215 = vector.multi_reduction <add>, %exp23A_213, %reduce_sum3A_214 [1] : vector<512x512xf32> to vector<512xf32>
    %broadcast_in_dim3A_216 = vector.shape_cast %reduce_sum3A_215 : vector<512xf32> to vector<512x1xf32>
    %convert_element_type3A_217 = arith.truncf %exp23A_213 : vector<512x512xf32> to vector<512x512xbf16>
    %get3A_218 = arith.constant 6 : index
    %get3A_219 = arith.constant 0 : index
    %get3A_220 = arith.constant 0 : index
    %get3A_221 = vector.load %arg10[%get3A_218, %get3A_219, %get3A_220] : memref<12x512x64xbf16, #tpu.memory_space<vmem>>, vector<1x512x64xbf16>
    %get3A_222 = vector.shape_cast %get3A_221 : vector<1x512x64xbf16> to vector<512x64xbf16>
    %dot_general3A_223 = arith.constant dense<0.000000e+00> : vector<512x64xf32>
    %dot_general3A_224 = tpu.matmul %convert_element_type3A_217, %get3A_222, %dot_general3A_223 {dimension_numbers = #tpu.dot_dimension_numbers<[1], [0], [0], [1], [0, 0, 1, 1], [], []>, transpose_lhs_hint = false} : vector<512x512xbf16>, vector<512x64xbf16>, vector<512x64xf32> -> vector<512x64xf32>
    %div3A_225 = vector.broadcast %broadcast_in_dim3A_216 : vector<512x1xf32> to vector<512x64xf32>
    %div3A_226 = arith.divf %dot_general3A_224, %div3A_225 : vector<512x64xf32>
    %convert_element_type3A_227 = arith.truncf %div3A_226 : vector<512x64xf32> to vector<512x64xbf16>
    %get3A_228 = arith.constant 0 : index
    %get3A_229 = arith.constant 384 : index
    %get3A_230 = vector.load %arg6[%get3A_228, %get3A_229] : memref<768x768xbf16, #tpu.memory_space<vmem>>, vector<768x64xbf16>
    %dot_general3A_231 = arith.constant dense<0.000000e+00> : vector<512x768xf32>
    %dot_general3A_232 = tpu.matmul %convert_element_type3A_227, %get3A_230, %dot_general3A_231 {dimension_numbers = #tpu.dot_dimension_numbers<[1], [1], [0], [0], [0, 0, 1, 0], [], []>, transpose_lhs_hint = false} : vector<512x64xbf16>, vector<768x64xbf16>, vector<512x768xf32> -> vector<512x768xf32>
    %add3A_233 = arith.addf %add3A_200, %dot_general3A_232 : vector<512x768xf32>
    %slice3A_234 = vector.extract_strided_slice %get3A_3 {offsets = [0, 448], sizes = [512, 64], strides = [1, 1]} : vector<512x768xf32> to vector<512x64xf32>
    %mul3A_235 = arith.constant 0.180336878 : f32
    %mul3A_236 = vector.broadcast %mul3A_235 : f32 to vector<512x64xf32>
    %mul3A_237 = arith.mulf %slice3A_234, %mul3A_236 : vector<512x64xf32>
    %convert_element_type3A_238 = arith.truncf %mul3A_237 : vector<512x64xf32> to vector<512x64xbf16>
    %get3A_239 = arith.constant 7 : index
    %get3A_240 = arith.constant 0 : index
    %get3A_241 = arith.constant 0 : index
    %get3A_242 = vector.load %arg9[%get3A_239, %get3A_240, %get3A_241] : memref<12x512x64xbf16, #tpu.memory_space<vmem>>, vector<1x512x64xbf16>
    %get3A_243 = vector.shape_cast %get3A_242 : vector<1x512x64xbf16> to vector<512x64xbf16>
    %dot_general3A_244 = arith.constant dense<0.000000e+00> : vector<512x512xf32>
    %dot_general3A_245 = tpu.matmul %convert_element_type3A_238, %get3A_243, %dot_general3A_244 {dimension_numbers = #tpu.dot_dimension_numbers<[1], [1], [0], [0], [0, 0, 1, 0], [], []>, transpose_lhs_hint = false} : vector<512x64xbf16>, vector<512x64xbf16>, vector<512x512xf32> -> vector<512x512xf32>
    %exp23A_246 = math.exp2 %dot_general3A_245 : vector<512x512xf32>
    %reduce_sum3A_247 = arith.constant dense<0.000000e+00> : vector<512xf32>
    %reduce_sum3A_248 = vector.multi_reduction <add>, %exp23A_246, %reduce_sum3A_247 [1] : vector<512x512xf32> to vector<512xf32>
    %broadcast_in_dim3A_249 = vector.shape_cast %reduce_sum3A_248 : vector<512xf32> to vector<512x1xf32>
    %convert_element_type3A_250 = arith.truncf %exp23A_246 : vector<512x512xf32> to vector<512x512xbf16>
    %get3A_251 = arith.constant 7 : index
    %get3A_252 = arith.constant 0 : index
    %get3A_253 = arith.constant 0 : index
    %get3A_254 = vector.load %arg10[%get3A_251, %get3A_252, %get3A_253] : memref<12x512x64xbf16, #tpu.memory_space<vmem>>, vector<1x512x64xbf16>
    %get3A_255 = vector.shape_cast %get3A_254 : vector<1x512x64xbf16> to vector<512x64xbf16>
    %dot_general3A_256 = arith.constant dense<0.000000e+00> : vector<512x64xf32>
    %dot_general3A_257 = tpu.matmul %convert_element_type3A_250, %get3A_255, %dot_general3A_256 {dimension_numbers = #tpu.dot_dimension_numbers<[1], [0], [0], [1], [0, 0, 1, 1], [], []>, transpose_lhs_hint = false} : vector<512x512xbf16>, vector<512x64xbf16>, vector<512x64xf32> -> vector<512x64xf32>
    %div3A_258 = vector.broadcast %broadcast_in_dim3A_249 : vector<512x1xf32> to vector<512x64xf32>
    %div3A_259 = arith.divf %dot_general3A_257, %div3A_258 : vector<512x64xf32>
    %convert_element_type3A_260 = arith.truncf %div3A_259 : vector<512x64xf32> to vector<512x64xbf16>
    %get3A_261 = arith.constant 0 : index
    %get3A_262 = arith.constant 448 : index
    %get3A_263 = vector.load %arg6[%get3A_261, %get3A_262] : memref<768x768xbf16, #tpu.memory_space<vmem>>, vector<768x64xbf16>
    %dot_general3A_264 = arith.constant dense<0.000000e+00> : vector<512x768xf32>
    %dot_general3A_265 = tpu.matmul %convert_element_type3A_260, %get3A_263, %dot_general3A_264 {dimension_numbers = #tpu.dot_dimension_numbers<[1], [1], [0], [0], [0, 0, 1, 0], [], []>, transpose_lhs_hint = false} : vector<512x64xbf16>, vector<768x64xbf16>, vector<512x768xf32> -> vector<512x768xf32>
    %add3A_266 = arith.addf %add3A_233, %dot_general3A_265 : vector<512x768xf32>
    %slice3A_267 = vector.extract_strided_slice %get3A_3 {offsets = [0, 512], sizes = [512, 64], strides = [1, 1]} : vector<512x768xf32> to vector<512x64xf32>
    %mul3A_268 = arith.constant 0.180336878 : f32
    %mul3A_269 = vector.broadcast %mul3A_268 : f32 to vector<512x64xf32>
    %mul3A_270 = arith.mulf %slice3A_267, %mul3A_269 : vector<512x64xf32>
    %convert_element_type3A_271 = arith.truncf %mul3A_270 : vector<512x64xf32> to vector<512x64xbf16>
    %get3A_272 = arith.constant 8 : index
    %get3A_273 = arith.constant 0 : index
    %get3A_274 = arith.constant 0 : index
    %get3A_275 = vector.load %arg9[%get3A_272, %get3A_273, %get3A_274] : memref<12x512x64xbf16, #tpu.memory_space<vmem>>, vector<1x512x64xbf16>
    %get3A_276 = vector.shape_cast %get3A_275 : vector<1x512x64xbf16> to vector<512x64xbf16>
    %dot_general3A_277 = arith.constant dense<0.000000e+00> : vector<512x512xf32>
    %dot_general3A_278 = tpu.matmul %convert_element_type3A_271, %get3A_276, %dot_general3A_277 {dimension_numbers = #tpu.dot_dimension_numbers<[1], [1], [0], [0], [0, 0, 1, 0], [], []>, transpose_lhs_hint = false} : vector<512x64xbf16>, vector<512x64xbf16>, vector<512x512xf32> -> vector<512x512xf32>
    %exp23A_279 = math.exp2 %dot_general3A_278 : vector<512x512xf32>
    %reduce_sum3A_280 = arith.constant dense<0.000000e+00> : vector<512xf32>
    %reduce_sum3A_281 = vector.multi_reduction <add>, %exp23A_279, %reduce_sum3A_280 [1] : vector<512x512xf32> to vector<512xf32>
    %broadcast_in_dim3A_282 = vector.shape_cast %reduce_sum3A_281 : vector<512xf32> to vector<512x1xf32>
    %convert_element_type3A_283 = arith.truncf %exp23A_279 : vector<512x512xf32> to vector<512x512xbf16>
    %get3A_284 = arith.constant 8 : index
    %get3A_285 = arith.constant 0 : index
    %get3A_286 = arith.constant 0 : index
    %get3A_287 = vector.load %arg10[%get3A_284, %get3A_285, %get3A_286] : memref<12x512x64xbf16, #tpu.memory_space<vmem>>, vector<1x512x64xbf16>
    %get3A_288 = vector.shape_cast %get3A_287 : vector<1x512x64xbf16> to vector<512x64xbf16>
    %dot_general3A_289 = arith.constant dense<0.000000e+00> : vector<512x64xf32>
    %dot_general3A_290 = tpu.matmul %convert_element_type3A_283, %get3A_288, %dot_general3A_289 {dimension_numbers = #tpu.dot_dimension_numbers<[1], [0], [0], [1], [0, 0, 1, 1], [], []>, transpose_lhs_hint = false} : vector<512x512xbf16>, vector<512x64xbf16>, vector<512x64xf32> -> vector<512x64xf32>
    %div3A_291 = vector.broadcast %broadcast_in_dim3A_282 : vector<512x1xf32> to vector<512x64xf32>
    %div3A_292 = arith.divf %dot_general3A_290, %div3A_291 : vector<512x64xf32>
    %convert_element_type3A_293 = arith.truncf %div3A_292 : vector<512x64xf32> to vector<512x64xbf16>
    %get3A_294 = arith.constant 0 : index
    %get3A_295 = arith.constant 512 : index
    %get3A_296 = vector.load %arg6[%get3A_294, %get3A_295] : memref<768x768xbf16, #tpu.memory_space<vmem>>, vector<768x64xbf16>
    %dot_general3A_297 = arith.constant dense<0.000000e+00> : vector<512x768xf32>
    %dot_general3A_298 = tpu.matmul %convert_element_type3A_293, %get3A_296, %dot_general3A_297 {dimension_numbers = #tpu.dot_dimension_numbers<[1], [1], [0], [0], [0, 0, 1, 0], [], []>, transpose_lhs_hint = false} : vector<512x64xbf16>, vector<768x64xbf16>, vector<512x768xf32> -> vector<512x768xf32>
    %add3A_299 = arith.addf %add3A_266, %dot_general3A_298 : vector<512x768xf32>
    %slice3A_300 = vector.extract_strided_slice %get3A_3 {offsets = [0, 576], sizes = [512, 64], strides = [1, 1]} : vector<512x768xf32> to vector<512x64xf32>
    %mul3A_301 = arith.constant 0.180336878 : f32
    %mul3A_302 = vector.broadcast %mul3A_301 : f32 to vector<512x64xf32>
    %mul3A_303 = arith.mulf %slice3A_300, %mul3A_302 : vector<512x64xf32>
    %convert_element_type3A_304 = arith.truncf %mul3A_303 : vector<512x64xf32> to vector<512x64xbf16>
    %get3A_305 = arith.constant 9 : index
    %get3A_306 = arith.constant 0 : index
    %get3A_307 = arith.constant 0 : index
    %get3A_308 = vector.load %arg9[%get3A_305, %get3A_306, %get3A_307] : memref<12x512x64xbf16, #tpu.memory_space<vmem>>, vector<1x512x64xbf16>
    %get3A_309 = vector.shape_cast %get3A_308 : vector<1x512x64xbf16> to vector<512x64xbf16>
    %dot_general3A_310 = arith.constant dense<0.000000e+00> : vector<512x512xf32>
    %dot_general3A_311 = tpu.matmul %convert_element_type3A_304, %get3A_309, %dot_general3A_310 {dimension_numbers = #tpu.dot_dimension_numbers<[1], [1], [0], [0], [0, 0, 1, 0], [], []>, transpose_lhs_hint = false} : vector<512x64xbf16>, vector<512x64xbf16>, vector<512x512xf32> -> vector<512x512xf32>
    %exp23A_312 = math.exp2 %dot_general3A_311 : vector<512x512xf32>
    %reduce_sum3A_313 = arith.constant dense<0.000000e+00> : vector<512xf32>
    %reduce_sum3A_314 = vector.multi_reduction <add>, %exp23A_312, %reduce_sum3A_313 [1] : vector<512x512xf32> to vector<512xf32>
    %broadcast_in_dim3A_315 = vector.shape_cast %reduce_sum3A_314 : vector<512xf32> to vector<512x1xf32>
    %convert_element_type3A_316 = arith.truncf %exp23A_312 : vector<512x512xf32> to vector<512x512xbf16>
    %get3A_317 = arith.constant 9 : index
    %get3A_318 = arith.constant 0 : index
    %get3A_319 = arith.constant 0 : index
    %get3A_320 = vector.load %arg10[%get3A_317, %get3A_318, %get3A_319] : memref<12x512x64xbf16, #tpu.memory_space<vmem>>, vector<1x512x64xbf16>
    %get3A_321 = vector.shape_cast %get3A_320 : vector<1x512x64xbf16> to vector<512x64xbf16>
    %dot_general3A_322 = arith.constant dense<0.000000e+00> : vector<512x64xf32>
    %dot_general3A_323 = tpu.matmul %convert_element_type3A_316, %get3A_321, %dot_general3A_322 {dimension_numbers = #tpu.dot_dimension_numbers<[1], [0], [0], [1], [0, 0, 1, 1], [], []>, transpose_lhs_hint = false} : vector<512x512xbf16>, vector<512x64xbf16>, vector<512x64xf32> -> vector<512x64xf32>
    %div3A_324 = vector.broadcast %broadcast_in_dim3A_315 : vector<512x1xf32> to vector<512x64xf32>
    %div3A_325 = arith.divf %dot_general3A_323, %div3A_324 : vector<512x64xf32>
    %convert_element_type3A_326 = arith.truncf %div3A_325 : vector<512x64xf32> to vector<512x64xbf16>
    %get3A_327 = arith.constant 0 : index
    %get3A_328 = arith.constant 576 : index
    %get3A_329 = vector.load %arg6[%get3A_327, %get3A_328] : memref<768x768xbf16, #tpu.memory_space<vmem>>, vector<768x64xbf16>
    %dot_general3A_330 = arith.constant dense<0.000000e+00> : vector<512x768xf32>
    %dot_general3A_331 = tpu.matmul %convert_element_type3A_326, %get3A_329, %dot_general3A_330 {dimension_numbers = #tpu.dot_dimension_numbers<[1], [1], [0], [0], [0, 0, 1, 0], [], []>, transpose_lhs_hint = false} : vector<512x64xbf16>, vector<768x64xbf16>, vector<512x768xf32> -> vector<512x768xf32>
    %add3A_332 = arith.addf %add3A_299, %dot_general3A_331 : vector<512x768xf32>
    %slice3A_333 = vector.extract_strided_slice %get3A_3 {offsets = [0, 640], sizes = [512, 64], strides = [1, 1]} : vector<512x768xf32> to vector<512x64xf32>
    %mul3A_334 = arith.constant 0.180336878 : f32
    %mul3A_335 = vector.broadcast %mul3A_334 : f32 to vector<512x64xf32>
    %mul3A_336 = arith.mulf %slice3A_333, %mul3A_335 : vector<512x64xf32>
    %convert_element_type3A_337 = arith.truncf %mul3A_336 : vector<512x64xf32> to vector<512x64xbf16>
    %get3A_338 = arith.constant 10 : index
    %get3A_339 = arith.constant 0 : index
    %get3A_340 = arith.constant 0 : index
    %get3A_341 = vector.load %arg9[%get3A_338, %get3A_339, %get3A_340] : memref<12x512x64xbf16, #tpu.memory_space<vmem>>, vector<1x512x64xbf16>
    %get3A_342 = vector.shape_cast %get3A_341 : vector<1x512x64xbf16> to vector<512x64xbf16>
    %dot_general3A_343 = arith.constant dense<0.000000e+00> : vector<512x512xf32>
    %dot_general3A_344 = tpu.matmul %convert_element_type3A_337, %get3A_342, %dot_general3A_343 {dimension_numbers = #tpu.dot_dimension_numbers<[1], [1], [0], [0], [0, 0, 1, 0], [], []>, transpose_lhs_hint = false} : vector<512x64xbf16>, vector<512x64xbf16>, vector<512x512xf32> -> vector<512x512xf32>
    %exp23A_345 = math.exp2 %dot_general3A_344 : vector<512x512xf32>
    %reduce_sum3A_346 = arith.constant dense<0.000000e+00> : vector<512xf32>
    %reduce_sum3A_347 = vector.multi_reduction <add>, %exp23A_345, %reduce_sum3A_346 [1] : vector<512x512xf32> to vector<512xf32>
    %broadcast_in_dim3A_348 = vector.shape_cast %reduce_sum3A_347 : vector<512xf32> to vector<512x1xf32>
    %convert_element_type3A_349 = arith.truncf %exp23A_345 : vector<512x512xf32> to vector<512x512xbf16>
    %get3A_350 = arith.constant 10 : index
    %get3A_351 = arith.constant 0 : index
    %get3A_352 = arith.constant 0 : index
    %get3A_353 = vector.load %arg10[%get3A_350, %get3A_351, %get3A_352] : memref<12x512x64xbf16, #tpu.memory_space<vmem>>, vector<1x512x64xbf16>
    %get3A_354 = vector.shape_cast %get3A_353 : vector<1x512x64xbf16> to vector<512x64xbf16>
    %dot_general3A_355 = arith.constant dense<0.000000e+00> : vector<512x64xf32>
    %dot_general3A_356 = tpu.matmul %convert_element_type3A_349, %get3A_354, %dot_general3A_355 {dimension_numbers = #tpu.dot_dimension_numbers<[1], [0], [0], [1], [0, 0, 1, 1], [], []>, transpose_lhs_hint = false} : vector<512x512xbf16>, vector<512x64xbf16>, vector<512x64xf32> -> vector<512x64xf32>
    %div3A_357 = vector.broadcast %broadcast_in_dim3A_348 : vector<512x1xf32> to vector<512x64xf32>
    %div3A_358 = arith.divf %dot_general3A_356, %div3A_357 : vector<512x64xf32>
    %convert_element_type3A_359 = arith.truncf %div3A_358 : vector<512x64xf32> to vector<512x64xbf16>
    %get3A_360 = arith.constant 0 : index
    %get3A_361 = arith.constant 640 : index
    %get3A_362 = vector.load %arg6[%get3A_360, %get3A_361] : memref<768x768xbf16, #tpu.memory_space<vmem>>, vector<768x64xbf16>
    %dot_general3A_363 = arith.constant dense<0.000000e+00> : vector<512x768xf32>
    %dot_general3A_364 = tpu.matmul %convert_element_type3A_359, %get3A_362, %dot_general3A_363 {dimension_numbers = #tpu.dot_dimension_numbers<[1], [1], [0], [0], [0, 0, 1, 0], [], []>, transpose_lhs_hint = false} : vector<512x64xbf16>, vector<768x64xbf16>, vector<512x768xf32> -> vector<512x768xf32>
    %add3A_365 = arith.addf %add3A_332, %dot_general3A_364 : vector<512x768xf32>
    %slice3A_366 = vector.extract_strided_slice %get3A_3 {offsets = [0, 704], sizes = [512, 64], strides = [1, 1]} : vector<512x768xf32> to vector<512x64xf32>
    %mul3A_367 = arith.constant 0.180336878 : f32
    %mul3A_368 = vector.broadcast %mul3A_367 : f32 to vector<512x64xf32>
    %mul3A_369 = arith.mulf %slice3A_366, %mul3A_368 : vector<512x64xf32>
    %convert_element_type3A_370 = arith.truncf %mul3A_369 : vector<512x64xf32> to vector<512x64xbf16>
    %get3A_371 = arith.constant 11 : index
    %get3A_372 = arith.constant 0 : index
    %get3A_373 = arith.constant 0 : index
    %get3A_374 = vector.load %arg9[%get3A_371, %get3A_372, %get3A_373] : memref<12x512x64xbf16, #tpu.memory_space<vmem>>, vector<1x512x64xbf16>
    %get3A_375 = vector.shape_cast %get3A_374 : vector<1x512x64xbf16> to vector<512x64xbf16>
    %dot_general3A_376 = arith.constant dense<0.000000e+00> : vector<512x512xf32>
    %dot_general3A_377 = tpu.matmul %convert_element_type3A_370, %get3A_375, %dot_general3A_376 {dimension_numbers = #tpu.dot_dimension_numbers<[1], [1], [0], [0], [0, 0, 1, 0], [], []>, transpose_lhs_hint = false} : vector<512x64xbf16>, vector<512x64xbf16>, vector<512x512xf32> -> vector<512x512xf32>
    %exp23A_378 = math.exp2 %dot_general3A_377 : vector<512x512xf32>
    %reduce_sum3A_379 = arith.constant dense<0.000000e+00> : vector<512xf32>
    %reduce_sum3A_380 = vector.multi_reduction <add>, %exp23A_378, %reduce_sum3A_379 [1] : vector<512x512xf32> to vector<512xf32>
    %broadcast_in_dim3A_381 = vector.shape_cast %reduce_sum3A_380 : vector<512xf32> to vector<512x1xf32>
    %convert_element_type3A_382 = arith.truncf %exp23A_378 : vector<512x512xf32> to vector<512x512xbf16>
    %get3A_383 = arith.constant 11 : index
    %get3A_384 = arith.constant 0 : index
    %get3A_385 = arith.constant 0 : index
    %get3A_386 = vector.load %arg10[%get3A_383, %get3A_384, %get3A_385] : memref<12x512x64xbf16, #tpu.memory_space<vmem>>, vector<1x512x64xbf16>
    %get3A_387 = vector.shape_cast %get3A_386 : vector<1x512x64xbf16> to vector<512x64xbf16>
    %dot_general3A_388 = arith.constant dense<0.000000e+00> : vector<512x64xf32>
    %dot_general3A_389 = tpu.matmul %convert_element_type3A_382, %get3A_387, %dot_general3A_388 {dimension_numbers = #tpu.dot_dimension_numbers<[1], [0], [0], [1], [0, 0, 1, 1], [], []>, transpose_lhs_hint = false} : vector<512x512xbf16>, vector<512x64xbf16>, vector<512x64xf32> -> vector<512x64xf32>
    %div3A_390 = vector.broadcast %broadcast_in_dim3A_381 : vector<512x1xf32> to vector<512x64xf32>
    %div3A_391 = arith.divf %dot_general3A_389, %div3A_390 : vector<512x64xf32>
    %convert_element_type3A_392 = arith.truncf %div3A_391 : vector<512x64xf32> to vector<512x64xbf16>
    %get3A_393 = arith.constant 0 : index
    %get3A_394 = arith.constant 704 : index
    %get3A_395 = vector.load %arg6[%get3A_393, %get3A_394] : memref<768x768xbf16, #tpu.memory_space<vmem>>, vector<768x64xbf16>
    %dot_general3A_396 = arith.constant dense<0.000000e+00> : vector<512x768xf32>
    %dot_general3A_397 = tpu.matmul %convert_element_type3A_392, %get3A_395, %dot_general3A_396 {dimension_numbers = #tpu.dot_dimension_numbers<[1], [1], [0], [0], [0, 0, 1, 0], [], []>, transpose_lhs_hint = false} : vector<512x64xbf16>, vector<768x64xbf16>, vector<512x768xf32> -> vector<512x768xf32>
    %add3A_398 = arith.addf %add3A_365, %dot_general3A_397 : vector<512x768xf32>
    %swap3A = arith.constant 0 : index
    %swap3A_399 = arith.constant 0 : index
    %swap3A_400 = arith.constant 0 : index
    %swap3A_401 = vector.load %arg8[%swap3A, %swap3A_399, %swap3A_400] : memref<1x512x768xf32, #tpu.memory_space<vmem>>, vector<1x512x768xf32>
    %swap3A_402 = vector.shape_cast %swap3A_401 : vector<1x512x768xf32> to vector<512x768xf32>
    %swap3A_403 = vector.shape_cast %add3A_398 : vector<512x768xf32> to vector<1x512x768xf32>
    tpu.vector_store %arg8[%swap3A, %swap3A_399, %swap3A_400], %swap3A_403 {strides = array<i32>} : memref<1x512x768xf32, #tpu.memory_space<vmem>>, vector<1x512x768xf32>,
    return
  }
  func.func @transform_0(%arg0: i32, %arg1: i32) -> (i32, i32, i32) {
    %c0_i32 = arith.constant 0 : i32
    %c0_i32_0 = arith.constant 0 : i32
    return %arg0, %arg1, %c0_i32 : i32, i32, i32
  }
  func.func @transform_1(%arg0: i32, %arg1: i32) -> (i32, i32, i32, i32) {
    %c0_i32 = arith.constant 0 : i32
    %c0_i32_0 = arith.constant 0 : i32
    %c0_i32_1 = arith.constant 0 : i32
    %c0_i32_2 = arith.constant 0 : i32
    return %arg0, %c0_i32, %c0_i32_0, %c0_i32_1 : i32, i32, i32, i32
  }
  func.func @transform_2(%arg0: i32, %arg1: i32) -> (i32, i32, i32, i32) {
    %c0_i32 = arith.constant 0 : i32
    %c0_i32_0 = arith.constant 0 : i32
    %c0_i32_1 = arith.constant 0 : i32
    %c0_i32_2 = arith.constant 0 : i32
    return %arg0, %c0_i32, %c0_i32_0, %c0_i32_1 : i32, i32, i32, i32
  }
  func.func @transform_3(%arg0: i32, %arg1: i32) -> (i32, i32, i32) {
    %c0_i32 = arith.constant 0 : i32
    %c0_i32_0 = arith.constant 0 : i32
    %c0_i32_1 = arith.constant 0 : i32
    return %arg0, %c0_i32, %c0_i32_0 : i32, i32, i32
  }
  func.func @transform_4(%arg0: i32, %arg1: i32) -> (i32, i32) {
    %c0_i32 = arith.constant 0 : i32
    %c0_i32_0 = arith.constant 0 : i32
    %c0_i32_1 = arith.constant 0 : i32
    return %c0_i32, %c0_i32_0 : i32, i32
  }
  func.func @transform_5(%arg0: i32, %arg1: i32) -> (i32, i32) {
    %c0_i32 = arith.constant 0 : i32
    %c0_i32_0 = arith.constant 0 : i32
    %c0_i32_1 = arith.constant 0 : i32
    return %c0_i32, %c0_i32_0 : i32, i32
  }
  func.func @transform_6(%arg0: i32, %arg1: i32) -> (i32, i32, i32) {
    %c0_i32 = arith.constant 0 : i32
    %c0_i32_0 = arith.constant 0 : i32
    return %arg0, %arg1, %c0_i32 : i32, i32, i32
  }
}

</mosaic_0001>

<sc_bundles>
// kernel: kernel.7.cloned.1.call-start
scs
__scs_entry_jumppad:
0x0: {  	(pc) =	sbr.rel $0x88, $3  }
0x1: {  	(tag) =	ssettag $0x0;
	lr =	simm.s32 $0x1  }
0x2: {  	[smem:$0x3F95] =	sst lr;
	_ =	strace $0xD0000000  }
0x3: {  	_ = 	snop  }
0x4: {  	_ = 	snop  }
0x5: {  	_ = 	snop  }
0x6: {  	_ = 	snop  }
0x7: {  	_ = 	snop  }
__scs_overlays_trampoline_lowered:
0x8: {  	[smem:$0x3FA4] =	sst s0  }
0x9: {  	[smem:$0x3FA5] =	sst s1  }
0xa: {  	[smem:$0x3FA6] =	sst s2  }
0xb: {  	[smem:$0x3FA7] =	sst s3  }
0xc: {  	[smem:$0x3FA8] =	sst s4  }
0xd: {  	[smem:$0x3FA9] =	sst s5  }
0xe: {  	[smem:$0x3FAA] =	sst s6  }
0xf: {  	[smem:$0x3FAB] =	sst s7  }
0x10: {  	[smem:$0x3FAC] =	sst s8  }
0x11: {  	[smem:$0x3FAD] =	sst s9;
	s0 =	simm.s32 @!p0 $0x0  }
0x12: {  	s1 =	sld [smem:$0x3F93];
	s0 =	simm.s32 @p0 $0x1  }
0x13: {  	[smem:$0x3FAE] =	sst s0;
	s0 =	simm.s32 @!p1 $0x0  }
0x14: {  	s2 =	sld [smem:$0x3F92];
	s0 =	simm.s32 @p1 $0x1  }
0x15: {  	[smem:$0x3FAF] =	sst s0;
	s0 =	simm.s32 @!p2 $0x0  }
0x16: {  	s3 =	sld [smem:$0x3FDB];
	s0 =	simm.s32 @p2 $0x1  }
0x17: {  	s4 =	simm.s32 $0x1BF5;
	[smem:$0x3FB1] =	sst s0  }
0x18: {  	s0 =	sld [smem:$0x3F94];
	_ =	swait.ge [sflag:s4], $0x0  }
0x19: {  	s7 =	sld [smem:$0x3F95]  }
0x1a: {  	s8 =	sadd.s32 $0xFFFFE003, lr  }
0x1b: {  	s9 =	sadd.s32 $0xFFFFFEF7, lr;
	s5 =	simm.s32 $0xFFFFFFFF;
	p2 =	slt.u32 s8, $0xFFFFF086  }
0x1c: {  	p1 =	slt.u32 s9, $0xF7A;
	s5 =	simm.s32 @!p2 $0x0  }
0x1d: {  	s5 =	simm.s32 @p1 $0x1;
	p0 =	seq.s32 s7, s2  }
0x1e: {  	s7 =	smul.u32 @!p0 $0xF7A, s2;
	p2 =	seq.s32 @!p0 s5, $0x0  }
0x1f: {  	s9 =	smul.u32 $0xF7A, s1;
	s8 =	simm.s32 @!p0 $0x1BF5;
	p2 =	por !p2, p0  }
0x20: {  	[sflag:s8] =	ssyncset.s32 @!p0 $0xFFFFF086;
	s6 =	sadd.s32 @!p0 s3, s7;
	s7 =	simm.s32 @!p0 $0x108  }
0x21: {  	s3 =	sadd.s32 s3, s9;
	s6 =	sadd.s32 @!p0 $0x88, s6;
	s7 =	simm.s32 @p2 $0x1082  }
0x22: {  	[simem:s7], [sflag:s8] =	dma.local @!p0 [hbm:s6], $0xF7A  }
0x23: {  	s9 =	sor.u32 $0xD0000000, s2;
	s6 =	simm.s32 $0x108;
	_ =	swait.ge @!p0 [sflag:s8], $0x0  }
0x24: {  	s3 =	sadd.s32 $0x88, s3;
	s6 =	simm.s32 @!p1 $0x1082;
	[sflag:s4] =	ssyncset.s32 $0xFFFFF086  }
0x25: {  	[simem:s6], [sflag:s4] =	dma.local [hbm:s3], $0xF7A  }
0x26: {  	[smem:$0x3F95] =	sst s1;
	(tag) =	ssettag s2;
	_ =	strace s9  }
0x27: {  	s1 =	sld [smem:$0x3FA5]  }
0x28: {  	s2 =	sld [smem:$0x3FA6]  }
0x29: {  	s4 =	sld [smem:$0x3FA8]  }
0x2a: {  	p0 =	seq.s32 s5, $0x0;
	s5 =	sld [smem:$0x3FA9]  }
0x2b: {  	s6 =	sld [smem:$0x3FAA]  }
0x2c: {  	s7 =	sld [smem:$0x3FAB]  }
0x2d: {  	s3 =	simm.s32 $0x108;
	s8 =	sld [smem:$0x3FAC]  }
0x2e: {  	s3 =	simm.s32 @!p0 $0x1082;
	s9 =	sld [smem:$0x3FAD]  }
0x2f: {  	lr =	sadd.s32 s0, s3;
	s0 =	sld [smem:$0x3FA4]  }
0x30: {  	s3 =	sld [smem:$0x3FA7]  }
0x31: {  	[smem:$0x3FB0] =	sst s10  }
0x32: {  	s10 =	sld [smem:$0x3FAE];
	_ =	sdelay $0x3  }
0x33: {  	p0 =	seq.s32 s10, $0x1;
	s10 =	sld [smem:$0x3FB0];
	_ =	sdelay $0x3  }
0x34: {  	[smem:$0x3FB0] =	sst s10  }
0x35: {  	s10 =	sld [smem:$0x3FAF];
	_ =	sdelay $0x3  }
0x36: {  	p1 =	seq.s32 s10, $0x1;
	s10 =	sld [smem:$0x3FB0];
	_ =	sdelay $0x3  }
0x37: {  	[smem:$0x3FB0] =	sst s10  }
0x38: {  	s10 =	sld [smem:$0x3FB1]  }
0x39: {  	_ = 	snop;
	(pc) =	sbr.ind lr, $3  }
0x3a: {  	_ = 	snop  }
0x3b: {  	_ = 	snop  }
0x3c: {  	p2 =	seq.s32 s10, $0x1;
	s10 =	sld [smem:$0x3FB0]  }
0x3d: {  	_ =	shalt  }
0x3e: {  	_ =	shalt  }
0x3f: {  	_ =	shalt  }
0x40: {  	_ =	shalt  }
0x41: {  	_ =	shalt  }
0x42: {  	_ =	shalt  }
0x43: {  	_ =	shalt  }
0x44: {  	_ =	shalt  }
0x45: {  	_ =	shalt  }
0x46: {  	_ =	shalt  }
0x47: {  	_ =	shalt  }
0x48: {  	_ =	shalt  }
0x49: {  	_ =	shalt  }
0x4a: {  	_ =	shalt  }
0x4b: {  	_ =	shalt  }
0x4c: {  	_ =	shalt  }
0x4d: {  	_ =	shalt  }
0x4e: {  	_ =	shalt  }
0x4f: {  	_ =	shalt  }
0x50: {  	_ =	shalt  }
0x51: {  	_ =	shalt  }
0x52: {  	_ =	shalt  }
0x53: {  	_ =	shalt  }
0x54: {  	_ =	shalt  }
0x55: {  	_ =	shalt  }
0x56: {  	_ =	shalt  }
0x57: {  	_ =	shalt  }
0x58: {  	_ =	shalt  }
0x59: {  	_ =	shalt  }
0x5a: {  	_ =	shalt  }
0x5b: {  	_ =	shalt  }
0x5c: {  	_ =	shalt  }
0x5d: {  	_ =	shalt  }
0x5e: {  	_ =	shalt  }
0x5f: {  	_ =	shalt  }
0x60: {  	_ =	shalt  }
0x61: {  	_ =	shalt  }
0x62: {  	_ =	shalt  }
0x63: {  	_ =	shalt  }
0x64: {  	_ =	shalt  }
0x65: {  	_ =	shalt  }
0x66: {  	_ =	shalt  }
0x67: {  	_ =	shalt  }
0x68: {  	_ =	shalt  }
0x69: {  	_ =	shalt  }
0x6a: {  	_ =	shalt  }
0x6b: {  	_ =	shalt  }
0x6c: {  	_ =	shalt  }
0x6d: {  	_ =	shalt  }
0x6e: {  	_ =	shalt  }
0x6f: {  	_ =	shalt  }
0x70: {  	_ =	shalt  }
0x71: {  	_ =	shalt  }
0x72: {  	_ =	shalt  }
0x73: {  	_ =	shalt  }
0x74: {  	_ =	shalt  }
0x75: {  	_ =	shalt  }
0x76: {  	_ =	shalt  }
0x77: {  	_ =	shalt  }
0x78: {  	_ =	shalt  }
0x79: {  	_ =	shalt  }
0x7a: {  	_ =	shalt  }
0x7b: {  	_ =	shalt  }
0x7c: {  	_ =	shalt  }
0x7d: {  	_ =	shalt  }
0x7e: {  	_ =	shalt  }
0x7f: {  	_ =	shalt  }
0x80: {  	_ =	shalt  }
0x81: {  	_ =	shalt  }
0x82: {  	_ =	shalt  }
0x83: {  	_ =	shalt  }
0x84: {  	_ =	shalt  }
0x85: {  	_ =	shalt  }
0x86: {  	_ =	shalt  }
0x87: {  	_ =	shalt  }
.Lfunc_end0:
.L_simem_size_0:
called_computation_lowered:
.L_overlay_start_0:
0x88: {  	s2 =	sld [smem:$0x3FD9]  }
0x89: {  	s3 =	sld [smem:$0x3FFE];
	_ =	sdelay $0x1  }
0x8a: {  	s1 =	srdreg.scid  }
0x8b: {  	s0 =	sand.u32 $0x1, s1  }
0x8c: {  	s17 =	sshll.u32 s0, $0xA;
	s2 =	sadd.s32 s3, s2  }
0x8d: {  	s2 =	sadd.s32 s2, s17  }
0x8e: {  	[smem:$0x3FBC] =	sst s2  }
0x8f: {  	_ = 	snop  }
0x90: {  	s2 =	sld [smem:$0x3FD0];
	(tm) =	ssettm $0x1  }
0x91: {  	s18 =	sld [smem:$0x3FFB];
	_ =	sdelay $0x3  }
0x92: {  	_ =	strace s18  }
0x93: {  	s3 =	sld [smem:$0x3FFC];
	_ =	sdelay $0x3  }
0x94: {  	_ =	strace s3  }
0x95: {  	s3 =	sld [smem:$0x3FFD];
	_ =	sdelay $0x3  }
0x96: {  	_ =	strace s3  }
0x97: {  	_ =	strace $0x8FFFFFFF  }
0x98: {  	s19 =	sld [smem:$0x3FDB];
	_ =	sdelay $0x1  }
0x99: {  	s4 =	simm.s32 $_scs_section_size  }
0x9a: {  	s5 =	simm.s32 $_size__tile_overlayer_lowered;
	s6 =	simm.s32 $_tile_overlayer_lowered  }
0x9b: {  	s22 =	simm.s32 $0x1BFF;
	s21 =	sshll.u32 s6, $0x1;
	s3 =	sadd.s32 s4, s19  }
0x9c: {  	s7 =	simm.s32 $0x0;
	s20 =	sshll.u32 s5, $0x1;
	s5 =	sadd.s32 s21, s3  }
0x9d: {  	[timem:s7], [sflag:s22] =	dma.local [hbm:s5], s20  }
0x9e: {  	_ =	swait.ge [sflag:s22], s20  }
0x9f: {  	s4 =	ssub.s32 $0x0, s20;
	[sflag:s22] =	ssyncset.done $0x0  }
0xa0: {  	[sflag:s22] =	ssyncadd.s32 s4;
	_ =	sdelay $0x1  }
0xa1: {  	s23 =	simm.s32 $0x1B8B  }
0xa2: {  	_ =	swait.ge [sflag:s23], $0x1  }
0xa3: {  	[sflag:s23] =	ssyncset.done $0x0  }
0xa4: {  	s25 =	simm.s32 $0x1B8E;
	s24 =	sld [smem:$0x3FFE];
	[sflag:s23] =	ssyncadd.s32 $0xFFFFFFFF  }
0xa5: {  	s26 =	simm.s32 $execute0_lowered;
	[smem:$0x3FD2] =	sst s25  }
0xa6: {  	s5 =	sshll.u32 s26, $0x1;
	_ =	strace $0x80000046;
	[dreg:$0x1] =	wrdreg $0xFFFFFFFF  }
0xa7: {  	s28 =	simm.s32 $_size_execute0_lowered;
	s3 =	sadd.s32 s3, s5;
	[dreg:$0x0] =	wrdreg $0x0  }
0xa8: {  	s5 =	sshll.u32 s28, $0x1;
	[dreg:$0x2] =	wrdreg s3  }
0xa9: {  	[dreg:$0x3] =	wrdreg s5  }
0xaa: {  	[dreg:$0x4] =	wrdreg $0xC0  }
0xab: {  	_ =	task [dreg:s7], $0x5FFFF  }
0xac: {  	[dreg:$0x1] =	wrdreg $0xFFFFFFFF  }
0xad: {  	[dreg:$0x0] =	wrdreg $0x60  }
0xae: {  	[dreg:$0x2] =	wrdreg s24  }
0xaf: {  	[dreg:$0x3] =	wrdreg s2  }
0xb0: {  	[dreg:$0x4] =	wrdreg $0x9  }
0xb1: {  	_ =	task.clear_ibuf [dreg:s7], $0x5FFFF;
	_ =	strace $0x90000046  }
0xb2: {  	s29 =	simm.s32 $0x9;
	_ =	strace $0x80000048  }
0xb3: {  	_ =	swait.ge [sflag:s29], $0x1  }
0xb4: {  	[sflag:s29] =	ssyncadd.s32 $0xFFFFFFFF  }
0xb5: {  	_ =	strace $0x90000048  }
0xb6: {  	_ =	sfence  }
0xb7: {  	s30 =	sld [smem:$0x0];
	_ =	sdelay $0x2  }
0xb8: {  	s31 =	sshll.u32 s1, $0xD;
	s1 =	sshrl.u32 s1, $0x2  }
0xb9: {  	s3 =	sand.u32 $0x4000, s31;
	s1 =	sadd.s32 s1, s30  }
0xba: {  	s0 =	sor.u32 s3, s0;
	s1 =	sshll.u32 s1, $0x11  }
0xbb: {  	s0 =	sor.u32 s1, s0  }
0xbc: {  	s0 =	sadd.s32 $0x8F2B, s0  }
0xbd: {  	[sflag:s0] =	ssyncadd.remote.s32 $0x1  }
0xbe: {  	_ =	sfence.sel $0xFFFF  }
0xbf: {  	[dreg:$0x0] =	wrdreg $0xFFFFFFFF;
	(pc) =	sbr.abs _section_cstart, $3  }
0xc0: {  	[dreg:$0x1] =	wrdreg $0xFFFFFFFF  }
0xc1: {  	_ =	task.clear_ibuf [dreg:s7], $0x2FFFF;
	_ =	strace $0x9FFFFFFF  }
0xc2: {  	(tm) =	ssettm $0x7FFFFFFF  }
0xc3: {  	_ =	shalt  }
tec
execute0_lowered:
.L_overlay_start_1:
0x0: {  	(tag) =	ssettag $0x1  }
0x1: {  	s1 =	stileid.u32  }
0x2: {  	p0 =	sgt.u32 s1, $0xB  }
.Ltmp0:
0x3: {  	_ = 	snop;
	(pc) =	sbr.rel @p0 .LBB2_3-.Ltmp0, $4  }
0x4: {  	_ = 	snop  }
0x5: {  	s3 =	simm.s32 $0x0  }
0x6: {  	[smem:$0x7FF] =	sst s3  }
0x7: {  	s0 =	rddreg [dreg:$0x0];
	_ =	strace $0x80000047  }
0x8: {  	s4 =	sadd.s32 $0x1E00, s0;
	s1 =	rddreg [dreg:$0x1]  }
0x9: {  	s20 =	sadd.s32 $0x1F00, s0;
	[dreg:$0x3] =	wrdreg s4  }
0xa: {  	s21 =	sadd.s32 $0x2000, s0;
	[dreg:$0x13] =	wrdreg s20  }
0xb: {  	s22 =	sadd.s32 $0x2100, s0;
	[dreg:$0x14] =	wrdreg s21  }
0xc: {  	s23 =	sadd.s32 $0x2200, s0;
	[dreg:$0x15] =	wrdreg s22  }
0xd: {  	s24 =	sadd.s32 $0x2300, s0;
	[dreg:$0x16] =	wrdreg s23  }
0xe: {  	s25 =	sadd.s32 $0x2400, s0;
	[dreg:$0x17] =	wrdreg s24  }
0xf: {  	s26 =	sadd.s32 $0x2500, s0;
	[dreg:$0x18] =	wrdreg s25  }
0x10: {  	s2 =	sadd.s32 $0x2700, s0;
	[dreg:$0x19] =	wrdreg s26  }
0x11: {  	s5 =	sadd.s32 $0x100, s1;
	[dreg:$0x1b] =	wrdreg s2  }
0x12: {  	s6 =	sadd.s32 $0x200, s1;
	[dreg:$0x4] =	wrdreg s5  }
0x13: {  	s7 =	sadd.s32 $0x300, s1;
	[dreg:$0x5] =	wrdreg s6  }
0x14: {  	s8 =	sadd.s32 $0x400, s1;
	[dreg:$0x6] =	wrdreg s7  }
0x15: {  	s9 =	sadd.s32 $0x500, s1;
	[dreg:$0x7] =	wrdreg s8  }
0x16: {  	s10 =	sadd.s32 $0x600, s1;
	[dreg:$0x8] =	wrdreg s9  }
0x17: {  	s11 =	sadd.s32 $0x700, s1;
	[dreg:$0x9] =	wrdreg s10  }
0x18: {  	s12 =	sadd.s32 $0x800, s1;
	[dreg:$0xa] =	wrdreg s11  }
0x19: {  	s13 =	sadd.s32 $0x900, s1;
	[dreg:$0xb] =	wrdreg s12  }
0x1a: {  	s14 =	sadd.s32 $0xA00, s1;
	[dreg:$0xc] =	wrdreg s13  }
0x1b: {  	s15 =	sadd.s32 $0xB00, s1;
	[dreg:$0xd] =	wrdreg s14  }
0x1c: {  	s16 =	sadd.s32 $0xC00, s1;
	[dreg:$0xe] =	wrdreg s15  }
0x1d: {  	s17 =	sadd.s32 $0xD00, s1;
	[dreg:$0xf] =	wrdreg s16  }
0x1e: {  	s18 =	sadd.s32 $0xE00, s1;
	[dreg:$0x10] =	wrdreg s17  }
0x1f: {  	s19 =	sadd.s32 $0xF00, s1;
	[dreg:$0x11] =	wrdreg s18  }
0x20: {  	s1 =	sadd.s32 $0x2600, s0;
	[dreg:$0x12] =	wrdreg s19  }
0x21: {  	s21 =	simm.s32 $0x2100;
	[dreg:$0x1a] =	wrdreg s1  }
0x22: {  	s28 =	simm.s32 $0xE900;
	s22 =	simm.s32 $0x2900;
	[smem:$0x7F9] =	sst s21  }
0x23: {  	s29 =	simm.s32 $0xF100;
	s23 =	simm.s32 $0x3100;
	[smem:$0x7FA] =	sst s22  }
0x24: {  	s30 =	simm.s32 $0xF900;
	s24 =	simm.s32 $0x3900;
	[smem:$0x7FB] =	sst s23  }
0x25: {  	s31 =	simm.s32 $0x1;
	s25 =	simm.s32 $0x4100;
	[smem:$0x7FC] =	sst s24  }
0x26: {  	s5 =	srdreg.scid;
	s6 =	sadd.s32 $0x2800, s0;
	[smem:$0x7FD] =	sst s25  }
0x27: {  	s7 =	sadd.s32 $0x2900, s0;
	s8 =	stileid.u32;
	[dreg:$0x1c] =	wrdreg s6  }
0x28: {  	s9 =	sadd.s32 $0x2A00, s0;
	s10 =	sadd.s32 $0x2B00, s0;
	[dreg:$0x1d] =	wrdreg s7  }
0x29: {  	s11 =	sadd.s32 $0x2C00, s0;
	s12 =	sadd.s32 $0x2D00, s0;
	[dreg:$0x1e] =	wrdreg s9  }
0x2a: {  	s13 =	sadd.s32 $0x1C00, s0;
	s17 =	simm.s32 $0x900;
	[dreg:$0x1f] =	wrdreg s10  }
0x2b: {  	s18 =	simm.s32 $0x1100;
	s19 =	simm.s32 $0x1900;
	[smem:$0x7F1] =	sst s11  }
0x2c: {  	s21 =	simm.s32 $0xB900;
	s22 =	simm.s32 $0xC100;
	[smem:$0x7F2] =	sst s12  }
0x2d: {  	s23 =	simm.s32 $0xC900;
	s24 =	simm.s32 $0xD100;
	[smem:$0x7F6] =	sst s17  }
0x2e: {  	s25 =	simm.s32 $0xD900;
	s5 =	sand.u32 $0x1, s5;
	[smem:$0x7F7] =	sst s18  }
0x2f: {  	s6 =	sshll.u32 s8, $0x1;
	[smem:$0x7F8] =	sst s19;
	s9 =	simm.s32 $0x5900  }
0x30: {  	s10 =	simm.s32 $0x6100;
	s11 =	simm.s32 $0x6900;
	s12 =	simm.s32 $0x7100  }
0x31: {  	s17 =	simm.s32 $0x9900;
	s18 =	simm.s32 $0xA100;
	s6 =	sor.u32 s5, s6  }
0x32: {  	s19 =	simm.s32 $0xA900;
	s20 =	ssub.s32 $0x2, s5;
	s7 =	sshll.u32 s6, $0xC  }
0x33: {  	s16 =	sshll.u32 s6, $0x4;
	s26 =	sshll.u32 s6, $0x7;
	s5 =	sshrl.u32 s20, $0x1  }
0x34: {  	s6 =	simm.s32 $0x100;
	s7 =	sadd.s32 s7, s0;
	s0 =	sadd.s32 s13, s16  }
0x35: {  	s4 =	ssub.s32 s20, s5;
	s5 =	simm.s32 $0x3;
	s13 =	simm.s32 $0x7900  }
0x36: {  	s16 =	simm.s32 $0x9100;
	s20 =	simm.s32 $0xB100;
	s14 =	sadd.s32 $0x181E00, s7  }
0x37: {  	v1 =	vlaneseq.u32;
	v0 =	vmov s26;
	s26 =	simm.s32 $0xE100;
	s15 =	sadd.s32 $0x199E00, s7;
	[smem:$0x7F5] =	sst s0  }
0x38: {  	v2 =	vshrl.u32 v1, $0x3;
	s4 =	smax.u32 s4, $0x1;
	s0 =	simm.s32 $0x2;
	[smem:$0x7F3] =	sst s14  }
0x39: {  	vm0 =	vmmov $0xffff;
	v1 =	vand.u32 $0x7, v1;
	v2 =	vmul.u32 $0x8, v2;
	[smem:$0x7F4] =	sst s15;
	s14 =	simm.s32 $0x8100;
	s15 =	simm.s32 $0x8900  }
.LBB2_2:
0x3a: {  	s1 =	sld [smem:$0x7F5];
	_ =	sdelay $0x2  }
0x3b: {  	[tilespmem:s3], [sflag:$0x3] =	stream.linear.gather [hbm4b:s1+s3], $0x80, $0x38;
	[tilespmem:$0x10100] =	vst v63  }
0x3c: {  	_ =	swait.ge [sflag:s5], $0x80  }
0x3d: {  	[sflag:s5] =	ssyncset.done $0x0  }
0x3e: {  	[sflag:s5] =	ssyncadd.s32 $0xFFFFFF80  }
0x3f: {  	v3 =	vld [tilespmem:$0x0];
	_ =	sdelay $0x4  }
0x40: {  	v3 =	vadd.s32 v0, v3  }
0x41: {  	[tilespmem:$0x80] =	vst v3  }
0x42: {  	v3 =	vld.msk [tilespmem:$0x80], $0xff;
	_ =	sdelay $0x4  }
0x43: {  	v4 =	vshll.u32 v3, $0x5  }
0x44: {  	v3 =	vand.u32 $0x7, v3;
	v4 =	vand.u32 $0xFFFFFF00, v4  }
0x45: {  	v3 =	vor.u32 v3, v4  }
0x46: {  	v3 =	vperm.xlane v3, v1;
	_ =	sdelay $0x1  }
0x47: {  	v3 =	vadd.s32 v2, v3  }
0x48: {  	s1 =	rddreg [dreg:$0x4]  }
0x49: {  	s2 =	sld [smem:$0x7F6]  }
0x4a: {  	s8 =	sld [smem:$0x7F7]  }
0x4b: {  	s7 =	rddreg [dreg:$0x1]  }
0x4c: {  	[tilespmem:s6], [sflag:$0x1] =	stream.indirect_vreg.gather [hbm4b:s7+s3], $0x80, v3, vm0, $0xb8;
	[tilespmem:$0x10100] =	vst v63  }
0x4d: {  	s7 =	rddreg [dreg:$0x5]  }
0x4e: {  	[tilespmem:s2], [sflag:$0x1] =	stream.indirect_vreg.gather [hbm4b:s1+s3], $0x80, v3, vm0, $0xb8;
	[tilespmem:$0x10100] =	vst v63  }
0x4f: {  	s1 =	rddreg [dreg:$0x6]  }
0x50: {  	s2 =	sld [smem:$0x7F8]  }
0x51: {  	[tilespmem:s8], [sflag:$0x1] =	stream.indirect_vreg.gather [hbm4b:s7+s3], $0x80, v3, vm0, $0xb8;
	[tilespmem:$0x10100] =	vst v63  }
0x52: {  	s7 =	rddreg [dreg:$0x7]  }
0x53: {  	s8 =	sld [smem:$0x7F9]  }
0x54: {  	[tilespmem:s2], [sflag:$0x1] =	stream.indirect_vreg.gather [hbm4b:s1+s3], $0x80, v3, vm0, $0xb8;
	[tilespmem:$0x10100] =	vst v63  }
0x55: {  	s1 =	rddreg [dreg:$0x8]  }
0x56: {  	s2 =	sld [smem:$0x7FA]  }
0x57: {  	[tilespmem:s8], [sflag:$0x1] =	stream.indirect_vreg.gather [hbm4b:s7+s3], $0x80, v3, vm0, $0xb8;
	[tilespmem:$0x10100] =	vst v63  }
0x58: {  	s7 =	rddreg [dreg:$0x9]  }
0x59: {  	s8 =	sld [smem:$0x7FB]  }
0x5a: {  	[tilespmem:s2], [sflag:$0x1] =	stream.indirect_vreg.gather [hbm4b:s1+s3], $0x80, v3, vm0, $0xb8;
	[tilespmem:$0x10100] =	vst v63  }
0x5b: {  	s1 =	rddreg [dreg:$0xa]  }
0x5c: {  	s2 =	sld [smem:$0x7FC]  }
0x5d: {  	[tilespmem:s8], [sflag:$0x1] =	stream.indirect_vreg.gather [hbm4b:s7+s3], $0x80, v3, vm0, $0xb8;
	[tilespmem:$0x10100] =	vst v63  }
0x5e: {  	s8 =	sld [smem:$0x7FD]  }
0x5f: {  	[tilespmem:s2], [sflag:$0x1] =	stream.indirect_vreg.gather [hbm4b:s1+s3], $0x80, v3, vm0, $0xb8;
	[tilespmem:$0x10100] =	vst v63  }
0x60: {  	s7 =	rddreg [dreg:$0xb]  }
0x61: {  	[tilespmem:s8], [sflag:$0x1] =	stream.indirect_vreg.gather [hbm4b:s7+s3], $0x80, v3, vm0, $0xb8;
	[tilespmem:$0x10100] =	vst v63  }
0x62: {  	s1 =	rddreg [dreg:$0xc];
	s8 =	simm.s32 $0x4900  }
0x63: {  	[tilespmem:s8], [sflag:$0x1] =	stream.indirect_vreg.gather [hbm4b:s1+s3], $0x80, v3, vm0, $0xb8;
	[tilespmem:$0x10100] =	vst v63  }
0x64: {  	s2 =	rddreg [dreg:$0xd];
	s8 =	simm.s32 $0x5100  }
0x65: {  	[tilespmem:s8], [sflag:$0x1] =	stream.indirect_vreg.gather [hbm4b:s2+s3], $0x80, v3, vm0, $0xb8;
	[tilespmem:$0x10100] =	vst v63  }
0x66: {  	s1 =	rddreg [dreg:$0xe]  }
0x67: {  	[tilespmem:s9], [sflag:$0x1] =	stream.indirect_vreg.gather [hbm4b:s1+s3], $0x80, v3, vm0, $0xb8;
	[tilespmem:$0x10100] =	vst v63  }
0x68: {  	s7 =	rddreg [dreg:$0xf]  }
0x69: {  	[tilespmem:s10], [sflag:$0x1] =	stream.indirect_vreg.gather [hbm4b:s7+s3], $0x80, v3, vm0, $0xb8;
	[tilespmem:$0x10100] =	vst v63  }
0x6a: {  	s8 =	rddreg [dreg:$0x10]  }
0x6b: {  	[tilespmem:s11], [sflag:$0x1] =	stream.indirect_vreg.gather [hbm4b:s8+s3], $0x80, v3, vm0, $0xb8;
	[tilespmem:$0x10100] =	vst v63  }
0x6c: {  	s7 =	rddreg [dreg:$0x11]  }
0x6d: {  	[tilespmem:s12], [sflag:$0x1] =	stream.indirect_vreg.gather [hbm4b:s7+s3], $0x80, v3, vm0, $0xb8;
	[tilespmem:$0x10100] =	vst v63  }
0x6e: {  	s8 =	rddreg [dreg:$0x12]  }
0x6f: {  	[tilespmem:s13], [sflag:$0x1] =	stream.indirect_vreg.gather [hbm4b:s8+s3], $0x80, v3, vm0, $0xb8;
	[tilespmem:$0x10100] =	vst v63  }
0x70: {  	v3 =	vld.msk [tilespmem:$0x80], $0xff;
	_ =	sdelay $0x4  }
0x71: {  	v63 =	vshll.u32 v3, $0x5  }
0x72: {  	v3 =	vand.u32 $0x7, v3;
	v4 =	vand.u32 $0xFFFFFF00, v63  }
0x73: {  	v3 =	vor.u32 v3, v4  }
0x74: {  	v3 =	vperm.xlane v3, v1;
	_ =	sdelay $0x1  }
0x75: {  	v3 =	vadd.s32 v2, v3;
	_ =	sdelay $0x2  }
0x76: {  	s7 =	rddreg [dreg:$0x3]  }
0x77: {  	s8 =	rddreg [dreg:$0x13]  }
0x78: {  	[tilespmem:s14], [sflag:$0x2] =	stream.indirect_vreg.gather [hbm4b:s7+s3], $0x80, v3, vm0, $0xb8;
	[tilespmem:$0x10100] =	vst v63  }
0x79: {  	s7 =	rddreg [dreg:$0x14]  }
0x7a: {  	[tilespmem:s15], [sflag:$0x2] =	stream.indirect_vreg.gather [hbm4b:s8+s3], $0x80, v3, vm0, $0xb8;
	[tilespmem:$0x10100] =	vst v63  }
0x7b: {  	s8 =	rddreg [dreg:$0x15]  }
0x7c: {  	[tilespmem:s16], [sflag:$0x2] =	stream.indirect_vreg.gather [hbm4b:s7+s3], $0x80, v3, vm0, $0xb8;
	[tilespmem:$0x10100] =	vst v63  }
0x7d: {  	s7 =	rddreg [dreg:$0x16]  }
0x7e: {  	[tilespmem:s17], [sflag:$0x2] =	stream.indirect_vreg.gather [hbm4b:s8+s3], $0x80, v3, vm0, $0xb8;
	[tilespmem:$0x10100] =	vst v63  }
0x7f: {  	s8 =	rddreg [dreg:$0x17]  }
0x80: {  	[tilespmem:s18], [sflag:$0x2] =	stream.indirect_vreg.gather [hbm4b:s7+s3], $0x80, v3, vm0, $0xb8;
	[tilespmem:$0x10100] =	vst v63  }
0x81: {  	s7 =	rddreg [dreg:$0x18]  }
0x82: {  	[tilespmem:s19], [sflag:$0x2] =	stream.indirect_vreg.gather [hbm4b:s8+s3], $0x80, v3, vm0, $0xb8;
	[tilespmem:$0x10100] =	vst v63  }
0x83: {  	s8 =	rddreg [dreg:$0x19]  }
0x84: {  	[tilespmem:s20], [sflag:$0x2] =	stream.indirect_vreg.gather [hbm4b:s7+s3], $0x80, v3, vm0, $0xb8;
	[tilespmem:$0x10100] =	vst v63  }
0x85: {  	s7 =	rddreg [dreg:$0x1a]  }
0x86: {  	[tilespmem:s21], [sflag:$0x2] =	stream.indirect_vreg.gather [hbm4b:s8+s3], $0x80, v3, vm0, $0xb8;
	[tilespmem:$0x10100] =	vst v63  }
0x87: {  	s8 =	rddreg [dreg:$0x1b]  }
0x88: {  	[tilespmem:s22], [sflag:$0x2] =	stream.indirect_vreg.gather [hbm4b:s7+s3], $0x80, v3, vm0, $0xb8;
	[tilespmem:$0x10100] =	vst v63  }
0x89: {  	s7 =	rddreg [dreg:$0x1c]  }
0x8a: {  	[tilespmem:s23], [sflag:$0x2] =	stream.indirect_vreg.gather [hbm4b:s8+s3], $0x80, v3, vm0, $0xb8;
	[tilespmem:$0x10100] =	vst v63  }
0x8b: {  	s8 =	rddreg [dreg:$0x1d]  }
0x8c: {  	[tilespmem:s24], [sflag:$0x2] =	stream.indirect_vreg.gather [hbm4b:s7+s3], $0x80, v3, vm0, $0xb8;
	[tilespmem:$0x10100] =	vst v63  }
0x8d: {  	s7 =	rddreg [dreg:$0x1e]  }
0x8e: {  	[tilespmem:s25], [sflag:$0x2] =	stream.indirect_vreg.gather [hbm4b:s8+s3], $0x80, v3, vm0, $0xb8;
	[tilespmem:$0x10100] =	vst v63  }
0x8f: {  	s8 =	rddreg [dreg:$0x1f]  }
0x90: {  	[tilespmem:s26], [sflag:$0x2] =	stream.indirect_vreg.gather [hbm4b:s7+s3], $0x80, v3, vm0, $0xb8;
	[tilespmem:$0x10100] =	vst v63  }
0x91: {  	s7 =	sld [smem:$0x7F1]  }
0x92: {  	[tilespmem:s28], [sflag:$0x2] =	stream.indirect_vreg.gather [hbm4b:s8+s3], $0x80, v3, vm0, $0xb8;
	[tilespmem:$0x10100] =	vst v63  }
0x93: {  	s8 =	sld [smem:$0x7F2]  }
0x94: {  	[tilespmem:s29], [sflag:$0x2] =	stream.indirect_vreg.gather [hbm4b:s7+s3], $0x80, v3, vm0, $0xb8;
	[tilespmem:$0x10100] =	vst v63  }
0x95: {  	_ = 	snop  }
0x96: {  	[tilespmem:s30], [sflag:$0x2] =	stream.indirect_vreg.gather [hbm4b:s8+s3], $0x80, v3, vm0, $0xb8;
	[tilespmem:$0x10100] =	vst v63  }
0x97: {  	_ =	swait.ge [sflag:s31], $0x8000  }
0x98: {  	[sflag:s31] =	ssyncset.done $0x0  }
0x99: {  	[sflag:s31] =	ssyncadd.s32 $0xFFFF8000  }
0x9a: {  	_ =	swait.ge [sflag:s0], $0x8000  }
0x9b: {  	s7 =	sld [smem:$0x7F3]  }
0x9c: {  	[sflag:s0] =	ssyncset.done $0x0  }
0x9d: {  	[sflag:s0] =	ssyncadd.s32 $0xFFFF8000  }
0x9e: {  	[hbm4b:s7+s3] =	stream.linear.scatter [tilespmem:s6], [sflag:$0x3], $0x8000, $0x38;
	[tilespmem:$0x10100] =	vst v63  }
0x9f: {  	_ =	swait.ge [sflag:s5], $0x8000  }
0xa0: {  	s8 =	sld [smem:$0x7F4]  }
0xa1: {  	p0 =	sne.s32 s4, $0x1;
	[sflag:s5] =	ssyncset.done $0x0  }
.Ltmp1:
0xa2: {  	[sflag:s5] =	ssyncadd.s32 $0xFFFF8000;
	(pc) =	sbr.rel @p0 .LBB2_2-.Ltmp1, $4  }
0xa3: {  	[hbm4b:s8+s3] =	stream.linear.scatter [tilespmem:s14], [sflag:$0x3], $0x8000, $0x38;
	[tilespmem:$0x10100] =	vst v63  }
0xa4: {  	_ =	swait.ge [sflag:s5], $0x8000  }
0xa5: {  	[sflag:s5] =	ssyncset.done $0x0  }
0xa6: {  	s4 =	sadd.s32 $0xFFFFFFFF, s4;
	[sflag:s5] =	ssyncadd.s32 $0xFFFF8000  }
.LBB2_3:
0xa7: {  	_ =	sfence.sel $0x180000  }
0xa8: {  	[bflag:$0x0] =	sbarrier.arrive $0xFFFF  }
0xa9: {  	_ =	strace $0x90000047  }
0xaa: {  	s0 =	stileid.u32;
	[bflag:$0x2] =	sbarrier.arrive $0xFFFF  }
0xab: {  	p0 =	sne.s32 s0, $0x0;
	s0 =	rddreg [dreg:$0x2]  }
0xac: {  	s0 =	sadd.s32 @!p0 $0x100000, s0  }
0xad: {  	[sflag:s0] =	ssyncadd.tile.s32 @!p0 $0x1;
	_ =	shalt  }
.Lfunc_end2:
_tile_overlayer_lowered:
.L_overlay_start_2:
0xae: {  	(tag) =	ssettag $0x2  }
0xaf: {  	s0 =	rddreg [dreg:$0x0];
	s2 =	stileid.u32  }
0xb0: {  	s1 =	rddreg [dreg:$0x1];
	p0 =	sne.s32 s2, $0x0  }
0xb1: {  	s3 =	rddreg [dreg:$0x2];
	[bflag:$0x3] =	sbarrier.arrive $0xFFFF;
	s2 =	simm.s32 @!p0 $0x1C03  }
0xb2: {  	[timem:s3], [sflag:s2] =	dma.local @!p0 [hbm:s0], s1  }
0xb3: {  	s0 =	simm.s32 @!p0 $0x3  }
0xb4: {  	_ =	swait.ge @!p0 [sflag:s0], s1  }
0xb5: {  	s1 =	ssub.s32 @!p0 $0x0, s1;
	[sflag:s0] =	ssyncset.done @!p0 $0x0  }
0xb6: {  	[sflag:s0] =	ssyncadd.s32 @!p0 s1  }
0xb7: {  	[bflag:$0x3] =	sbarrier.arrive $0xFFFF  }
0xb8: {  	_ =	shalt  }

</sc_bundles>
